<compile_context>
chip_gen: v7x
topology: tpu7x:2x2x1
jax: 0.10.2.dev20260603
libtpu: 0.0.44.dev20260713+nightly
codegen_flags: <defaults>
</compile_context>

<pallas_src>
import functools
import jax
import jax.numpy as jnp
import numpy as np
from jax.experimental import pallas as pl
from jax.experimental.pallas import tpu as pltpu
from jax.experimental.pallas import tpu_sc as plsc

_N_NODES = 10000
_E_EDGES = 160000
_D_NODE = 128
_D_EDGE = 16
_IN_CH = _D_NODE + _D_EDGE
_HID = 128
_OUT = 128
_EPS = 1e-5
_PCAP = 24 * _E_EDGES

_TILE_E = 640

_NW = 32
_SLAB = 24576
_NSTARTS = 10112


def _sget(ref, i):
    return ref[pl.ds(i, 16)][0]


def _pair_softmax_weights(a_s_pad, a_d_pad, starts_pad, meta):
    mesh = plsc.VectorSubcoreMesh(core_axis_name="c", subcore_axis_name="s")

    @functools.partial(
        pl.kernel, mesh=mesh,
        out_type=jax.ShapeDtypeStruct((_NW, _SLAB), jnp.float32),
        compiler_params=pltpu.CompilerParams(needs_layout_passes=False),
        scratch_types=[
            pltpu.VMEM((16,), jnp.int32),
            pltpu.VMEM((_NSTARTS,), jnp.int32),
            pltpu.VMEM((_SLAB + 128,), jnp.float32),
            pltpu.VMEM((_SLAB + 128,), jnp.float32),
            pltpu.VMEM((_SLAB,), jnp.float32),
        ],
    )
    def k(as_hbm, ad_hbm, starts_hbm, meta_hbm, w_hbm,
          meta_v, starts_v, as_v, ad_v, w_v):
        wid = jax.lax.axis_index("s") * 2 + jax.lax.axis_index("c")
        pltpu.sync_copy(meta_hbm.at[wid], meta_v)
        mv = meta_v[...]
        slab0 = pl.multiple_of(mv[0], 8)
        g0 = mv[3]
        g1 = mv[4]
        pltpu.sync_copy(starts_hbm, starts_v)
        pltpu.sync_copy(as_hbm.at[pl.ds(slab0, _SLAB)], as_v.at[pl.ds(0, _SLAB)])
        pltpu.sync_copy(ad_hbm.at[pl.ds(slab0, _SLAB)], ad_v.at[pl.ds(0, _SLAB)])

        lane = jax.lax.iota(jnp.int32, 16)
        zeros16 = jnp.zeros((16,), jnp.float32)

        def zero_body(kk, _):
            w_v[pl.ds(kk * 16, 16)] = zeros16
            return 0
        jax.lax.fori_loop(0, _SLAB // 16, zero_body, 0)

        def group_body(g, _):
            s = _sget(starts_v, g)
            s_next = _sget(starts_v, g + 1)
            c = s_next - s
            b = s - slab0
            hi = jnp.minimum(b + c - 1, _SLAB - 1)
            n_i = (c + 15) // 16

            def gather_as(i):
                idx = b + i * 16 + lane
                msk = idx <= hi
                v = plsc.load_gather(as_v, [jnp.minimum(idx, hi)])
                return idx, msk, v

            def amax_body(i, acc):
                _, msk, v = gather_as(i)
                return jnp.maximum(acc, jnp.max(jnp.where(msk, v, -3e38)))
            a_max = jax.lax.fori_loop(0, n_i, amax_body, jnp.float32(-3e38))

            def j_body(jj, _):
                bj = jnp.minimum(b + jj, _SLAB - 1)
                a_dj = _sget(ad_v, bj)
                x_m = a_max + a_dj
                m_j = jnp.where(x_m > 0, x_m, 0.2 * x_m)

                def den_body(i, acc):
                    _, msk, v = gather_as(i)
                    x = v + a_dj
                    t = jnp.exp(jnp.where(x > 0, x, 0.2 * x) - m_j)
                    return acc + jnp.sum(jnp.where(msk, t, 0.0), axis=0)
                den = jax.lax.fori_loop(0, n_i, den_body, jnp.float32(0.0))
                den_v = jnp.full((16,), den, jnp.float32)

                def w_body(i, _):
                    idx, msk, v = gather_as(i)
                    x = v + a_dj
                    t = jnp.exp(jnp.where(x > 0, x, 0.2 * x) - m_j) / den_v
                    idxc = jnp.minimum(idx, hi)
                    wv = plsc.load_gather(w_v, [idxc])
                    plsc.store_scatter(w_v, [idxc], wv + t, mask=msk)
                    return 0
                jax.lax.fori_loop(0, n_i, w_body, 0)
                return 0
            jax.lax.fori_loop(0, c, j_body, 0)
            return 0

        jax.lax.fori_loop(g0, g1, group_body, 0)
        pltpu.sync_copy(w_v, w_hbm.at[wid])

    return k(a_s_pad, a_d_pad, starts_pad, meta)


def _stats_kernel(h0_ref, m2_ref, mu_ref):
    i = pl.program_id(0)
    h0 = h0_ref[...]
    m2 = jnp.dot(h0.T, h0, preferred_element_type=jnp.float32)
    mu = jnp.broadcast_to(jnp.sum(h0, axis=0, keepdims=True), (8, _IN_CH))

    @pl.when(i == 0)
    def _():
        m2_ref[...] = m2
        mu_ref[...] = mu

    @pl.when(i != 0)
    def _():
        m2_ref[...] += m2
        mu_ref[...] += mu


def _stats_pass(h0):
    n_tiles = _E_EDGES // _TILE_E
    return pl.pallas_call(
        _stats_kernel,
        grid=(n_tiles,),
        in_specs=[pl.BlockSpec((_TILE_E, _IN_CH), lambda i: (i, 0))],
        out_specs=[
            pl.BlockSpec((_IN_CH, _IN_CH), lambda i: (0, 0)),
            pl.BlockSpec((8, _IN_CH), lambda i: (0, 0)),
        ],
        out_shape=[
            jax.ShapeDtypeStruct((_IN_CH, _IN_CH), jnp.float32),
            jax.ShapeDtypeStruct((8, _IN_CH), jnp.float32),
        ],
    )(h0)


def _dense_edge_kernel(h0_ref, w1_ref, beff_ref, s1_ref, b1_ref,
                       vs_ref, vd_ref, h1_ref, as_ref, ad_ref):
    h0 = h0_ref[...]
    h = jnp.dot(h0, w1_ref[...], preferred_element_type=jnp.float32)
    h = h + beff_ref[...]
    h1 = jnp.maximum(h * s1_ref[...] + b1_ref[...], 0.0)
    h1_ref[...] = h1
    as_ref[...] = jnp.dot(h1, vs_ref[...], preferred_element_type=jnp.float32)
    ad_ref[...] = jnp.dot(h1, vd_ref[...], preferred_element_type=jnp.float32)


def _dense_edge_pass(h0, W1eff, beff, s1, b1p, v_s, v_d):
    n_tiles = _E_EDGES // _TILE_E
    return pl.pallas_call(
        _dense_edge_kernel,
        grid=(n_tiles,),
        in_specs=[
            pl.BlockSpec((_TILE_E, _IN_CH), lambda i: (i, 0)),
            pl.BlockSpec((_IN_CH, _HID), lambda i: (0, 0)),
            pl.BlockSpec((1, _HID), lambda i: (0, 0)),
            pl.BlockSpec((1, _HID), lambda i: (0, 0)),
            pl.BlockSpec((1, _HID), lambda i: (0, 0)),
            pl.BlockSpec((_HID, 128), lambda i: (0, 0)),
            pl.BlockSpec((_HID, 128), lambda i: (0, 0)),
        ],
        out_specs=[
            pl.BlockSpec((_TILE_E, _HID), lambda i: (i, 0)),
            pl.BlockSpec((_TILE_E, 128), lambda i: (i, 0)),
            pl.BlockSpec((_TILE_E, 128), lambda i: (i, 0)),
        ],
        out_shape=[
            jax.ShapeDtypeStruct((_E_EDGES, _HID), jnp.float32),
            jax.ShapeDtypeStruct((_E_EDGES, 128), jnp.float32),
            jax.ShapeDtypeStruct((_E_EDGES, 128), jnp.float32),
        ],
    )(h0, W1eff, beff, s1, b1p, v_s, v_d)


def kernel(node_attr, edge_attr, gamma0, beta0, W1, gamma1, beta1, Wg,
           att_src, att_dst, bias_g, gamma2, beta2, edge_index):
    idx_r = edge_index[0].astype(jnp.int32)
    E = _E_EDGES
    N = _N_NODES

    g_sorted, order = jax.lax.sort(
        (idx_r, jnp.arange(E, dtype=jnp.int32)), num_keys=1)
    cf = jax.ops.segment_sum(jnp.ones((E,), jnp.float32), idx_r,
                             num_segments=N)
    counts = cf.astype(jnp.int32)
    starts = jnp.concatenate([jnp.zeros((1,), jnp.int32),
                              jnp.cumsum(counts)]).astype(jnp.int32)

    h0 = jnp.concatenate([jnp.take(node_attr, g_sorted, axis=0),
                          jnp.take(edge_attr, order, axis=0)], axis=1)
    M2s, mus = _stats_pass(h0)
    mu0 = mus[0] / E
    M2 = M2s / E
    var0 = jnp.diagonal(M2) - mu0 * mu0
    s0 = gamma0 / jnp.sqrt(var0 + _EPS)
    W1eff = W1 * s0[:, None]
    beff = (beta0 - mu0 * s0) @ W1
    mu1 = mu0 @ W1eff + beff
    ex2_1 = jnp.einsum('ij,ik,kj->j', W1eff, M2, W1eff) \
        + 2.0 * beff * (mu0 @ W1eff) + beff * beff
    var1 = ex2_1 - mu1 * mu1
    s1 = gamma1 / jnp.sqrt(var1 + _EPS)
    b1p = beta1 - mu1 * s1

    v_s = Wg @ att_src
    v_d = Wg @ att_dst

    h1, a_s2, a_d2 = _dense_edge_pass(
        h0, W1eff, beff[None, :], s1[None, :], b1p[None, :],
        jnp.tile(v_s[:, None], (1, 128)), jnp.tile(v_d[:, None], (1, 128)))
    a_s = a_s2[:, 0]
    a_d = a_d2[:, 0]

    c2 = counts.astype(jnp.int64) * counts.astype(jnp.int64)
    cum = jnp.cumsum(c2)
    total2 = cum[-1]
    tw = (jnp.arange(1, _NW, dtype=jnp.int64) * total2) // _NW
    gb = jnp.concatenate([
        jnp.zeros((1,), jnp.int32),
        jnp.searchsorted(cum, tw, side='left').astype(jnp.int32) + 1,
        jnp.full((1,), N, jnp.int32)])
    gb = jnp.minimum(gb, N)
    e_bounds = starts[gb]
    slab0 = (e_bounds[:-1] // 8) * 8
    meta = jnp.zeros((_NW, 16), jnp.int32)
    meta = meta.at[:, 0].set(slab0)
    meta = meta.at[:, 1].set(e_bounds[:-1])
    meta = meta.at[:, 2].set(e_bounds[1:])
    meta = meta.at[:, 3].set(gb[:-1])
    meta = meta.at[:, 4].set(gb[1:])

    a_s_pad = jnp.concatenate([a_s, jnp.zeros((_SLAB,), jnp.float32)])
    a_d_pad = jnp.concatenate([a_d, jnp.zeros((_SLAB,), jnp.float32)])
    starts_pad = jnp.concatenate(
        [starts, jnp.full((_NSTARTS - N - 1,), E, jnp.int32)])

    w_slabs = _pair_softmax_weights(a_s_pad, a_d_pad, starts_pad, meta)

    t_all = jnp.arange(E, dtype=jnp.int32)
    inb = (t_all[:, None] >= e_bounds[None, :-1]) \
        & (t_all[:, None] < e_bounds[None, 1:])
    w_of_t = jnp.sum(inb * jnp.arange(_NW, dtype=jnp.int32)[None, :], axis=1)
    slab0_of_t = jnp.sum(inb * slab0[None, :], axis=1)
    flat_idx = w_of_t * _SLAB + (t_all - slab0_of_t)
    w_sorted = w_slabs.reshape(-1)[flat_idx]

    Z = jax.ops.segment_sum(w_sorted[:, None] * h1, g_sorted,
                            num_segments=N)
    h3 = Z @ Wg + cf[:, None] * bias_g[None, :]
    mu3 = jnp.mean(h3, axis=0)
    var3 = jnp.mean((h3 - mu3) ** 2, axis=0)
    return (h3 - mu3) / jnp.sqrt(var3 + _EPS) * gamma2 + beta2

# --- scband reference (transcript-rebuilt; emitter-appended) ---
"""Pipeline reference for scband-attrs-encoder-layers-3418793968057 (READ-ONLY COPY).

The authoritative reference and input builder live on the scoring server;
editing this copy changes nothing except your own understanding.
"""

import jax, jax.numpy as jnp
import numpy as np

N_NODES = 10000
E_EDGES = 160000
D_NODE = 128
D_EDGE = 16
IN_CH = D_NODE + D_EDGE
HID = 128
OUT = 128
EPS = 1e-5
P_CAP = 24 * E_EDGES


def _two_step_pairs(index_r, num_nodes):
    # All ordered pairs (i, j), i != j, of edge ids sharing the same source node.
    # This reproduces two_step_index: bipartite (edge-id <-> shifted source node)
    # graph, 2-hop composition, keep columns where both endpoints are edge ids,
    # self loops removed inside hop().
    index_r = np.asarray(index_r, dtype=np.int64)
    order = np.argsort(index_r, kind='stable')
    counts = np.bincount(index_r, minlength=num_nodes).astype(np.int64)
    starts = np.cumsum(counts) - counts
    pc = counts ** 2
    P = int(pc.sum())
    grp = np.repeat(np.arange(num_nodes, dtype=np.int64), pc)
    pstart = np.cumsum(pc) - pc
    pos = np.arange(P, dtype=np.int64) - pstart[grp]
    c = counts[grp]
    src = order[starts[grp] + pos // c]
    dst = order[starts[grp] + pos % c]
    mask = src != dst
    return src[mask].astype(np.int32), dst[mask].astype(np.int32)


def _two_step_pairs_padded(index_r, num_nodes):
    # All ordered pairs (i, j), i != j, of edge ids sharing the same source node,
    # enumerated into P_CAP fixed slots with a validity mask; slot order matches
    # the pre-mask pair layout of _two_step_pairs, with diagonal/overflow slots
    # flagged invalid instead of compacted away.
    E = index_r.shape[0]
    index_r = index_r.astype(jnp.int32)
    order = jnp.argsort(index_r, stable=True).astype(jnp.int32)
    counts = jnp.zeros((num_nodes,), jnp.int32).at[index_r].add(1)
    starts = jnp.cumsum(counts) - counts
    pc = counts * counts
    cpc = jnp.cumsum(pc)
    total = cpc[-1]
    p = jnp.arange(P_CAP, dtype=jnp.int32)
    grp = jnp.clip(jnp.searchsorted(cpc, p, side='right'), 0, num_nodes - 1)
    pos = p - (cpc[grp] - pc[grp])
    c = jnp.maximum(counts[grp], 1)
    base = starts[grp]
    src = order[jnp.clip(base + pos // c, 0, E - 1)]
    dst = order[jnp.clip(base + pos % c, 0, E - 1)]
    valid = (p < total) & (src != dst)
    return src, dst, valid


def _bn(x, g, b):
    # BatchNorm1d in training mode: batch statistics, biased variance
    mu = jnp.mean(x, axis=0)
    var = jnp.mean((x - mu) ** 2, axis=0)
    return (x - mu) / jnp.sqrt(var + EPS) * g + b


def setup_inputs(seed: int = 0) -> dict:
    key = jax.random.key(seed)
    ks = jax.random.split(key, 8)
    node_attr = jax.random.normal(ks[0], (N_NODES, D_NODE), dtype=jnp.float32)
    edge_attr = jax.random.normal(ks[1], (E_EDGES, D_EDGE), dtype=jnp.float32)
    edge_index = jax.random.randint(ks[2], (2, E_EDGES), 0, N_NODES, dtype=jnp.int32)
    # linear encoder params
    gamma0 = jnp.ones((IN_CH,), jnp.float32)
    beta0 = jnp.zeros((IN_CH,), jnp.float32)
    W1 = jax.random.normal(ks[3], (IN_CH, HID), jnp.float32) * np.sqrt(2.0 / (IN_CH + HID))
    gamma1 = jnp.ones((HID,), jnp.float32)
    beta1 = jnp.zeros((HID,), jnp.float32)
    # GATConv params (heads=1)
    Wg = jax.random.normal(ks[4], (HID, OUT), jnp.float32) * np.sqrt(2.0 / (HID + OUT))
    att_src = jax.random.normal(ks[5], (OUT,), jnp.float32) * 0.1
    att_dst = jax.random.normal(ks[6], (OUT,), jnp.float32) * 0.1
    bias_g = jnp.zeros((OUT,), jnp.float32)
    # final batchnorm
    gamma2 = jnp.ones((OUT,), jnp.float32)
    beta2 = jnp.zeros((OUT,), jnp.float32)
    return {"node_attr": node_attr, "edge_attr": edge_attr,
            "gamma0": gamma0, "beta0": beta0, "W1": W1,
            "gamma1": gamma1, "beta1": beta1,
            "Wg": Wg, "att_src": att_src, "att_dst": att_dst, "bias_g": bias_g,
            "gamma2": gamma2, "beta2": beta2,
            "edge_index": edge_index}


def reference(node_attr, edge_attr, gamma0, beta0, W1, gamma1, beta1,
              Wg, att_src, att_dst, bias_g, gamma2, beta2, edge_index):
    idx_r = edge_index[0].astype(jnp.int32)
    E = idx_r.shape[0]
    src2, dst2, pvalid = _two_step_pairs_padded(idx_r, N_NODES)
    loops = jnp.arange(E, dtype=jnp.int32)  # GATConv add_self_loops=True
    srcs = jnp.concatenate([src2, loops])
    dsts = jnp.concatenate([dst2, loops])
    valid = jnp.concatenate([pvalid, jnp.ones((E,), bool)])

    # h0 = cat(node_attr[index_r], edge_attr)
    h0 = jnp.concatenate([jnp.take(node_attr, idx_r, axis=0), edge_attr], axis=1)
    # linear encoder: BN -> Linear(no bias) -> BN -> ReLU -> Dropout(p=0)
    h = _bn(h0, gamma0, beta0)
    h = h @ W1
    h = _bn(h, gamma1, beta1)
    h1 = jax.nn.relu(h)
    # GATConv(heads=1, negative_slope=0.2, dropout=0)
    xw = h1 @ Wg
    a_s = xw @ att_src
    a_d = xw @ att_dst
    e_raw = jax.nn.leaky_relu(a_s[srcs] + a_d[dsts], 0.2)
    m = jax.ops.segment_max(jnp.where(valid, e_raw, -jnp.inf), dsts, num_segments=E)
    e = jnp.where(valid, jnp.exp(e_raw - m[dsts]), 0.0)
    den = jax.ops.segment_sum(e, dsts, num_segments=E)
    alpha = e / den[dsts]
    h2 = jax.ops.segment_sum(alpha[:, None] * jnp.take(xw, srcs, axis=0), dsts,
                             num_segments=E) + bias_g
    # global_add_pool over source node ids
    h3 = jax.ops.segment_sum(h2, idx_r, num_segments=N_NODES)
    return _bn(h3, gamma2, beta2)

if __name__ == "__main__":
    import jax
    _d = setup_inputs()
    print(jax.jit(kernel)(*tuple(_d.values())))

</pallas_src>

<mosaic_0001>
#map = affine_map<(d0, d1) -> (0)>
#map1 = affine_map<(d0, d1) -> (0, 0)>
module attributes {stable_mosaic.version = 14 : i64} {
  func.func @k(%arg0: i32, %arg1: i32, %arg2: memref<184576xf32, #tpu.memory_space<hbm>>, %arg3: memref<184576xf32, #tpu.memory_space<hbm>>, %arg4: memref<10112xi32, #tpu.memory_space<hbm>>, %arg5: memref<32x16xi32, #tpu.memory_space<hbm>>, %arg6: memref<32x24576xf32, #tpu.memory_space<hbm>>, %arg7: memref<16xi32, #tpu.memory_space<vmem>>, %arg8: memref<10112xi32, #tpu.memory_space<vmem>>, %arg9: memref<24704xf32, #tpu.memory_space<vmem>>, %arg10: memref<24704xf32, #tpu.memory_space<vmem>>, %arg11: memref<24576xf32, #tpu.memory_space<vmem>>) attributes {dimension_semantics = [#tpu.dimension_semantics<core_parallel>, #tpu.dimension_semantics<subcore_parallel>], iteration_bounds = array<i64: 2, 16>, scalar_prefetch = 0 : i64, scratch_operands = 5 : i64, tpu.core_type = #tpu.core_type<sc_vector_subcore>, window_params = [{transform_indices = #map}, {transform_indices = #map}, {transform_indices = #map}, {transform_indices = #map1}, {transform_indices = #map1}]} {
    %mul3A = arith.constant 2 : i32
    %mul3A_0 = arith.muli %arg1, %mul3A : i32
    %add3A = arith.addi %mul3A_0, %arg0 : i32
    "tpu.region"() ({
      %run_scoped3A = tpu.sem_alloc : memref<!tpu.dma_semaphore, #tpu.memory_space<semaphore_mem>>
      %dma_start3A = arith.constant 0 : i32
      %dma_start3A_23 = tpu.memref_slice %arg5[%add3A, %dma_start3A] : memref<32x16xi32, #tpu.memory_space<hbm>> -> memref<1x16xi32, #tpu.memory_space<hbm>>
      %dma_start3A_24 = tpu.memref_squeeze %dma_start3A_23 : memref<1x16xi32, #tpu.memory_space<hbm>> -> memref<16xi32, #tpu.memory_space<hbm>>
      %dma_start3A_25 = arith.constant 0 : i32
      %dma_start3A_26 = tpu.memref_slice %arg5[%add3A, %dma_start3A_25] : memref<32x16xi32, #tpu.memory_space<hbm>> -> memref<1x16xi32, #tpu.memory_space<hbm>>
      %dma_start3A_27 = tpu.memref_squeeze %dma_start3A_26 : memref<1x16xi32, #tpu.memory_space<hbm>> -> memref<16xi32, #tpu.memory_space<hbm>>
      tpu.enqueue_dma source(%dma_start3A_27 : memref<16xi32, #tpu.memory_space<hbm>>) target(%arg7 : memref<16xi32, #tpu.memory_space<vmem>>) target_semaphore(%run_scoped3A : memref<!tpu.dma_semaphore, #tpu.memory_space<semaphore_mem>>)
      %dma_wait3A = arith.constant 0 : i32
      %dma_wait3A_28 = tpu.memref_slice %arg5[%add3A, %dma_wait3A] : memref<32x16xi32, #tpu.memory_space<hbm>> -> memref<1x16xi32, #tpu.memory_space<hbm>>
      %dma_wait3A_29 = tpu.memref_squeeze %dma_wait3A_28 : memref<1x16xi32, #tpu.memory_space<hbm>> -> memref<16xi32, #tpu.memory_space<hbm>>
      %dma_wait3A_30 = arith.constant 0 : i32
      %dma_wait3A_31 = tpu.memref_slice %arg5[%add3A, %dma_wait3A_30] : memref<32x16xi32, #tpu.memory_space<hbm>> -> memref<1x16xi32, #tpu.memory_space<hbm>>
      %dma_wait3A_32 = tpu.memref_squeeze %dma_wait3A_31 : memref<1x16xi32, #tpu.memory_space<hbm>> -> memref<16xi32, #tpu.memory_space<hbm>>
      tpu.wait_dma2 semaphore(%run_scoped3A : memref<!tpu.dma_semaphore, #tpu.memory_space<semaphore_mem>>) src(%dma_wait3A_32 : memref<16xi32, #tpu.memory_space<hbm>>) dst(%arg7 : memref<16xi32, #tpu.memory_space<vmem>>)
      tpu.yield
    }) : () -> ()
    %get3A = arith.constant 0 : index
    %get3A_1 = tpu.vector_load %arg7[%get3A] {strides = array<i32>} : memref<16xi32, #tpu.memory_space<vmem>>, vector<16xi32>,
    %slice3A = vector.extract_strided_slice %get3A_1 {offsets = [0], sizes = [1], strides = [1]} : vector<16xi32> to vector<1xi32>
    %squeeze3A = vector.extract %slice3A[0] : i32 from vector<1xi32>
    %multiple_of3A = tpu.assume_multiple %squeeze3A, 8 : i32
    %slice3A_2 = vector.extract_strided_slice %get3A_1 {offsets = [3], sizes = [1], strides = [1]} : vector<16xi32> to vector<1xi32>
    %squeeze3A_3 = vector.extract %slice3A_2[0] : i32 from vector<1xi32>
    %slice3A_4 = vector.extract_strided_slice %get3A_1 {offsets = [4], sizes = [1], strides = [1]} : vector<16xi32> to vector<1xi32>
    %squeeze3A_5 = vector.extract %slice3A_4[0] : i32 from vector<1xi32>
    "tpu.region"() ({
      %run_scoped3A = tpu.sem_alloc : memref<!tpu.dma_semaphore, #tpu.memory_space<semaphore_mem>>
      tpu.enqueue_dma source(%arg4 : memref<10112xi32, #tpu.memory_space<hbm>>) target(%arg8 : memref<10112xi32, #tpu.memory_space<vmem>>) target_semaphore(%run_scoped3A : memref<!tpu.dma_semaphore, #tpu.memory_space<semaphore_mem>>)
      tpu.wait_dma2 semaphore(%run_scoped3A : memref<!tpu.dma_semaphore, #tpu.memory_space<semaphore_mem>>) src(%arg4 : memref<10112xi32, #tpu.memory_space<hbm>>) dst(%arg8 : memref<10112xi32, #tpu.memory_space<vmem>>)
      tpu.yield
    }) : () -> ()
    "tpu.region"() ({
      %run_scoped3A = tpu.sem_alloc : memref<!tpu.dma_semaphore, #tpu.memory_space<semaphore_mem>>
      %dma_start3A = arith.constant 0 : i32
      %dma_start3A_23 = tpu.memref_slice %arg9[%dma_start3A] : memref<24704xf32, #tpu.memory_space<vmem>> -> memref<24576xf32, #tpu.memory_space<vmem>>
      %dma_start3A_24 = tpu.memref_slice %arg2[%multiple_of3A] : memref<184576xf32, #tpu.memory_space<hbm>> -> memref<24576xf32, #tpu.memory_space<hbm>>
      %dma_start3A_25 = arith.constant 0 : i32
      %dma_start3A_26 = tpu.memref_slice %arg9[%dma_start3A_25] : memref<24704xf32, #tpu.memory_space<vmem>> -> memref<24576xf32, #tpu.memory_space<vmem>>
      %dma_start3A_27 = tpu.memref_slice %arg2[%multiple_of3A] : memref<184576xf32, #tpu.memory_space<hbm>> -> memref<24576xf32, #tpu.memory_space<hbm>>
      tpu.enqueue_dma source(%dma_start3A_27 : memref<24576xf32, #tpu.memory_space<hbm>>) target(%dma_start3A_26 : memref<24576xf32, #tpu.memory_space<vmem>>) target_semaphore(%run_scoped3A : memref<!tpu.dma_semaphore, #tpu.memory_space<semaphore_mem>>)
      %dma_wait3A = arith.constant 0 : i32
      %dma_wait3A_28 = tpu.memref_slice %arg9[%dma_wait3A] : memref<24704xf32, #tpu.memory_space<vmem>> -> memref<24576xf32, #tpu.memory_space<vmem>>
      %dma_wait3A_29 = tpu.memref_slice %arg2[%multiple_of3A] : memref<184576xf32, #tpu.memory_space<hbm>> -> memref<24576xf32, #tpu.memory_space<hbm>>
      %dma_wait3A_30 = arith.constant 0 : i32
      %dma_wait3A_31 = tpu.memref_slice %arg9[%dma_wait3A_30] : memref<24704xf32, #tpu.memory_space<vmem>> -> memref<24576xf32, #tpu.memory_space<vmem>>
      %dma_wait3A_32 = tpu.memref_slice %arg2[%multiple_of3A] : memref<184576xf32, #tpu.memory_space<hbm>> -> memref<24576xf32, #tpu.memory_space<hbm>>
      tpu.wait_dma2 semaphore(%run_scoped3A : memref<!tpu.dma_semaphore, #tpu.memory_space<semaphore_mem>>) src(%dma_wait3A_32 : memref<24576xf32, #tpu.memory_space<hbm>>) dst(%dma_wait3A_31 : memref<24576xf32, #tpu.memory_space<vmem>>)
      tpu.yield
    }) : () -> ()
    "tpu.region"() ({
      %run_scoped3A = tpu.sem_alloc : memref<!tpu.dma_semaphore, #tpu.memory_space<semaphore_mem>>
      %dma_start3A = arith.constant 0 : i32
      %dma_start3A_23 = tpu.memref_slice %arg10[%dma_start3A] : memref<24704xf32, #tpu.memory_space<vmem>> -> memref<24576xf32, #tpu.memory_space<vmem>>
      %dma_start3A_24 = tpu.memref_slice %arg3[%multiple_of3A] : memref<184576xf32, #tpu.memory_space<hbm>> -> memref<24576xf32, #tpu.memory_space<hbm>>
      %dma_start3A_25 = arith.constant 0 : i32
      %dma_start3A_26 = tpu.memref_slice %arg10[%dma_start3A_25] : memref<24704xf32, #tpu.memory_space<vmem>> -> memref<24576xf32, #tpu.memory_space<vmem>>
      %dma_start3A_27 = tpu.memref_slice %arg3[%multiple_of3A] : memref<184576xf32, #tpu.memory_space<hbm>> -> memref<24576xf32, #tpu.memory_space<hbm>>
      tpu.enqueue_dma source(%dma_start3A_27 : memref<24576xf32, #tpu.memory_space<hbm>>) target(%dma_start3A_26 : memref<24576xf32, #tpu.memory_space<vmem>>) target_semaphore(%run_scoped3A : memref<!tpu.dma_semaphore, #tpu.memory_space<semaphore_mem>>)
      %dma_wait3A = arith.constant 0 : i32
      %dma_wait3A_28 = tpu.memref_slice %arg10[%dma_wait3A] : memref<24704xf32, #tpu.memory_space<vmem>> -> memref<24576xf32, #tpu.memory_space<vmem>>
      %dma_wait3A_29 = tpu.memref_slice %arg3[%multiple_of3A] : memref<184576xf32, #tpu.memory_space<hbm>> -> memref<24576xf32, #tpu.memory_space<hbm>>
      %dma_wait3A_30 = arith.constant 0 : i32
      %dma_wait3A_31 = tpu.memref_slice %arg10[%dma_wait3A_30] : memref<24704xf32, #tpu.memory_space<vmem>> -> memref<24576xf32, #tpu.memory_space<vmem>>
      %dma_wait3A_32 = tpu.memref_slice %arg3[%multiple_of3A] : memref<184576xf32, #tpu.memory_space<hbm>> -> memref<24576xf32, #tpu.memory_space<hbm>>
      tpu.wait_dma2 semaphore(%run_scoped3A : memref<!tpu.dma_semaphore, #tpu.memory_space<semaphore_mem>>) src(%dma_wait3A_32 : memref<24576xf32, #tpu.memory_space<hbm>>) dst(%dma_wait3A_31 : memref<24576xf32, #tpu.memory_space<vmem>>)
      tpu.yield
    }) : () -> ()
    %iota3A = tpu.iota {dimensions = array<i32: 0>} : vector<16xi32>
    %broadcast_in_dim3A = arith.constant 0.000000e+00 : f32
    %broadcast_in_dim3A_6 = vector.broadcast %broadcast_in_dim3A : f32 to vector<16xf32>
    %scan3A = arith.constant 0 : i32
    %scan3A_7 = arith.constant 0 : i32
    %scan3A_8 = arith.constant 1536 : i32
    %scan3A_9 = arith.addi %scan3A_7, %scan3A_8 : i32
    %scan3A_10 = arith.constant 1 : i32
    %scan3A_11 = scf.for %scan3A_23 = %scan3A_7 to %scan3A_9 step %scan3A_10 iter_args(%scan3A_24 = %scan3A) -> (i32)  : i32 {
      %mul3A_25 = arith.constant 16 : i32
      %mul3A_26 = arith.muli %scan3A_23, %mul3A_25 : i32
      %swap3A = arith.index_cast %mul3A_26 : i32 to index
      %swap3A_27 = tpu.vector_load %arg11[%swap3A] {strides = array<i32>} : memref<24576xf32, #tpu.memory_space<vmem>>, vector<16xf32>,
      tpu.vector_store %arg11[%swap3A], %broadcast_in_dim3A_6 {strides = array<i32>} : memref<24576xf32, #tpu.memory_space<vmem>>, vector<16xf32>,
      %scan3A_28 = arith.constant 0 : i32
      scf.yield %scan3A_28 : i32
    }
    %scan3A_12 = arith.constant 1536 : i32
    %while3A = arith.constant 0 : i32
    %while3A_13 = arith.subi %squeeze3A_5, %squeeze3A_3 : i32
    %while3A_14 = arith.addi %squeeze3A_3, %while3A_13 : i32
    %while3A_15 = arith.constant 1 : i32
    %while3A_16 = arith.divsi %while3A_13, %while3A_15 : i32
    %while3A_17 = arith.muli %while3A_16, %while3A_15 : i32
    %while3A_18 = arith.addi %squeeze3A_3, %while3A_17 : i32
    %while3A_19 = arith.constant 1 : i32
    %while3A_20 = scf.for %while3A_23 = %squeeze3A_3 to %while3A_18 step %while3A_19 iter_args(%while3A_24 = %while3A) -> (i32)  : i32 {
      %get3A_25 = arith.index_cast %while3A_23 : i32 to index
      %get3A_26 = tpu.vector_load %arg8[%get3A_25] {strides = array<i32>} : memref<10112xi32, #tpu.memory_space<vmem>>, vector<16xi32>,
      %slice3A_27 = vector.extract_strided_slice %get3A_26 {offsets = [0], sizes = [1], strides = [1]} : vector<16xi32> to vector<1xi32>
      %squeeze3A_28 = vector.extract %slice3A_27[0] : i32 from vector<1xi32>
      %add3A_29 = arith.constant 1 : i32
      %add3A_30 = arith.addi %while3A_23, %add3A_29 : i32
      %get3A_31 = arith.index_cast %add3A_30 : i32 to index
      %get3A_32 = tpu.vector_load %arg8[%get3A_31] {strides = array<i32>} : memref<10112xi32, #tpu.memory_space<vmem>>, vector<16xi32>,
      %slice3A_33 = vector.extract_strided_slice %get3A_32 {offsets = [0], sizes = [1], strides = [1]} : vector<16xi32> to vector<1xi32>
      %squeeze3A_34 = vector.extract %slice3A_33[0] : i32 from vector<1xi32>
      %sub3A = arith.subi %squeeze3A_34, %squeeze3A_28 : i32
      %sub3A_35 = arith.subi %squeeze3A_28, %multiple_of3A : i32
      %add3A_36 = arith.addi %sub3A_35, %sub3A : i32
      %sub3A_37 = arith.constant 1 : i32
      %sub3A_38 = arith.subi %add3A_36, %sub3A_37 : i32
      %min3A = arith.constant 24575 : i32
      %min3A_39 = arith.minsi %sub3A_38, %min3A : i32
      %add3A_40 = arith.constant 15 : i32
      %add3A_41 = arith.addi %sub3A, %add3A_40 : i32
      %jit3A = arith.constant 16 : i32
      %div3A = arith.divsi %add3A_41, %jit3A : i32
      %sign3A = arith.constant 0 : i32
      %sign3A_42 = arith.cmpi sgt, %add3A_41, %sign3A : i32
      %sign3A_43 = arith.extui %sign3A_42 : i1 to i32
      %sign3A_44 = arith.constant 0 : i32
      %sign3A_45 = arith.cmpi slt, %add3A_41, %sign3A_44 : i32
      %sign3A_46 = arith.extui %sign3A_45 : i1 to i32
      %sign3A_47 = arith.subi %sign3A_43, %sign3A_46 : i32
      %sign3A_48 = arith.constant 0 : i32
      %sign3A_49 = arith.cmpi sgt, %jit3A, %sign3A_48 : i32
      %sign3A_50 = arith.extui %sign3A_49 : i1 to i32
      %sign3A_51 = arith.constant 0 : i32
      %sign3A_52 = arith.cmpi slt, %jit3A, %sign3A_51 : i32
      %sign3A_53 = arith.extui %sign3A_52 : i1 to i32
      %sign3A_54 = arith.subi %sign3A_50, %sign3A_53 : i32
      %ne3A = arith.cmpi ne, %sign3A_47, %sign3A_54 : i32
      %rem3A = arith.remsi %add3A_41, %jit3A : i32
      %ne3A_55 = arith.constant 0 : i32
      %ne3A_56 = arith.cmpi ne, %rem3A, %ne3A_55 : i32
      %and3A = arith.andi %ne3A, %ne3A_56 : i1
      %sub3A_57 = arith.constant 1 : i32
      %sub3A_58 = arith.subi %div3A, %sub3A_57 : i32
      %select_n3A = arith.select %and3A, %sub3A_58, %div3A : i32
      %while3A_59 = arith.constant 0 : i32
      %while3A_60 = arith.constant -3.000000e+38 : f32
      %while3A_61 = arith.subi %select_n3A, %while3A_59 : i32
      %while3A_62 = arith.addi %while3A_59, %while3A_61 : i32
      %while3A_63 = arith.constant 1 : i32
      %while3A_64 = arith.divsi %while3A_61, %while3A_63 : i32
      %while3A_65 = arith.muli %while3A_64, %while3A_63 : i32
      %while3A_66 = arith.addi %while3A_59, %while3A_65 : i32
      %while3A_67 = arith.constant 1 : i32
      %while3A_68 = scf.for %while3A_84 = %while3A_59 to %while3A_66 step %while3A_67 iter_args(%while3A_85 = %while3A_60) -> (f32)  : i32 {
        %mul3A_86 = arith.constant 16 : i32
        %mul3A_87 = arith.muli %while3A_84, %mul3A_86 : i32
        %add3A_88 = arith.addi %sub3A_35, %mul3A_87 : i32
        %add3A_89 = vector.broadcast %add3A_88 : i32 to vector<16xi32>
        %add3A_90 = arith.addi %add3A_89, %iota3A : vector<16xi32>
        %le3A = vector.broadcast %min3A_39 : i32 to vector<16xi32>
        %le3A_91 = arith.cmpi sle, %add3A_90, %le3A : vector<16xi32>
        %min3A_92 = vector.broadcast %min3A_39 : i32 to vector<16xi32>
        %min3A_93 = arith.minsi %add3A_90, %min3A_92 : vector<16xi32>
        %gather3A = tpu.vector_load_idx %arg9[%min3A_93] : memref<24704xf32, #tpu.memory_space<vmem>>[vector<16xi32>], vector<16xf32>,
        %jit3A_94 = arith.constant -3.000000e+38 : f32
        %broadcast_in_dim3A_95 = vector.broadcast %jit3A_94 : f32 to vector<16xf32>
        %select_n3A_96 = arith.select %le3A_91, %gather3A, %broadcast_in_dim3A_95 : vector<16xi1>, vector<16xf32>
        %reduce_max3A = arith.constant true
        %reduce_max3A_97 = vector.broadcast %reduce_max3A : i1 to vector<16xi1>
        %reduce_max3A_98 = tpu.scan <max>, %select_n3A_96 masked %reduce_max3A_97 : vector<16xf32>, vector<16xi1> -> vector<16xf32>
        %reduce_max3A_99 = vector.extract %reduce_max3A_98[15] : f32 from vector<16xf32>
        %max3A = arith.maximumf %while3A_85, %reduce_max3A_99 : f32
        scf.yield %max3A : f32
      }
      %while3A_69 = arith.constant 1 : i32
      %while3A_70 = scf.for %while3A_84 = %while3A_66 to %while3A_62 step %while3A_69 iter_args(%while3A_85 = %while3A_68) -> (f32)  : i32 {
        %mul3A_86 = arith.constant 16 : i32
        %mul3A_87 = arith.muli %while3A_84, %mul3A_86 : i32
        %add3A_88 = arith.addi %sub3A_35, %mul3A_87 : i32
        %add3A_89 = vector.broadcast %add3A_88 : i32 to vector<16xi32>
        %add3A_90 = arith.addi %add3A_89, %iota3A : vector<16xi32>
        %le3A = vector.broadcast %min3A_39 : i32 to vector<16xi32>
        %le3A_91 = arith.cmpi sle, %add3A_90, %le3A : vector<16xi32>
        %min3A_92 = vector.broadcast %min3A_39 : i32 to vector<16xi32>
        %min3A_93 = arith.minsi %add3A_90, %min3A_92 : vector<16xi32>
        %gather3A = tpu.vector_load_idx %arg9[%min3A_93] : memref<24704xf32, #tpu.memory_space<vmem>>[vector<16xi32>], vector<16xf32>,
        %jit3A_94 = arith.constant -3.000000e+38 : f32
        %broadcast_in_dim3A_95 = vector.broadcast %jit3A_94 : f32 to vector<16xf32>
        %select_n3A_96 = arith.select %le3A_91, %gather3A, %broadcast_in_dim3A_95 : vector<16xi1>, vector<16xf32>
        %reduce_max3A = arith.constant true
        %reduce_max3A_97 = vector.broadcast %reduce_max3A : i1 to vector<16xi1>
        %reduce_max3A_98 = tpu.scan <max>, %select_n3A_96 masked %reduce_max3A_97 : vector<16xf32>, vector<16xi1> -> vector<16xf32>
        %reduce_max3A_99 = vector.extract %reduce_max3A_98[15] : f32 from vector<16xf32>
        %max3A = arith.maximumf %while3A_85, %reduce_max3A_99 : f32
        scf.yield %max3A : f32
      }
      %while3A_71 = arith.constant 0 : i32
      %while3A_72 = arith.constant 0 : i32
      %while3A_73 = arith.subi %sub3A, %while3A_71 : i32
      %while3A_74 = arith.addi %while3A_71, %while3A_73 : i32
      %while3A_75 = arith.constant 1 : i32
      %while3A_76 = arith.divsi %while3A_73, %while3A_75 : i32
      %while3A_77 = arith.muli %while3A_76, %while3A_75 : i32
      %while3A_78 = arith.addi %while3A_71, %while3A_77 : i32
      %while3A_79 = arith.constant 1 : i32
      %while3A_80 = scf.for %while3A_84 = %while3A_71 to %while3A_78 step %while3A_79 iter_args(%while3A_85 = %while3A_72) -> (i32)  : i32 {
        %add3A_86 = arith.addi %sub3A_35, %while3A_84 : i32
        %min3A_87 = arith.constant 24575 : i32
        %min3A_88 = arith.minsi %add3A_86, %min3A_87 : i32
        %get3A_89 = arith.index_cast %min3A_88 : i32 to index
        %get3A_90 = tpu.vector_load %arg10[%get3A_89] {strides = array<i32>} : memref<24704xf32, #tpu.memory_space<vmem>>, vector<16xf32>,
        %slice3A_91 = vector.extract_strided_slice %get3A_90 {offsets = [0], sizes = [1], strides = [1]} : vector<16xf32> to vector<1xf32>
        %squeeze3A_92 = vector.extract %slice3A_91[0] : f32 from vector<1xf32>
        %add3A_93 = arith.addf %while3A_70, %squeeze3A_92 : f32
        %gt3A = arith.constant 0.000000e+00 : f32
        %gt3A_94 = arith.cmpf ogt, %add3A_93, %gt3A : f32
        %mul3A_95 = arith.constant 2.000000e-01 : f32
        %mul3A_96 = arith.mulf %mul3A_95, %add3A_93 : f32
        %select_n3A_97 = arith.select %gt3A_94, %add3A_93, %mul3A_96 : f32
        %while3A_98 = arith.constant 0 : i32
        %while3A_99 = arith.constant 0.000000e+00 : f32
        %while3A_100 = arith.subi %select_n3A, %while3A_98 : i32
        %while3A_101 = arith.addi %while3A_98, %while3A_100 : i32
        %while3A_102 = arith.constant 1 : i32
        %while3A_103 = arith.divsi %while3A_100, %while3A_102 : i32
        %while3A_104 = arith.muli %while3A_103, %while3A_102 : i32
        %while3A_105 = arith.addi %while3A_98, %while3A_104 : i32
        %while3A_106 = arith.constant 1 : i32
        %while3A_107 = scf.for %while3A_124 = %while3A_98 to %while3A_105 step %while3A_106 iter_args(%while3A_125 = %while3A_99) -> (f32)  : i32 {
          %mul3A_126 = arith.constant 16 : i32
          %mul3A_127 = arith.muli %while3A_124, %mul3A_126 : i32
          %add3A_128 = arith.addi %sub3A_35, %mul3A_127 : i32
          %add3A_129 = vector.broadcast %add3A_128 : i32 to vector<16xi32>
          %add3A_130 = arith.addi %add3A_129, %iota3A : vector<16xi32>
          %le3A = vector.broadcast %min3A_39 : i32 to vector<16xi32>
          %le3A_131 = arith.cmpi sle, %add3A_130, %le3A : vector<16xi32>
          %min3A_132 = vector.broadcast %min3A_39 : i32 to vector<16xi32>
          %min3A_133 = arith.minsi %add3A_130, %min3A_132 : vector<16xi32>
          %gather3A = tpu.vector_load_idx %arg9[%min3A_133] : memref<24704xf32, #tpu.memory_space<vmem>>[vector<16xi32>], vector<16xf32>,
          %add3A_134 = vector.broadcast %squeeze3A_92 : f32 to vector<16xf32>
          %add3A_135 = arith.addf %gather3A, %add3A_134 : vector<16xf32>
          %gt3A_136 = arith.constant 0.000000e+00 : f32
          %gt3A_137 = vector.broadcast %gt3A_136 : f32 to vector<16xf32>
          %gt3A_138 = arith.cmpf ogt, %add3A_135, %gt3A_137 : vector<16xf32>
          %mul3A_139 = arith.constant 2.000000e-01 : f32
          %mul3A_140 = vector.broadcast %mul3A_139 : f32 to vector<16xf32>
          %mul3A_141 = arith.mulf %mul3A_140, %add3A_135 : vector<16xf32>
          %select_n3A_142 = arith.select %gt3A_138, %add3A_135, %mul3A_141 : vector<16xi1>, vector<16xf32>
          %sub3A_143 = vector.broadcast %select_n3A_97 : f32 to vector<16xf32>
          %sub3A_144 = arith.subf %select_n3A_142, %sub3A_143 : vector<16xf32>
          %exp3A = math.exp %sub3A_144 : vector<16xf32>
          %jit3A_145 = arith.constant 0.000000e+00 : f32
          %broadcast_in_dim3A_146 = vector.broadcast %jit3A_145 : f32 to vector<16xf32>
          %select_n3A_147 = arith.select %le3A_131, %exp3A, %broadcast_in_dim3A_146 : vector<16xi1>, vector<16xf32>
          %reduce_sum3A = arith.constant true
          %reduce_sum3A_148 = vector.broadcast %reduce_sum3A : i1 to vector<16xi1>
          %reduce_sum3A_149 = tpu.scan <sum>, %select_n3A_147 masked %reduce_sum3A_148 : vector<16xf32>, vector<16xi1> -> vector<16xf32>
          %reduce_sum3A_150 = vector.extract %reduce_sum3A_149[15] : f32 from vector<16xf32>
          %add3A_151 = arith.addf %while3A_125, %reduce_sum3A_150 : f32
          scf.yield %add3A_151 : f32
        }
        %while3A_108 = arith.constant 1 : i32
        %while3A_109 = scf.for %while3A_124 = %while3A_105 to %while3A_101 step %while3A_108 iter_args(%while3A_125 = %while3A_107) -> (f32)  : i32 {
          %mul3A_126 = arith.constant 16 : i32
          %mul3A_127 = arith.muli %while3A_124, %mul3A_126 : i32
          %add3A_128 = arith.addi %sub3A_35, %mul3A_127 : i32
          %add3A_129 = vector.broadcast %add3A_128 : i32 to vector<16xi32>
          %add3A_130 = arith.addi %add3A_129, %iota3A : vector<16xi32>
          %le3A = vector.broadcast %min3A_39 : i32 to vector<16xi32>
          %le3A_131 = arith.cmpi sle, %add3A_130, %le3A : vector<16xi32>
          %min3A_132 = vector.broadcast %min3A_39 : i32 to vector<16xi32>
          %min3A_133 = arith.minsi %add3A_130, %min3A_132 : vector<16xi32>
          %gather3A = tpu.vector_load_idx %arg9[%min3A_133] : memref<24704xf32, #tpu.memory_space<vmem>>[vector<16xi32>], vector<16xf32>,
          %add3A_134 = vector.broadcast %squeeze3A_92 : f32 to vector<16xf32>
          %add3A_135 = arith.addf %gather3A, %add3A_134 : vector<16xf32>
          %gt3A_136 = arith.constant 0.000000e+00 : f32
          %gt3A_137 = vector.broadcast %gt3A_136 : f32 to vector<16xf32>
          %gt3A_138 = arith.cmpf ogt, %add3A_135, %gt3A_137 : vector<16xf32>
          %mul3A_139 = arith.constant 2.000000e-01 : f32
          %mul3A_140 = vector.broadcast %mul3A_139 : f32 to vector<16xf32>
          %mul3A_141 = arith.mulf %mul3A_140, %add3A_135 : vector<16xf32>
          %select_n3A_142 = arith.select %gt3A_138, %add3A_135, %mul3A_141 : vector<16xi1>, vector<16xf32>
          %sub3A_143 = vector.broadcast %select_n3A_97 : f32 to vector<16xf32>
          %sub3A_144 = arith.subf %select_n3A_142, %sub3A_143 : vector<16xf32>
          %exp3A = math.exp %sub3A_144 : vector<16xf32>
          %jit3A_145 = arith.constant 0.000000e+00 : f32
          %broadcast_in_dim3A_146 = vector.broadcast %jit3A_145 : f32 to vector<16xf32>
          %select_n3A_147 = arith.select %le3A_131, %exp3A, %broadcast_in_dim3A_146 : vector<16xi1>, vector<16xf32>
          %reduce_sum3A = arith.constant true
          %reduce_sum3A_148 = vector.broadcast %reduce_sum3A : i1 to vector<16xi1>
          %reduce_sum3A_149 = tpu.scan <sum>, %select_n3A_147 masked %reduce_sum3A_148 : vector<16xf32>, vector<16xi1> -> vector<16xf32>
          %reduce_sum3A_150 = vector.extract %reduce_sum3A_149[15] : f32 from vector<16xf32>
          %add3A_151 = arith.addf %while3A_125, %reduce_sum3A_150 : f32
          scf.yield %add3A_151 : f32
        }
        %broadcast_in_dim3A_110 = vector.broadcast %while3A_109 : f32 to vector<16xf32>
        %while3A_111 = arith.constant 0 : i32
        %while3A_112 = arith.constant 0 : i32
        %while3A_113 = arith.subi %select_n3A, %while3A_111 : i32
        %while3A_114 = arith.addi %while3A_111, %while3A_113 : i32
        %while3A_115 = arith.constant 1 : i32
        %while3A_116 = arith.divsi %while3A_113, %while3A_115 : i32
        %while3A_117 = arith.muli %while3A_116, %while3A_115 : i32
        %while3A_118 = arith.addi %while3A_111, %while3A_117 : i32
        %while3A_119 = arith.constant 1 : i32
        %while3A_120 = scf.for %while3A_124 = %while3A_111 to %while3A_118 step %while3A_119 iter_args(%while3A_125 = %while3A_112) -> (i32)  : i32 {
          %mul3A_126 = arith.constant 16 : i32
          %mul3A_127 = arith.muli %while3A_124, %mul3A_126 : i32
          %add3A_128 = arith.addi %sub3A_35, %mul3A_127 : i32
          %add3A_129 = vector.broadcast %add3A_128 : i32 to vector<16xi32>
          %add3A_130 = arith.addi %add3A_129, %iota3A : vector<16xi32>
          %le3A = vector.broadcast %min3A_39 : i32 to vector<16xi32>
          %le3A_131 = arith.cmpi sle, %add3A_130, %le3A : vector<16xi32>
          %min3A_132 = vector.broadcast %min3A_39 : i32 to vector<16xi32>
          %min3A_133 = arith.minsi %add3A_130, %min3A_132 : vector<16xi32>
          %gather3A = tpu.vector_load_idx %arg9[%min3A_133] : memref<24704xf32, #tpu.memory_space<vmem>>[vector<16xi32>], vector<16xf32>,
          %add3A_134 = vector.broadcast %squeeze3A_92 : f32 to vector<16xf32>
          %add3A_135 = arith.addf %gather3A, %add3A_134 : vector<16xf32>
          %gt3A_136 = arith.constant 0.000000e+00 : f32
          %gt3A_137 = vector.broadcast %gt3A_136 : f32 to vector<16xf32>
          %gt3A_138 = arith.cmpf ogt, %add3A_135, %gt3A_137 : vector<16xf32>
          %mul3A_139 = arith.constant 2.000000e-01 : f32
          %mul3A_140 = vector.broadcast %mul3A_139 : f32 to vector<16xf32>
          %mul3A_141 = arith.mulf %mul3A_140, %add3A_135 : vector<16xf32>
          %select_n3A_142 = arith.select %gt3A_138, %add3A_135, %mul3A_141 : vector<16xi1>, vector<16xf32>
          %sub3A_143 = vector.broadcast %select_n3A_97 : f32 to vector<16xf32>
          %sub3A_144 = arith.subf %select_n3A_142, %sub3A_143 : vector<16xf32>
          %exp3A = math.exp %sub3A_144 : vector<16xf32>
          %div3A_145 = arith.divf %exp3A, %broadcast_in_dim3A_110 : vector<16xf32>
          %min3A_146 = vector.broadcast %min3A_39 : i32 to vector<16xi32>
          %min3A_147 = arith.minsi %add3A_130, %min3A_146 : vector<16xi32>
          %gather3A_148 = tpu.vector_load_idx %arg11[%min3A_147] : memref<24576xf32, #tpu.memory_space<vmem>>[vector<16xi32>], vector<16xf32>,
          %add3A_149 = arith.addf %gather3A_148, %div3A_145 : vector<16xf32>
          tpu.vector_store_idx %arg11[%min3A_147], %add3A_149 masked %le3A_131 : memref<24576xf32, #tpu.memory_space<vmem>>[vector<16xi32>], vector<16xf32>, vector<16xi1>
          %while3A_150 = arith.constant 0 : i32
          scf.yield %while3A_150 : i32
        }
        %while3A_121 = arith.constant 1 : i32
        %while3A_122 = scf.for %while3A_124 = %while3A_118 to %while3A_114 step %while3A_121 iter_args(%while3A_125 = %while3A_120) -> (i32)  : i32 {
          %mul3A_126 = arith.constant 16 : i32
          %mul3A_127 = arith.muli %while3A_124, %mul3A_126 : i32
          %add3A_128 = arith.addi %sub3A_35, %mul3A_127 : i32
          %add3A_129 = vector.broadcast %add3A_128 : i32 to vector<16xi32>
          %add3A_130 = arith.addi %add3A_129, %iota3A : vector<16xi32>
          %le3A = vector.broadcast %min3A_39 : i32 to vector<16xi32>
          %le3A_131 = arith.cmpi sle, %add3A_130, %le3A : vector<16xi32>
          %min3A_132 = vector.broadcast %min3A_39 : i32 to vector<16xi32>
          %min3A_133 = arith.minsi %add3A_130, %min3A_132 : vector<16xi32>
          %gather3A = tpu.vector_load_idx %arg9[%min3A_133] : memref<24704xf32, #tpu.memory_space<vmem>>[vector<16xi32>], vector<16xf32>,
          %add3A_134 = vector.broadcast %squeeze3A_92 : f32 to vector<16xf32>
          %add3A_135 = arith.addf %gather3A, %add3A_134 : vector<16xf32>
          %gt3A_136 = arith.constant 0.000000e+00 : f32
          %gt3A_137 = vector.broadcast %gt3A_136 : f32 to vector<16xf32>
          %gt3A_138 = arith.cmpf ogt, %add3A_135, %gt3A_137 : vector<16xf32>
          %mul3A_139 = arith.constant 2.000000e-01 : f32
          %mul3A_140 = vector.broadcast %mul3A_139 : f32 to vector<16xf32>
          %mul3A_141 = arith.mulf %mul3A_140, %add3A_135 : vector<16xf32>
          %select_n3A_142 = arith.select %gt3A_138, %add3A_135, %mul3A_141 : vector<16xi1>, vector<16xf32>
          %sub3A_143 = vector.broadcast %select_n3A_97 : f32 to vector<16xf32>
          %sub3A_144 = arith.subf %select_n3A_142, %sub3A_143 : vector<16xf32>
          %exp3A = math.exp %sub3A_144 : vector<16xf32>
          %div3A_145 = arith.divf %exp3A, %broadcast_in_dim3A_110 : vector<16xf32>
          %min3A_146 = vector.broadcast %min3A_39 : i32 to vector<16xi32>
          %min3A_147 = arith.minsi %add3A_130, %min3A_146 : vector<16xi32>
          %gather3A_148 = tpu.vector_load_idx %arg11[%min3A_147] : memref<24576xf32, #tpu.memory_space<vmem>>[vector<16xi32>], vector<16xf32>,
          %add3A_149 = arith.addf %gather3A_148, %div3A_145 : vector<16xf32>
          tpu.vector_store_idx %arg11[%min3A_147], %add3A_149 masked %le3A_131 : memref<24576xf32, #tpu.memory_space<vmem>>[vector<16xi32>], vector<16xf32>, vector<16xi1>
          %while3A_150 = arith.constant 0 : i32
          scf.yield %while3A_150 : i32
        }
        %while3A_123 = arith.constant 0 : i32
        scf.yield %while3A_123 : i32
      }
      %while3A_81 = arith.constant 1 : i32
      %while3A_82 = scf.for %while3A_84 = %while3A_78 to %while3A_74 step %while3A_81 iter_args(%while3A_85 = %while3A_80) -> (i32)  : i32 {
        %add3A_86 = arith.addi %sub3A_35, %while3A_84 : i32
        %min3A_87 = arith.constant 24575 : i32
        %min3A_88 = arith.minsi %add3A_86, %min3A_87 : i32
        %get3A_89 = arith.index_cast %min3A_88 : i32 to index
        %get3A_90 = tpu.vector_load %arg10[%get3A_89] {strides = array<i32>} : memref<24704xf32, #tpu.memory_space<vmem>>, vector<16xf32>,
        %slice3A_91 = vector.extract_strided_slice %get3A_90 {offsets = [0], sizes = [1], strides = [1]} : vector<16xf32> to vector<1xf32>
        %squeeze3A_92 = vector.extract %slice3A_91[0] : f32 from vector<1xf32>
        %add3A_93 = arith.addf %while3A_70, %squeeze3A_92 : f32
        %gt3A = arith.constant 0.000000e+00 : f32
        %gt3A_94 = arith.cmpf ogt, %add3A_93, %gt3A : f32
        %mul3A_95 = arith.constant 2.000000e-01 : f32
        %mul3A_96 = arith.mulf %mul3A_95, %add3A_93 : f32
        %select_n3A_97 = arith.select %gt3A_94, %add3A_93, %mul3A_96 : f32
        %while3A_98 = arith.constant 0 : i32
        %while3A_99 = arith.constant 0.000000e+00 : f32
        %while3A_100 = arith.subi %select_n3A, %while3A_98 : i32
        %while3A_101 = arith.addi %while3A_98, %while3A_100 : i32
        %while3A_102 = arith.constant 1 : i32
        %while3A_103 = arith.divsi %while3A_100, %while3A_102 : i32
        %while3A_104 = arith.muli %while3A_103, %while3A_102 : i32
        %while3A_105 = arith.addi %while3A_98, %while3A_104 : i32
        %while3A_106 = arith.constant 1 : i32
        %while3A_107 = scf.for %while3A_124 = %while3A_98 to %while3A_105 step %while3A_106 iter_args(%while3A_125 = %while3A_99) -> (f32)  : i32 {
          %mul3A_126 = arith.constant 16 : i32
          %mul3A_127 = arith.muli %while3A_124, %mul3A_126 : i32
          %add3A_128 = arith.addi %sub3A_35, %mul3A_127 : i32
          %add3A_129 = vector.broadcast %add3A_128 : i32 to vector<16xi32>
          %add3A_130 = arith.addi %add3A_129, %iota3A : vector<16xi32>
          %le3A = vector.broadcast %min3A_39 : i32 to vector<16xi32>
          %le3A_131 = arith.cmpi sle, %add3A_130, %le3A : vector<16xi32>
          %min3A_132 = vector.broadcast %min3A_39 : i32 to vector<16xi32>
          %min3A_133 = arith.minsi %add3A_130, %min3A_132 : vector<16xi32>
          %gather3A = tpu.vector_load_idx %arg9[%min3A_133] : memref<24704xf32, #tpu.memory_space<vmem>>[vector<16xi32>], vector<16xf32>,
          %add3A_134 = vector.broadcast %squeeze3A_92 : f32 to vector<16xf32>
          %add3A_135 = arith.addf %gather3A, %add3A_134 : vector<16xf32>
          %gt3A_136 = arith.constant 0.000000e+00 : f32
          %gt3A_137 = vector.broadcast %gt3A_136 : f32 to vector<16xf32>
          %gt3A_138 = arith.cmpf ogt, %add3A_135, %gt3A_137 : vector<16xf32>
          %mul3A_139 = arith.constant 2.000000e-01 : f32
          %mul3A_140 = vector.broadcast %mul3A_139 : f32 to vector<16xf32>
          %mul3A_141 = arith.mulf %mul3A_140, %add3A_135 : vector<16xf32>
          %select_n3A_142 = arith.select %gt3A_138, %add3A_135, %mul3A_141 : vector<16xi1>, vector<16xf32>
          %sub3A_143 = vector.broadcast %select_n3A_97 : f32 to vector<16xf32>
          %sub3A_144 = arith.subf %select_n3A_142, %sub3A_143 : vector<16xf32>
          %exp3A = math.exp %sub3A_144 : vector<16xf32>
          %jit3A_145 = arith.constant 0.000000e+00 : f32
          %broadcast_in_dim3A_146 = vector.broadcast %jit3A_145 : f32 to vector<16xf32>
          %select_n3A_147 = arith.select %le3A_131, %exp3A, %broadcast_in_dim3A_146 : vector<16xi1>, vector<16xf32>
          %reduce_sum3A = arith.constant true
          %reduce_sum3A_148 = vector.broadcast %reduce_sum3A : i1 to vector<16xi1>
          %reduce_sum3A_149 = tpu.scan <sum>, %select_n3A_147 masked %reduce_sum3A_148 : vector<16xf32>, vector<16xi1> -> vector<16xf32>
          %reduce_sum3A_150 = vector.extract %reduce_sum3A_149[15] : f32 from vector<16xf32>
          %add3A_151 = arith.addf %while3A_125, %reduce_sum3A_150 : f32
          scf.yield %add3A_151 : f32
        }
        %while3A_108 = arith.constant 1 : i32
        %while3A_109 = scf.for %while3A_124 = %while3A_105 to %while3A_101 step %while3A_108 iter_args(%while3A_125 = %while3A_107) -> (f32)  : i32 {
          %mul3A_126 = arith.constant 16 : i32
          %mul3A_127 = arith.muli %while3A_124, %mul3A_126 : i32
          %add3A_128 = arith.addi %sub3A_35, %mul3A_127 : i32
          %add3A_129 = vector.broadcast %add3A_128 : i32 to vector<16xi32>
          %add3A_130 = arith.addi %add3A_129, %iota3A : vector<16xi32>
          %le3A = vector.broadcast %min3A_39 : i32 to vector<16xi32>
          %le3A_131 = arith.cmpi sle, %add3A_130, %le3A : vector<16xi32>
          %min3A_132 = vector.broadcast %min3A_39 : i32 to vector<16xi32>
          %min3A_133 = arith.minsi %add3A_130, %min3A_132 : vector<16xi32>
          %gather3A = tpu.vector_load_idx %arg9[%min3A_133] : memref<24704xf32, #tpu.memory_space<vmem>>[vector<16xi32>], vector<16xf32>,
          %add3A_134 = vector.broadcast %squeeze3A_92 : f32 to vector<16xf32>
          %add3A_135 = arith.addf %gather3A, %add3A_134 : vector<16xf32>
          %gt3A_136 = arith.constant 0.000000e+00 : f32
          %gt3A_137 = vector.broadcast %gt3A_136 : f32 to vector<16xf32>
          %gt3A_138 = arith.cmpf ogt, %add3A_135, %gt3A_137 : vector<16xf32>
          %mul3A_139 = arith.constant 2.000000e-01 : f32
          %mul3A_140 = vector.broadcast %mul3A_139 : f32 to vector<16xf32>
          %mul3A_141 = arith.mulf %mul3A_140, %add3A_135 : vector<16xf32>
          %select_n3A_142 = arith.select %gt3A_138, %add3A_135, %mul3A_141 : vector<16xi1>, vector<16xf32>
          %sub3A_143 = vector.broadcast %select_n3A_97 : f32 to vector<16xf32>
          %sub3A_144 = arith.subf %select_n3A_142, %sub3A_143 : vector<16xf32>
          %exp3A = math.exp %sub3A_144 : vector<16xf32>
          %jit3A_145 = arith.constant 0.000000e+00 : f32
          %broadcast_in_dim3A_146 = vector.broadcast %jit3A_145 : f32 to vector<16xf32>
          %select_n3A_147 = arith.select %le3A_131, %exp3A, %broadcast_in_dim3A_146 : vector<16xi1>, vector<16xf32>
          %reduce_sum3A = arith.constant true
          %reduce_sum3A_148 = vector.broadcast %reduce_sum3A : i1 to vector<16xi1>
          %reduce_sum3A_149 = tpu.scan <sum>, %select_n3A_147 masked %reduce_sum3A_148 : vector<16xf32>, vector<16xi1> -> vector<16xf32>
          %reduce_sum3A_150 = vector.extract %reduce_sum3A_149[15] : f32 from vector<16xf32>
          %add3A_151 = arith.addf %while3A_125, %reduce_sum3A_150 : f32
          scf.yield %add3A_151 : f32
        }
        %broadcast_in_dim3A_110 = vector.broadcast %while3A_109 : f32 to vector<16xf32>
        %while3A_111 = arith.constant 0 : i32
        %while3A_112 = arith.constant 0 : i32
        %while3A_113 = arith.subi %select_n3A, %while3A_111 : i32
        %while3A_114 = arith.addi %while3A_111, %while3A_113 : i32
        %while3A_115 = arith.constant 1 : i32
        %while3A_116 = arith.divsi %while3A_113, %while3A_115 : i32
        %while3A_117 = arith.muli %while3A_116, %while3A_115 : i32
        %while3A_118 = arith.addi %while3A_111, %while3A_117 : i32
        %while3A_119 = arith.constant 1 : i32
        %while3A_120 = scf.for %while3A_124 = %while3A_111 to %while3A_118 step %while3A_119 iter_args(%while3A_125 = %while3A_112) -> (i32)  : i32 {
          %mul3A_126 = arith.constant 16 : i32
          %mul3A_127 = arith.muli %while3A_124, %mul3A_126 : i32
          %add3A_128 = arith.addi %sub3A_35, %mul3A_127 : i32
          %add3A_129 = vector.broadcast %add3A_128 : i32 to vector<16xi32>
          %add3A_130 = arith.addi %add3A_129, %iota3A : vector<16xi32>
          %le3A = vector.broadcast %min3A_39 : i32 to vector<16xi32>
          %le3A_131 = arith.cmpi sle, %add3A_130, %le3A : vector<16xi32>
          %min3A_132 = vector.broadcast %min3A_39 : i32 to vector<16xi32>
          %min3A_133 = arith.minsi %add3A_130, %min3A_132 : vector<16xi32>
          %gather3A = tpu.vector_load_idx %arg9[%min3A_133] : memref<24704xf32, #tpu.memory_space<vmem>>[vector<16xi32>], vector<16xf32>,
          %add3A_134 = vector.broadcast %squeeze3A_92 : f32 to vector<16xf32>
          %add3A_135 = arith.addf %gather3A, %add3A_134 : vector<16xf32>
          %gt3A_136 = arith.constant 0.000000e+00 : f32
          %gt3A_137 = vector.broadcast %gt3A_136 : f32 to vector<16xf32>
          %gt3A_138 = arith.cmpf ogt, %add3A_135, %gt3A_137 : vector<16xf32>
          %mul3A_139 = arith.constant 2.000000e-01 : f32
          %mul3A_140 = vector.broadcast %mul3A_139 : f32 to vector<16xf32>
          %mul3A_141 = arith.mulf %mul3A_140, %add3A_135 : vector<16xf32>
          %select_n3A_142 = arith.select %gt3A_138, %add3A_135, %mul3A_141 : vector<16xi1>, vector<16xf32>
          %sub3A_143 = vector.broadcast %select_n3A_97 : f32 to vector<16xf32>
          %sub3A_144 = arith.subf %select_n3A_142, %sub3A_143 : vector<16xf32>
          %exp3A = math.exp %sub3A_144 : vector<16xf32>
          %div3A_145 = arith.divf %exp3A, %broadcast_in_dim3A_110 : vector<16xf32>
          %min3A_146 = vector.broadcast %min3A_39 : i32 to vector<16xi32>
          %min3A_147 = arith.minsi %add3A_130, %min3A_146 : vector<16xi32>
          %gather3A_148 = tpu.vector_load_idx %arg11[%min3A_147] : memref<24576xf32, #tpu.memory_space<vmem>>[vector<16xi32>], vector<16xf32>,
          %add3A_149 = arith.addf %gather3A_148, %div3A_145 : vector<16xf32>
          tpu.vector_store_idx %arg11[%min3A_147], %add3A_149 masked %le3A_131 : memref<24576xf32, #tpu.memory_space<vmem>>[vector<16xi32>], vector<16xf32>, vector<16xi1>
          %while3A_150 = arith.constant 0 : i32
          scf.yield %while3A_150 : i32
        }
        %while3A_121 = arith.constant 1 : i32
        %while3A_122 = scf.for %while3A_124 = %while3A_118 to %while3A_114 step %while3A_121 iter_args(%while3A_125 = %while3A_120) -> (i32)  : i32 {
          %mul3A_126 = arith.constant 16 : i32
          %mul3A_127 = arith.muli %while3A_124, %mul3A_126 : i32
          %add3A_128 = arith.addi %sub3A_35, %mul3A_127 : i32
          %add3A_129 = vector.broadcast %add3A_128 : i32 to vector<16xi32>
          %add3A_130 = arith.addi %add3A_129, %iota3A : vector<16xi32>
          %le3A = vector.broadcast %min3A_39 : i32 to vector<16xi32>
          %le3A_131 = arith.cmpi sle, %add3A_130, %le3A : vector<16xi32>
          %min3A_132 = vector.broadcast %min3A_39 : i32 to vector<16xi32>
          %min3A_133 = arith.minsi %add3A_130, %min3A_132 : vector<16xi32>
          %gather3A = tpu.vector_load_idx %arg9[%min3A_133] : memref<24704xf32, #tpu.memory_space<vmem>>[vector<16xi32>], vector<16xf32>,
          %add3A_134 = vector.broadcast %squeeze3A_92 : f32 to vector<16xf32>
          %add3A_135 = arith.addf %gather3A, %add3A_134 : vector<16xf32>
          %gt3A_136 = arith.constant 0.000000e+00 : f32
          %gt3A_137 = vector.broadcast %gt3A_136 : f32 to vector<16xf32>
          %gt3A_138 = arith.cmpf ogt, %add3A_135, %gt3A_137 : vector<16xf32>
          %mul3A_139 = arith.constant 2.000000e-01 : f32
          %mul3A_140 = vector.broadcast %mul3A_139 : f32 to vector<16xf32>
          %mul3A_141 = arith.mulf %mul3A_140, %add3A_135 : vector<16xf32>
          %select_n3A_142 = arith.select %gt3A_138, %add3A_135, %mul3A_141 : vector<16xi1>, vector<16xf32>
          %sub3A_143 = vector.broadcast %select_n3A_97 : f32 to vector<16xf32>
          %sub3A_144 = arith.subf %select_n3A_142, %sub3A_143 : vector<16xf32>
          %exp3A = math.exp %sub3A_144 : vector<16xf32>
          %div3A_145 = arith.divf %exp3A, %broadcast_in_dim3A_110 : vector<16xf32>
          %min3A_146 = vector.broadcast %min3A_39 : i32 to vector<16xi32>
          %min3A_147 = arith.minsi %add3A_130, %min3A_146 : vector<16xi32>
          %gather3A_148 = tpu.vector_load_idx %arg11[%min3A_147] : memref<24576xf32, #tpu.memory_space<vmem>>[vector<16xi32>], vector<16xf32>,
          %add3A_149 = arith.addf %gather3A_148, %div3A_145 : vector<16xf32>
          tpu.vector_store_idx %arg11[%min3A_147], %add3A_149 masked %le3A_131 : memref<24576xf32, #tpu.memory_space<vmem>>[vector<16xi32>], vector<16xf32>, vector<16xi1>
          %while3A_150 = arith.constant 0 : i32
          scf.yield %while3A_150 : i32
        }
        %while3A_123 = arith.constant 0 : i32
        scf.yield %while3A_123 : i32
      }
      %while3A_83 = arith.constant 0 : i32
      scf.yield %while3A_83 : i32
    }
    %while3A_21 = arith.constant 1 : i32
    %while3A_22 = scf.for %while3A_23 = %while3A_18 to %while3A_14 step %while3A_21 iter_args(%while3A_24 = %while3A_20) -> (i32)  : i32 {
      %get3A_25 = arith.index_cast %while3A_23 : i32 to index
      %get3A_26 = tpu.vector_load %arg8[%get3A_25] {strides = array<i32>} : memref<10112xi32, #tpu.memory_space<vmem>>, vector<16xi32>,
      %slice3A_27 = vector.extract_strided_slice %get3A_26 {offsets = [0], sizes = [1], strides = [1]} : vector<16xi32> to vector<1xi32>
      %squeeze3A_28 = vector.extract %slice3A_27[0] : i32 from vector<1xi32>
      %add3A_29 = arith.constant 1 : i32
      %add3A_30 = arith.addi %while3A_23, %add3A_29 : i32
      %get3A_31 = arith.index_cast %add3A_30 : i32 to index
      %get3A_32 = tpu.vector_load %arg8[%get3A_31] {strides = array<i32>} : memref<10112xi32, #tpu.memory_space<vmem>>, vector<16xi32>,
      %slice3A_33 = vector.extract_strided_slice %get3A_32 {offsets = [0], sizes = [1], strides = [1]} : vector<16xi32> to vector<1xi32>
      %squeeze3A_34 = vector.extract %slice3A_33[0] : i32 from vector<1xi32>
      %sub3A = arith.subi %squeeze3A_34, %squeeze3A_28 : i32
      %sub3A_35 = arith.subi %squeeze3A_28, %multiple_of3A : i32
      %add3A_36 = arith.addi %sub3A_35, %sub3A : i32
      %sub3A_37 = arith.constant 1 : i32
      %sub3A_38 = arith.subi %add3A_36, %sub3A_37 : i32
      %min3A = arith.constant 24575 : i32
      %min3A_39 = arith.minsi %sub3A_38, %min3A : i32
      %add3A_40 = arith.constant 15 : i32
      %add3A_41 = arith.addi %sub3A, %add3A_40 : i32
      %jit3A = arith.constant 16 : i32
      %div3A = arith.divsi %add3A_41, %jit3A : i32
      %sign3A = arith.constant 0 : i32
      %sign3A_42 = arith.cmpi sgt, %add3A_41, %sign3A : i32
      %sign3A_43 = arith.extui %sign3A_42 : i1 to i32
      %sign3A_44 = arith.constant 0 : i32
      %sign3A_45 = arith.cmpi slt, %add3A_41, %sign3A_44 : i32
      %sign3A_46 = arith.extui %sign3A_45 : i1 to i32
      %sign3A_47 = arith.subi %sign3A_43, %sign3A_46 : i32
      %sign3A_48 = arith.constant 0 : i32
      %sign3A_49 = arith.cmpi sgt, %jit3A, %sign3A_48 : i32
      %sign3A_50 = arith.extui %sign3A_49 : i1 to i32
      %sign3A_51 = arith.constant 0 : i32
      %sign3A_52 = arith.cmpi slt, %jit3A, %sign3A_51 : i32
      %sign3A_53 = arith.extui %sign3A_52 : i1 to i32
      %sign3A_54 = arith.subi %sign3A_50, %sign3A_53 : i32
      %ne3A = arith.cmpi ne, %sign3A_47, %sign3A_54 : i32
      %rem3A = arith.remsi %add3A_41, %jit3A : i32
      %ne3A_55 = arith.constant 0 : i32
      %ne3A_56 = arith.cmpi ne, %rem3A, %ne3A_55 : i32
      %and3A = arith.andi %ne3A, %ne3A_56 : i1
      %sub3A_57 = arith.constant 1 : i32
      %sub3A_58 = arith.subi %div3A, %sub3A_57 : i32
      %select_n3A = arith.select %and3A, %sub3A_58, %div3A : i32
      %while3A_59 = arith.constant 0 : i32
      %while3A_60 = arith.constant -3.000000e+38 : f32
      %while3A_61 = arith.subi %select_n3A, %while3A_59 : i32
      %while3A_62 = arith.addi %while3A_59, %while3A_61 : i32
      %while3A_63 = arith.constant 1 : i32
      %while3A_64 = arith.divsi %while3A_61, %while3A_63 : i32
      %while3A_65 = arith.muli %while3A_64, %while3A_63 : i32
      %while3A_66 = arith.addi %while3A_59, %while3A_65 : i32
      %while3A_67 = arith.constant 1 : i32
      %while3A_68 = scf.for %while3A_84 = %while3A_59 to %while3A_66 step %while3A_67 iter_args(%while3A_85 = %while3A_60) -> (f32)  : i32 {
        %mul3A_86 = arith.constant 16 : i32
        %mul3A_87 = arith.muli %while3A_84, %mul3A_86 : i32
        %add3A_88 = arith.addi %sub3A_35, %mul3A_87 : i32
        %add3A_89 = vector.broadcast %add3A_88 : i32 to vector<16xi32>
        %add3A_90 = arith.addi %add3A_89, %iota3A : vector<16xi32>
        %le3A = vector.broadcast %min3A_39 : i32 to vector<16xi32>
        %le3A_91 = arith.cmpi sle, %add3A_90, %le3A : vector<16xi32>
        %min3A_92 = vector.broadcast %min3A_39 : i32 to vector<16xi32>
        %min3A_93 = arith.minsi %add3A_90, %min3A_92 : vector<16xi32>
        %gather3A = tpu.vector_load_idx %arg9[%min3A_93] : memref<24704xf32, #tpu.memory_space<vmem>>[vector<16xi32>], vector<16xf32>,
        %jit3A_94 = arith.constant -3.000000e+38 : f32
        %broadcast_in_dim3A_95 = vector.broadcast %jit3A_94 : f32 to vector<16xf32>
        %select_n3A_96 = arith.select %le3A_91, %gather3A, %broadcast_in_dim3A_95 : vector<16xi1>, vector<16xf32>
        %reduce_max3A = arith.constant true
        %reduce_max3A_97 = vector.broadcast %reduce_max3A : i1 to vector<16xi1>
        %reduce_max3A_98 = tpu.scan <max>, %select_n3A_96 masked %reduce_max3A_97 : vector<16xf32>, vector<16xi1> -> vector<16xf32>
        %reduce_max3A_99 = vector.extract %reduce_max3A_98[15] : f32 from vector<16xf32>
        %max3A = arith.maximumf %while3A_85, %reduce_max3A_99 : f32
        scf.yield %max3A : f32
      }
      %while3A_69 = arith.constant 1 : i32
      %while3A_70 = scf.for %while3A_84 = %while3A_66 to %while3A_62 step %while3A_69 iter_args(%while3A_85 = %while3A_68) -> (f32)  : i32 {
        %mul3A_86 = arith.constant 16 : i32
        %mul3A_87 = arith.muli %while3A_84, %mul3A_86 : i32
        %add3A_88 = arith.addi %sub3A_35, %mul3A_87 : i32
        %add3A_89 = vector.broadcast %add3A_88 : i32 to vector<16xi32>
        %add3A_90 = arith.addi %add3A_89, %iota3A : vector<16xi32>
        %le3A = vector.broadcast %min3A_39 : i32 to vector<16xi32>
        %le3A_91 = arith.cmpi sle, %add3A_90, %le3A : vector<16xi32>
        %min3A_92 = vector.broadcast %min3A_39 : i32 to vector<16xi32>
        %min3A_93 = arith.minsi %add3A_90, %min3A_92 : vector<16xi32>
        %gather3A = tpu.vector_load_idx %arg9[%min3A_93] : memref<24704xf32, #tpu.memory_space<vmem>>[vector<16xi32>], vector<16xf32>,
        %jit3A_94 = arith.constant -3.000000e+38 : f32
        %broadcast_in_dim3A_95 = vector.broadcast %jit3A_94 : f32 to vector<16xf32>
        %select_n3A_96 = arith.select %le3A_91, %gather3A, %broadcast_in_dim3A_95 : vector<16xi1>, vector<16xf32>
        %reduce_max3A = arith.constant true
        %reduce_max3A_97 = vector.broadcast %reduce_max3A : i1 to vector<16xi1>
        %reduce_max3A_98 = tpu.scan <max>, %select_n3A_96 masked %reduce_max3A_97 : vector<16xf32>, vector<16xi1> -> vector<16xf32>
        %reduce_max3A_99 = vector.extract %reduce_max3A_98[15] : f32 from vector<16xf32>
        %max3A = arith.maximumf %while3A_85, %reduce_max3A_99 : f32
        scf.yield %max3A : f32
      }
      %while3A_71 = arith.constant 0 : i32
      %while3A_72 = arith.constant 0 : i32
      %while3A_73 = arith.subi %sub3A, %while3A_71 : i32
      %while3A_74 = arith.addi %while3A_71, %while3A_73 : i32
      %while3A_75 = arith.constant 1 : i32
      %while3A_76 = arith.divsi %while3A_73, %while3A_75 : i32
      %while3A_77 = arith.muli %while3A_76, %while3A_75 : i32
      %while3A_78 = arith.addi %while3A_71, %while3A_77 : i32
      %while3A_79 = arith.constant 1 : i32
      %while3A_80 = scf.for %while3A_84 = %while3A_71 to %while3A_78 step %while3A_79 iter_args(%while3A_85 = %while3A_72) -> (i32)  : i32 {
        %add3A_86 = arith.addi %sub3A_35, %while3A_84 : i32
        %min3A_87 = arith.constant 24575 : i32
        %min3A_88 = arith.minsi %add3A_86, %min3A_87 : i32
        %get3A_89 = arith.index_cast %min3A_88 : i32 to index
        %get3A_90 = tpu.vector_load %arg10[%get3A_89] {strides = array<i32>} : memref<24704xf32, #tpu.memory_space<vmem>>, vector<16xf32>,
        %slice3A_91 = vector.extract_strided_slice %get3A_90 {offsets = [0], sizes = [1], strides = [1]} : vector<16xf32> to vector<1xf32>
        %squeeze3A_92 = vector.extract %slice3A_91[0] : f32 from vector<1xf32>
        %add3A_93 = arith.addf %while3A_70, %squeeze3A_92 : f32
        %gt3A = arith.constant 0.000000e+00 : f32
        %gt3A_94 = arith.cmpf ogt, %add3A_93, %gt3A : f32
        %mul3A_95 = arith.constant 2.000000e-01 : f32
        %mul3A_96 = arith.mulf %mul3A_95, %add3A_93 : f32
        %select_n3A_97 = arith.select %gt3A_94, %add3A_93, %mul3A_96 : f32
        %while3A_98 = arith.constant 0 : i32
        %while3A_99 = arith.constant 0.000000e+00 : f32
        %while3A_100 = arith.subi %select_n3A, %while3A_98 : i32
        %while3A_101 = arith.addi %while3A_98, %while3A_100 : i32
        %while3A_102 = arith.constant 1 : i32
        %while3A_103 = arith.divsi %while3A_100, %while3A_102 : i32
        %while3A_104 = arith.muli %while3A_103, %while3A_102 : i32
        %while3A_105 = arith.addi %while3A_98, %while3A_104 : i32
        %while3A_106 = arith.constant 1 : i32
        %while3A_107 = scf.for %while3A_124 = %while3A_98 to %while3A_105 step %while3A_106 iter_args(%while3A_125 = %while3A_99) -> (f32)  : i32 {
          %mul3A_126 = arith.constant 16 : i32
          %mul3A_127 = arith.muli %while3A_124, %mul3A_126 : i32
          %add3A_128 = arith.addi %sub3A_35, %mul3A_127 : i32
          %add3A_129 = vector.broadcast %add3A_128 : i32 to vector<16xi32>
          %add3A_130 = arith.addi %add3A_129, %iota3A : vector<16xi32>
          %le3A = vector.broadcast %min3A_39 : i32 to vector<16xi32>
          %le3A_131 = arith.cmpi sle, %add3A_130, %le3A : vector<16xi32>
          %min3A_132 = vector.broadcast %min3A_39 : i32 to vector<16xi32>
          %min3A_133 = arith.minsi %add3A_130, %min3A_132 : vector<16xi32>
          %gather3A = tpu.vector_load_idx %arg9[%min3A_133] : memref<24704xf32, #tpu.memory_space<vmem>>[vector<16xi32>], vector<16xf32>,
          %add3A_134 = vector.broadcast %squeeze3A_92 : f32 to vector<16xf32>
          %add3A_135 = arith.addf %gather3A, %add3A_134 : vector<16xf32>
          %gt3A_136 = arith.constant 0.000000e+00 : f32
          %gt3A_137 = vector.broadcast %gt3A_136 : f32 to vector<16xf32>
          %gt3A_138 = arith.cmpf ogt, %add3A_135, %gt3A_137 : vector<16xf32>
          %mul3A_139 = arith.constant 2.000000e-01 : f32
          %mul3A_140 = vector.broadcast %mul3A_139 : f32 to vector<16xf32>
          %mul3A_141 = arith.mulf %mul3A_140, %add3A_135 : vector<16xf32>
          %select_n3A_142 = arith.select %gt3A_138, %add3A_135, %mul3A_141 : vector<16xi1>, vector<16xf32>
          %sub3A_143 = vector.broadcast %select_n3A_97 : f32 to vector<16xf32>
          %sub3A_144 = arith.subf %select_n3A_142, %sub3A_143 : vector<16xf32>
          %exp3A = math.exp %sub3A_144 : vector<16xf32>
          %jit3A_145 = arith.constant 0.000000e+00 : f32
          %broadcast_in_dim3A_146 = vector.broadcast %jit3A_145 : f32 to vector<16xf32>
          %select_n3A_147 = arith.select %le3A_131, %exp3A, %broadcast_in_dim3A_146 : vector<16xi1>, vector<16xf32>
          %reduce_sum3A = arith.constant true
          %reduce_sum3A_148 = vector.broadcast %reduce_sum3A : i1 to vector<16xi1>
          %reduce_sum3A_149 = tpu.scan <sum>, %select_n3A_147 masked %reduce_sum3A_148 : vector<16xf32>, vector<16xi1> -> vector<16xf32>
          %reduce_sum3A_150 = vector.extract %reduce_sum3A_149[15] : f32 from vector<16xf32>
          %add3A_151 = arith.addf %while3A_125, %reduce_sum3A_150 : f32
          scf.yield %add3A_151 : f32
        }
        %while3A_108 = arith.constant 1 : i32
        %while3A_109 = scf.for %while3A_124 = %while3A_105 to %while3A_101 step %while3A_108 iter_args(%while3A_125 = %while3A_107) -> (f32)  : i32 {
          %mul3A_126 = arith.constant 16 : i32
          %mul3A_127 = arith.muli %while3A_124, %mul3A_126 : i32
          %add3A_128 = arith.addi %sub3A_35, %mul3A_127 : i32
          %add3A_129 = vector.broadcast %add3A_128 : i32 to vector<16xi32>
          %add3A_130 = arith.addi %add3A_129, %iota3A : vector<16xi32>
          %le3A = vector.broadcast %min3A_39 : i32 to vector<16xi32>
          %le3A_131 = arith.cmpi sle, %add3A_130, %le3A : vector<16xi32>
          %min3A_132 = vector.broadcast %min3A_39 : i32 to vector<16xi32>
          %min3A_133 = arith.minsi %add3A_130, %min3A_132 : vector<16xi32>
          %gather3A = tpu.vector_load_idx %arg9[%min3A_133] : memref<24704xf32, #tpu.memory_space<vmem>>[vector<16xi32>], vector<16xf32>,
          %add3A_134 = vector.broadcast %squeeze3A_92 : f32 to vector<16xf32>
          %add3A_135 = arith.addf %gather3A, %add3A_134 : vector<16xf32>
          %gt3A_136 = arith.constant 0.000000e+00 : f32
          %gt3A_137 = vector.broadcast %gt3A_136 : f32 to vector<16xf32>
          %gt3A_138 = arith.cmpf ogt, %add3A_135, %gt3A_137 : vector<16xf32>
          %mul3A_139 = arith.constant 2.000000e-01 : f32
          %mul3A_140 = vector.broadcast %mul3A_139 : f32 to vector<16xf32>
          %mul3A_141 = arith.mulf %mul3A_140, %add3A_135 : vector<16xf32>
          %select_n3A_142 = arith.select %gt3A_138, %add3A_135, %mul3A_141 : vector<16xi1>, vector<16xf32>
          %sub3A_143 = vector.broadcast %select_n3A_97 : f32 to vector<16xf32>
          %sub3A_144 = arith.subf %select_n3A_142, %sub3A_143 : vector<16xf32>
          %exp3A = math.exp %sub3A_144 : vector<16xf32>
          %jit3A_145 = arith.constant 0.000000e+00 : f32
          %broadcast_in_dim3A_146 = vector.broadcast %jit3A_145 : f32 to vector<16xf32>
          %select_n3A_147 = arith.select %le3A_131, %exp3A, %broadcast_in_dim3A_146 : vector<16xi1>, vector<16xf32>
          %reduce_sum3A = arith.constant true
          %reduce_sum3A_148 = vector.broadcast %reduce_sum3A : i1 to vector<16xi1>
          %reduce_sum3A_149 = tpu.scan <sum>, %select_n3A_147 masked %reduce_sum3A_148 : vector<16xf32>, vector<16xi1> -> vector<16xf32>
          %reduce_sum3A_150 = vector.extract %reduce_sum3A_149[15] : f32 from vector<16xf32>
          %add3A_151 = arith.addf %while3A_125, %reduce_sum3A_150 : f32
          scf.yield %add3A_151 : f32
        }
        %broadcast_in_dim3A_110 = vector.broadcast %while3A_109 : f32 to vector<16xf32>
        %while3A_111 = arith.constant 0 : i32
        %while3A_112 = arith.constant 0 : i32
        %while3A_113 = arith.subi %select_n3A, %while3A_111 : i32
        %while3A_114 = arith.addi %while3A_111, %while3A_113 : i32
        %while3A_115 = arith.constant 1 : i32
        %while3A_116 = arith.divsi %while3A_113, %while3A_115 : i32
        %while3A_117 = arith.muli %while3A_116, %while3A_115 : i32
        %while3A_118 = arith.addi %while3A_111, %while3A_117 : i32
        %while3A_119 = arith.constant 1 : i32
        %while3A_120 = scf.for %while3A_124 = %while3A_111 to %while3A_118 step %while3A_119 iter_args(%while3A_125 = %while3A_112) -> (i32)  : i32 {
          %mul3A_126 = arith.constant 16 : i32
          %mul3A_127 = arith.muli %while3A_124, %mul3A_126 : i32
          %add3A_128 = arith.addi %sub3A_35, %mul3A_127 : i32
          %add3A_129 = vector.broadcast %add3A_128 : i32 to vector<16xi32>
          %add3A_130 = arith.addi %add3A_129, %iota3A : vector<16xi32>
          %le3A = vector.broadcast %min3A_39 : i32 to vector<16xi32>
          %le3A_131 = arith.cmpi sle, %add3A_130, %le3A : vector<16xi32>
          %min3A_132 = vector.broadcast %min3A_39 : i32 to vector<16xi32>
          %min3A_133 = arith.minsi %add3A_130, %min3A_132 : vector<16xi32>
          %gather3A = tpu.vector_load_idx %arg9[%min3A_133] : memref<24704xf32, #tpu.memory_space<vmem>>[vector<16xi32>], vector<16xf32>,
          %add3A_134 = vector.broadcast %squeeze3A_92 : f32 to vector<16xf32>
          %add3A_135 = arith.addf %gather3A, %add3A_134 : vector<16xf32>
          %gt3A_136 = arith.constant 0.000000e+00 : f32
          %gt3A_137 = vector.broadcast %gt3A_136 : f32 to vector<16xf32>
          %gt3A_138 = arith.cmpf ogt, %add3A_135, %gt3A_137 : vector<16xf32>
          %mul3A_139 = arith.constant 2.000000e-01 : f32
          %mul3A_140 = vector.broadcast %mul3A_139 : f32 to vector<16xf32>
          %mul3A_141 = arith.mulf %mul3A_140, %add3A_135 : vector<16xf32>
          %select_n3A_142 = arith.select %gt3A_138, %add3A_135, %mul3A_141 : vector<16xi1>, vector<16xf32>
          %sub3A_143 = vector.broadcast %select_n3A_97 : f32 to vector<16xf32>
          %sub3A_144 = arith.subf %select_n3A_142, %sub3A_143 : vector<16xf32>
          %exp3A = math.exp %sub3A_144 : vector<16xf32>
          %div3A_145 = arith.divf %exp3A, %broadcast_in_dim3A_110 : vector<16xf32>
          %min3A_146 = vector.broadcast %min3A_39 : i32 to vector<16xi32>
          %min3A_147 = arith.minsi %add3A_130, %min3A_146 : vector<16xi32>
          %gather3A_148 = tpu.vector_load_idx %arg11[%min3A_147] : memref<24576xf32, #tpu.memory_space<vmem>>[vector<16xi32>], vector<16xf32>,
          %add3A_149 = arith.addf %gather3A_148, %div3A_145 : vector<16xf32>
          tpu.vector_store_idx %arg11[%min3A_147], %add3A_149 masked %le3A_131 : memref<24576xf32, #tpu.memory_space<vmem>>[vector<16xi32>], vector<16xf32>, vector<16xi1>
          %while3A_150 = arith.constant 0 : i32
          scf.yield %while3A_150 : i32
        }
        %while3A_121 = arith.constant 1 : i32
        %while3A_122 = scf.for %while3A_124 = %while3A_118 to %while3A_114 step %while3A_121 iter_args(%while3A_125 = %while3A_120) -> (i32)  : i32 {
          %mul3A_126 = arith.constant 16 : i32
          %mul3A_127 = arith.muli %while3A_124, %mul3A_126 : i32
          %add3A_128 = arith.addi %sub3A_35, %mul3A_127 : i32
          %add3A_129 = vector.broadcast %add3A_128 : i32 to vector<16xi32>
          %add3A_130 = arith.addi %add3A_129, %iota3A : vector<16xi32>
          %le3A = vector.broadcast %min3A_39 : i32 to vector<16xi32>
          %le3A_131 = arith.cmpi sle, %add3A_130, %le3A : vector<16xi32>
          %min3A_132 = vector.broadcast %min3A_39 : i32 to vector<16xi32>
          %min3A_133 = arith.minsi %add3A_130, %min3A_132 : vector<16xi32>
          %gather3A = tpu.vector_load_idx %arg9[%min3A_133] : memref<24704xf32, #tpu.memory_space<vmem>>[vector<16xi32>], vector<16xf32>,
          %add3A_134 = vector.broadcast %squeeze3A_92 : f32 to vector<16xf32>
          %add3A_135 = arith.addf %gather3A, %add3A_134 : vector<16xf32>
          %gt3A_136 = arith.constant 0.000000e+00 : f32
          %gt3A_137 = vector.broadcast %gt3A_136 : f32 to vector<16xf32>
          %gt3A_138 = arith.cmpf ogt, %add3A_135, %gt3A_137 : vector<16xf32>
          %mul3A_139 = arith.constant 2.000000e-01 : f32
          %mul3A_140 = vector.broadcast %mul3A_139 : f32 to vector<16xf32>
          %mul3A_141 = arith.mulf %mul3A_140, %add3A_135 : vector<16xf32>
          %select_n3A_142 = arith.select %gt3A_138, %add3A_135, %mul3A_141 : vector<16xi1>, vector<16xf32>
          %sub3A_143 = vector.broadcast %select_n3A_97 : f32 to vector<16xf32>
          %sub3A_144 = arith.subf %select_n3A_142, %sub3A_143 : vector<16xf32>
          %exp3A = math.exp %sub3A_144 : vector<16xf32>
          %div3A_145 = arith.divf %exp3A, %broadcast_in_dim3A_110 : vector<16xf32>
          %min3A_146 = vector.broadcast %min3A_39 : i32 to vector<16xi32>
          %min3A_147 = arith.minsi %add3A_130, %min3A_146 : vector<16xi32>
          %gather3A_148 = tpu.vector_load_idx %arg11[%min3A_147] : memref<24576xf32, #tpu.memory_space<vmem>>[vector<16xi32>], vector<16xf32>,
          %add3A_149 = arith.addf %gather3A_148, %div3A_145 : vector<16xf32>
          tpu.vector_store_idx %arg11[%min3A_147], %add3A_149 masked %le3A_131 : memref<24576xf32, #tpu.memory_space<vmem>>[vector<16xi32>], vector<16xf32>, vector<16xi1>
          %while3A_150 = arith.constant 0 : i32
          scf.yield %while3A_150 : i32
        }
        %while3A_123 = arith.constant 0 : i32
        scf.yield %while3A_123 : i32
      }
      %while3A_81 = arith.constant 1 : i32
      %while3A_82 = scf.for %while3A_84 = %while3A_78 to %while3A_74 step %while3A_81 iter_args(%while3A_85 = %while3A_80) -> (i32)  : i32 {
        %add3A_86 = arith.addi %sub3A_35, %while3A_84 : i32
        %min3A_87 = arith.constant 24575 : i32
        %min3A_88 = arith.minsi %add3A_86, %min3A_87 : i32
        %get3A_89 = arith.index_cast %min3A_88 : i32 to index
        %get3A_90 = tpu.vector_load %arg10[%get3A_89] {strides = array<i32>} : memref<24704xf32, #tpu.memory_space<vmem>>, vector<16xf32>,
        %slice3A_91 = vector.extract_strided_slice %get3A_90 {offsets = [0], sizes = [1], strides = [1]} : vector<16xf32> to vector<1xf32>
        %squeeze3A_92 = vector.extract %slice3A_91[0] : f32 from vector<1xf32>
        %add3A_93 = arith.addf %while3A_70, %squeeze3A_92 : f32
        %gt3A = arith.constant 0.000000e+00 : f32
        %gt3A_94 = arith.cmpf ogt, %add3A_93, %gt3A : f32
        %mul3A_95 = arith.constant 2.000000e-01 : f32
        %mul3A_96 = arith.mulf %mul3A_95, %add3A_93 : f32
        %select_n3A_97 = arith.select %gt3A_94, %add3A_93, %mul3A_96 : f32
        %while3A_98 = arith.constant 0 : i32
        %while3A_99 = arith.constant 0.000000e+00 : f32
        %while3A_100 = arith.subi %select_n3A, %while3A_98 : i32
        %while3A_101 = arith.addi %while3A_98, %while3A_100 : i32
        %while3A_102 = arith.constant 1 : i32
        %while3A_103 = arith.divsi %while3A_100, %while3A_102 : i32
        %while3A_104 = arith.muli %while3A_103, %while3A_102 : i32
        %while3A_105 = arith.addi %while3A_98, %while3A_104 : i32
        %while3A_106 = arith.constant 1 : i32
        %while3A_107 = scf.for %while3A_124 = %while3A_98 to %while3A_105 step %while3A_106 iter_args(%while3A_125 = %while3A_99) -> (f32)  : i32 {
          %mul3A_126 = arith.constant 16 : i32
          %mul3A_127 = arith.muli %while3A_124, %mul3A_126 : i32
          %add3A_128 = arith.addi %sub3A_35, %mul3A_127 : i32
          %add3A_129 = vector.broadcast %add3A_128 : i32 to vector<16xi32>
          %add3A_130 = arith.addi %add3A_129, %iota3A : vector<16xi32>
          %le3A = vector.broadcast %min3A_39 : i32 to vector<16xi32>
          %le3A_131 = arith.cmpi sle, %add3A_130, %le3A : vector<16xi32>
          %min3A_132 = vector.broadcast %min3A_39 : i32 to vector<16xi32>
          %min3A_133 = arith.minsi %add3A_130, %min3A_132 : vector<16xi32>
          %gather3A = tpu.vector_load_idx %arg9[%min3A_133] : memref<24704xf32, #tpu.memory_space<vmem>>[vector<16xi32>], vector<16xf32>,
          %add3A_134 = vector.broadcast %squeeze3A_92 : f32 to vector<16xf32>
          %add3A_135 = arith.addf %gather3A, %add3A_134 : vector<16xf32>
          %gt3A_136 = arith.constant 0.000000e+00 : f32
          %gt3A_137 = vector.broadcast %gt3A_136 : f32 to vector<16xf32>
          %gt3A_138 = arith.cmpf ogt, %add3A_135, %gt3A_137 : vector<16xf32>
          %mul3A_139 = arith.constant 2.000000e-01 : f32
          %mul3A_140 = vector.broadcast %mul3A_139 : f32 to vector<16xf32>
          %mul3A_141 = arith.mulf %mul3A_140, %add3A_135 : vector<16xf32>
          %select_n3A_142 = arith.select %gt3A_138, %add3A_135, %mul3A_141 : vector<16xi1>, vector<16xf32>
          %sub3A_143 = vector.broadcast %select_n3A_97 : f32 to vector<16xf32>
          %sub3A_144 = arith.subf %select_n3A_142, %sub3A_143 : vector<16xf32>
          %exp3A = math.exp %sub3A_144 : vector<16xf32>
          %jit3A_145 = arith.constant 0.000000e+00 : f32
          %broadcast_in_dim3A_146 = vector.broadcast %jit3A_145 : f32 to vector<16xf32>
          %select_n3A_147 = arith.select %le3A_131, %exp3A, %broadcast_in_dim3A_146 : vector<16xi1>, vector<16xf32>
          %reduce_sum3A = arith.constant true
          %reduce_sum3A_148 = vector.broadcast %reduce_sum3A : i1 to vector<16xi1>
          %reduce_sum3A_149 = tpu.scan <sum>, %select_n3A_147 masked %reduce_sum3A_148 : vector<16xf32>, vector<16xi1> -> vector<16xf32>
          %reduce_sum3A_150 = vector.extract %reduce_sum3A_149[15] : f32 from vector<16xf32>
          %add3A_151 = arith.addf %while3A_125, %reduce_sum3A_150 : f32
          scf.yield %add3A_151 : f32
        }
        %while3A_108 = arith.constant 1 : i32
        %while3A_109 = scf.for %while3A_124 = %while3A_105 to %while3A_101 step %while3A_108 iter_args(%while3A_125 = %while3A_107) -> (f32)  : i32 {
          %mul3A_126 = arith.constant 16 : i32
          %mul3A_127 = arith.muli %while3A_124, %mul3A_126 : i32
          %add3A_128 = arith.addi %sub3A_35, %mul3A_127 : i32
          %add3A_129 = vector.broadcast %add3A_128 : i32 to vector<16xi32>
          %add3A_130 = arith.addi %add3A_129, %iota3A : vector<16xi32>
          %le3A = vector.broadcast %min3A_39 : i32 to vector<16xi32>
          %le3A_131 = arith.cmpi sle, %add3A_130, %le3A : vector<16xi32>
          %min3A_132 = vector.broadcast %min3A_39 : i32 to vector<16xi32>
          %min3A_133 = arith.minsi %add3A_130, %min3A_132 : vector<16xi32>
          %gather3A = tpu.vector_load_idx %arg9[%min3A_133] : memref<24704xf32, #tpu.memory_space<vmem>>[vector<16xi32>], vector<16xf32>,
          %add3A_134 = vector.broadcast %squeeze3A_92 : f32 to vector<16xf32>
          %add3A_135 = arith.addf %gather3A, %add3A_134 : vector<16xf32>
          %gt3A_136 = arith.constant 0.000000e+00 : f32
          %gt3A_137 = vector.broadcast %gt3A_136 : f32 to vector<16xf32>
          %gt3A_138 = arith.cmpf ogt, %add3A_135, %gt3A_137 : vector<16xf32>
          %mul3A_139 = arith.constant 2.000000e-01 : f32
          %mul3A_140 = vector.broadcast %mul3A_139 : f32 to vector<16xf32>
          %mul3A_141 = arith.mulf %mul3A_140, %add3A_135 : vector<16xf32>
          %select_n3A_142 = arith.select %gt3A_138, %add3A_135, %mul3A_141 : vector<16xi1>, vector<16xf32>
          %sub3A_143 = vector.broadcast %select_n3A_97 : f32 to vector<16xf32>
          %sub3A_144 = arith.subf %select_n3A_142, %sub3A_143 : vector<16xf32>
          %exp3A = math.exp %sub3A_144 : vector<16xf32>
          %jit3A_145 = arith.constant 0.000000e+00 : f32
          %broadcast_in_dim3A_146 = vector.broadcast %jit3A_145 : f32 to vector<16xf32>
          %select_n3A_147 = arith.select %le3A_131, %exp3A, %broadcast_in_dim3A_146 : vector<16xi1>, vector<16xf32>
          %reduce_sum3A = arith.constant true
          %reduce_sum3A_148 = vector.broadcast %reduce_sum3A : i1 to vector<16xi1>
          %reduce_sum3A_149 = tpu.scan <sum>, %select_n3A_147 masked %reduce_sum3A_148 : vector<16xf32>, vector<16xi1> -> vector<16xf32>
          %reduce_sum3A_150 = vector.extract %reduce_sum3A_149[15] : f32 from vector<16xf32>
          %add3A_151 = arith.addf %while3A_125, %reduce_sum3A_150 : f32
          scf.yield %add3A_151 : f32
        }
        %broadcast_in_dim3A_110 = vector.broadcast %while3A_109 : f32 to vector<16xf32>
        %while3A_111 = arith.constant 0 : i32
        %while3A_112 = arith.constant 0 : i32
        %while3A_113 = arith.subi %select_n3A, %while3A_111 : i32
        %while3A_114 = arith.addi %while3A_111, %while3A_113 : i32
        %while3A_115 = arith.constant 1 : i32
        %while3A_116 = arith.divsi %while3A_113, %while3A_115 : i32
        %while3A_117 = arith.muli %while3A_116, %while3A_115 : i32
        %while3A_118 = arith.addi %while3A_111, %while3A_117 : i32
        %while3A_119 = arith.constant 1 : i32
        %while3A_120 = scf.for %while3A_124 = %while3A_111 to %while3A_118 step %while3A_119 iter_args(%while3A_125 = %while3A_112) -> (i32)  : i32 {
          %mul3A_126 = arith.constant 16 : i32
          %mul3A_127 = arith.muli %while3A_124, %mul3A_126 : i32
          %add3A_128 = arith.addi %sub3A_35, %mul3A_127 : i32
          %add3A_129 = vector.broadcast %add3A_128 : i32 to vector<16xi32>
          %add3A_130 = arith.addi %add3A_129, %iota3A : vector<16xi32>
          %le3A = vector.broadcast %min3A_39 : i32 to vector<16xi32>
          %le3A_131 = arith.cmpi sle, %add3A_130, %le3A : vector<16xi32>
          %min3A_132 = vector.broadcast %min3A_39 : i32 to vector<16xi32>
          %min3A_133 = arith.minsi %add3A_130, %min3A_132 : vector<16xi32>
          %gather3A = tpu.vector_load_idx %arg9[%min3A_133] : memref<24704xf32, #tpu.memory_space<vmem>>[vector<16xi32>], vector<16xf32>,
          %add3A_134 = vector.broadcast %squeeze3A_92 : f32 to vector<16xf32>
          %add3A_135 = arith.addf %gather3A, %add3A_134 : vector<16xf32>
          %gt3A_136 = arith.constant 0.000000e+00 : f32
          %gt3A_137 = vector.broadcast %gt3A_136 : f32 to vector<16xf32>
          %gt3A_138 = arith.cmpf ogt, %add3A_135, %gt3A_137 : vector<16xf32>
          %mul3A_139 = arith.constant 2.000000e-01 : f32
          %mul3A_140 = vector.broadcast %mul3A_139 : f32 to vector<16xf32>
          %mul3A_141 = arith.mulf %mul3A_140, %add3A_135 : vector<16xf32>
          %select_n3A_142 = arith.select %gt3A_138, %add3A_135, %mul3A_141 : vector<16xi1>, vector<16xf32>
          %sub3A_143 = vector.broadcast %select_n3A_97 : f32 to vector<16xf32>
          %sub3A_144 = arith.subf %select_n3A_142, %sub3A_143 : vector<16xf32>
          %exp3A = math.exp %sub3A_144 : vector<16xf32>
          %div3A_145 = arith.divf %exp3A, %broadcast_in_dim3A_110 : vector<16xf32>
          %min3A_146 = vector.broadcast %min3A_39 : i32 to vector<16xi32>
          %min3A_147 = arith.minsi %add3A_130, %min3A_146 : vector<16xi32>
          %gather3A_148 = tpu.vector_load_idx %arg11[%min3A_147] : memref<24576xf32, #tpu.memory_space<vmem>>[vector<16xi32>], vector<16xf32>,
          %add3A_149 = arith.addf %gather3A_148, %div3A_145 : vector<16xf32>
          tpu.vector_store_idx %arg11[%min3A_147], %add3A_149 masked %le3A_131 : memref<24576xf32, #tpu.memory_space<vmem>>[vector<16xi32>], vector<16xf32>, vector<16xi1>
          %while3A_150 = arith.constant 0 : i32
          scf.yield %while3A_150 : i32
        }
        %while3A_121 = arith.constant 1 : i32
        %while3A_122 = scf.for %while3A_124 = %while3A_118 to %while3A_114 step %while3A_121 iter_args(%while3A_125 = %while3A_120) -> (i32)  : i32 {
          %mul3A_126 = arith.constant 16 : i32
          %mul3A_127 = arith.muli %while3A_124, %mul3A_126 : i32
          %add3A_128 = arith.addi %sub3A_35, %mul3A_127 : i32
          %add3A_129 = vector.broadcast %add3A_128 : i32 to vector<16xi32>
          %add3A_130 = arith.addi %add3A_129, %iota3A : vector<16xi32>
          %le3A = vector.broadcast %min3A_39 : i32 to vector<16xi32>
          %le3A_131 = arith.cmpi sle, %add3A_130, %le3A : vector<16xi32>
          %min3A_132 = vector.broadcast %min3A_39 : i32 to vector<16xi32>
          %min3A_133 = arith.minsi %add3A_130, %min3A_132 : vector<16xi32>
          %gather3A = tpu.vector_load_idx %arg9[%min3A_133] : memref<24704xf32, #tpu.memory_space<vmem>>[vector<16xi32>], vector<16xf32>,
          %add3A_134 = vector.broadcast %squeeze3A_92 : f32 to vector<16xf32>
          %add3A_135 = arith.addf %gather3A, %add3A_134 : vector<16xf32>
          %gt3A_136 = arith.constant 0.000000e+00 : f32
          %gt3A_137 = vector.broadcast %gt3A_136 : f32 to vector<16xf32>
          %gt3A_138 = arith.cmpf ogt, %add3A_135, %gt3A_137 : vector<16xf32>
          %mul3A_139 = arith.constant 2.000000e-01 : f32
          %mul3A_140 = vector.broadcast %mul3A_139 : f32 to vector<16xf32>
          %mul3A_141 = arith.mulf %mul3A_140, %add3A_135 : vector<16xf32>
          %select_n3A_142 = arith.select %gt3A_138, %add3A_135, %mul3A_141 : vector<16xi1>, vector<16xf32>
          %sub3A_143 = vector.broadcast %select_n3A_97 : f32 to vector<16xf32>
          %sub3A_144 = arith.subf %select_n3A_142, %sub3A_143 : vector<16xf32>
          %exp3A = math.exp %sub3A_144 : vector<16xf32>
          %div3A_145 = arith.divf %exp3A, %broadcast_in_dim3A_110 : vector<16xf32>
          %min3A_146 = vector.broadcast %min3A_39 : i32 to vector<16xi32>
          %min3A_147 = arith.minsi %add3A_130, %min3A_146 : vector<16xi32>
          %gather3A_148 = tpu.vector_load_idx %arg11[%min3A_147] : memref<24576xf32, #tpu.memory_space<vmem>>[vector<16xi32>], vector<16xf32>,
          %add3A_149 = arith.addf %gather3A_148, %div3A_145 : vector<16xf32>
          tpu.vector_store_idx %arg11[%min3A_147], %add3A_149 masked %le3A_131 : memref<24576xf32, #tpu.memory_space<vmem>>[vector<16xi32>], vector<16xf32>, vector<16xi1>
          %while3A_150 = arith.constant 0 : i32
          scf.yield %while3A_150 : i32
        }
        %while3A_123 = arith.constant 0 : i32
        scf.yield %while3A_123 : i32
      }
      %while3A_83 = arith.constant 0 : i32
      scf.yield %while3A_83 : i32
    }
    "tpu.region"() ({
      %run_scoped3A = tpu.sem_alloc : memref<!tpu.dma_semaphore, #tpu.memory_space<semaphore_mem>>
      %dma_start3A = arith.constant 0 : i32
      %dma_start3A_23 = tpu.memref_slice %arg6[%add3A, %dma_start3A] : memref<32x24576xf32, #tpu.memory_space<hbm>> -> memref<1x24576xf32, #tpu.memory_space<hbm>>
      %dma_start3A_24 = tpu.memref_squeeze %dma_start3A_23 : memref<1x24576xf32, #tpu.memory_space<hbm>> -> memref<24576xf32, #tpu.memory_space<hbm>>
      %dma_start3A_25 = arith.constant 0 : i32
      %dma_start3A_26 = tpu.memref_slice %arg6[%add3A, %dma_start3A_25] : memref<32x24576xf32, #tpu.memory_space<hbm>> -> memref<1x24576xf32, #tpu.memory_space<hbm>>
      %dma_start3A_27 = tpu.memref_squeeze %dma_start3A_26 : memref<1x24576xf32, #tpu.memory_space<hbm>> -> memref<24576xf32, #tpu.memory_space<hbm>>
      tpu.enqueue_dma source(%arg11 : memref<24576xf32, #tpu.memory_space<vmem>>) target(%dma_start3A_27 : memref<24576xf32, #tpu.memory_space<hbm>>) target_semaphore(%run_scoped3A : memref<!tpu.dma_semaphore, #tpu.memory_space<semaphore_mem>>)
      %dma_wait3A = arith.constant 0 : i32
      %dma_wait3A_28 = tpu.memref_slice %arg6[%add3A, %dma_wait3A] : memref<32x24576xf32, #tpu.memory_space<hbm>> -> memref<1x24576xf32, #tpu.memory_space<hbm>>
      %dma_wait3A_29 = tpu.memref_squeeze %dma_wait3A_28 : memref<1x24576xf32, #tpu.memory_space<hbm>> -> memref<24576xf32, #tpu.memory_space<hbm>>
      %dma_wait3A_30 = arith.constant 0 : i32
      %dma_wait3A_31 = tpu.memref_slice %arg6[%add3A, %dma_wait3A_30] : memref<32x24576xf32, #tpu.memory_space<hbm>> -> memref<1x24576xf32, #tpu.memory_space<hbm>>
      %dma_wait3A_32 = tpu.memref_squeeze %dma_wait3A_31 : memref<1x24576xf32, #tpu.memory_space<hbm>> -> memref<24576xf32, #tpu.memory_space<hbm>>
      tpu.wait_dma2 semaphore(%run_scoped3A : memref<!tpu.dma_semaphore, #tpu.memory_space<semaphore_mem>>) src(%arg11 : memref<24576xf32, #tpu.memory_space<vmem>>) dst(%dma_wait3A_32 : memref<24576xf32, #tpu.memory_space<hbm>>)
      tpu.yield
    }) : () -> ()
    return
  }
}

module attributes {stable_mosaic.version = 14 : i64} {
  func.func @_stats_kernel(%arg0: i32, %arg1: memref<640x144xf32, #tpu.memory_space<vmem>>, %arg2: memref<144x144xf32, #tpu.memory_space<vmem>>, %arg3: memref<8x144xf32, #tpu.memory_space<vmem>>) attributes {dimension_semantics = [#tpu.dimension_semantics<arbitrary>], iteration_bounds = array<i64: 250>, scalar_prefetch = 0 : i64, scratch_operands = 0 : i64, tpu.core_type = #tpu.core_type<tc>, window_params = [{transform_indices = @transform_0, window_bounds = array<i64: 640, 144>}, {pipeline_mode = #tpu.pipeline_mode<synchronous>, transform_indices = @transform_1, window_bounds = array<i64: 144, 144>}, {pipeline_mode = #tpu.pipeline_mode<synchronous>, transform_indices = @transform_2, window_bounds = array<i64: 8, 144>}]} {
    %get3A = arith.constant 0 : index
    %get3A_0 = arith.constant 0 : index
    %get3A_1 = vector.load %arg1[%get3A, %get3A_0] : memref<640x144xf32, #tpu.memory_space<vmem>>, vector<640x144xf32>
    %transpose3A = tpu.transpose %get3A_1, [1, 0] : vector<640x144xf32> -> vector<144x640xf32>
    %dot_general3A = arith.constant dense<0.000000e+00> : vector<144x144xf32>
    %dot_general3A_2 = tpu.matmul %transpose3A, %get3A_1, %dot_general3A {dimension_numbers = #tpu.dot_dimension_numbers<[1], [0], [0], [1], [0, 0, 1, 1], [], []>, transpose_lhs_hint = false} : vector<144x640xf32>, vector<640x144xf32>, vector<144x144xf32> -> vector<144x144xf32>
    %reduce_sum3A = arith.constant dense<0.000000e+00> : vector<144xf32>
    %reduce_sum3A_3 = vector.multi_reduction <add>, %get3A_1, %reduce_sum3A [0] : vector<640x144xf32> to vector<144xf32>
    %broadcast_in_dim3A = vector.shape_cast %reduce_sum3A_3 : vector<144xf32> to vector<1x144xf32>
    %broadcast_in_dim3A_4 = vector.shape_cast %broadcast_in_dim3A : vector<1x144xf32> to vector<1x144xf32>
    %broadcast_in_dim3A_5 = vector.broadcast %broadcast_in_dim3A_4 : vector<1x144xf32> to vector<8x144xf32>
    %eq3A = arith.constant 0 : i32
    %eq3A_6 = arith.cmpi eq, %arg0, %eq3A : i32
    %convert_element_type3A = arith.extui %eq3A_6 : i1 to i32
    %cond3A = arith.constant 0 : i32
    %cond3A_7 = arith.cmpi ne, %convert_element_type3A, %cond3A : i32
    scf.if %cond3A_7 {
      %swap3A = arith.constant 0 : index
      %swap3A_12 = arith.constant 0 : index
      %swap3A_13 = vector.load %arg2[%swap3A, %swap3A_12] : memref<144x144xf32, #tpu.memory_space<vmem>>, vector<144x144xf32>
      tpu.vector_store %arg2[%swap3A, %swap3A_12], %dot_general3A_2 {strides = array<i32>} : memref<144x144xf32, #tpu.memory_space<vmem>>, vector<144x144xf32>,
      %swap3A_14 = arith.constant 0 : index
      %swap3A_15 = arith.constant 0 : index
      %swap3A_16 = vector.load %arg3[%swap3A_14, %swap3A_15] : memref<8x144xf32, #tpu.memory_space<vmem>>, vector<8x144xf32>
      tpu.vector_store %arg3[%swap3A_14, %swap3A_15], %broadcast_in_dim3A_5 {strides = array<i32>} : memref<8x144xf32, #tpu.memory_space<vmem>>, vector<8x144xf32>,
    } else {
    }
    %ne3A = arith.constant 0 : i32
    %ne3A_8 = arith.cmpi ne, %arg0, %ne3A : i32
    %convert_element_type3A_9 = arith.extui %ne3A_8 : i1 to i32
    %cond3A_10 = arith.constant 0 : i32
    %cond3A_11 = arith.cmpi ne, %convert_element_type3A_9, %cond3A_10 : i32
    scf.if %cond3A_11 {
      %get3A_12 = arith.constant 0 : index
      %get3A_13 = arith.constant 0 : index
      %get3A_14 = vector.load %arg2[%get3A_12, %get3A_13] : memref<144x144xf32, #tpu.memory_space<vmem>>, vector<144x144xf32>
      %add3A = arith.addf %get3A_14, %dot_general3A_2 : vector<144x144xf32>
      %swap3A = arith.constant 0 : index
      %swap3A_15 = arith.constant 0 : index
      %swap3A_16 = vector.load %arg2[%swap3A, %swap3A_15] : memref<144x144xf32, #tpu.memory_space<vmem>>, vector<144x144xf32>
      tpu.vector_store %arg2[%swap3A, %swap3A_15], %add3A {strides = array<i32>} : memref<144x144xf32, #tpu.memory_space<vmem>>, vector<144x144xf32>,
      %get3A_17 = arith.constant 0 : index
      %get3A_18 = arith.constant 0 : index
      %get3A_19 = vector.load %arg3[%get3A_17, %get3A_18] : memref<8x144xf32, #tpu.memory_space<vmem>>, vector<8x144xf32>
      %add3A_20 = arith.addf %get3A_19, %broadcast_in_dim3A_5 : vector<8x144xf32>
      %swap3A_21 = arith.constant 0 : index
      %swap3A_22 = arith.constant 0 : index
      %swap3A_23 = vector.load %arg3[%swap3A_21, %swap3A_22] : memref<8x144xf32, #tpu.memory_space<vmem>>, vector<8x144xf32>
      tpu.vector_store %arg3[%swap3A_21, %swap3A_22], %add3A_20 {strides = array<i32>} : memref<8x144xf32, #tpu.memory_space<vmem>>, vector<8x144xf32>,
    } else {
    }
    return
  }
  func.func @transform_0(%arg0: i32) -> (i32, i32) {
    %c0_i32 = arith.constant 0 : i32
    %c0_i32_0 = arith.constant 0 : i32
    return %arg0, %c0_i32 : i32, i32
  }
  func.func @transform_1(%arg0: i32) -> (i32, i32) {
    %c0_i32 = arith.constant 0 : i32
    %c0_i32_0 = arith.constant 0 : i32
    %c0_i32_1 = arith.constant 0 : i32
    return %c0_i32, %c0_i32_0 : i32, i32
  }
  func.func @transform_2(%arg0: i32) -> (i32, i32) {
    %c0_i32 = arith.constant 0 : i32
    %c0_i32_0 = arith.constant 0 : i32
    %c0_i32_1 = arith.constant 0 : i32
    return %c0_i32, %c0_i32_0 : i32, i32
  }
}

module attributes {stable_mosaic.version = 14 : i64} {
  func.func @_dense_edge_kernel(%arg0: i32, %arg1: memref<640x144xf32, #tpu.memory_space<vmem>>, %arg2: memref<144x128xf32, #tpu.memory_space<vmem>>, %arg3: memref<1x128xf32, #tpu.memory_space<vmem>>, %arg4: memref<1x128xf32, #tpu.memory_space<vmem>>, %arg5: memref<1x128xf32, #tpu.memory_space<vmem>>, %arg6: memref<128x128xf32, #tpu.memory_space<vmem>>, %arg7: memref<128x128xf32, #tpu.memory_space<vmem>>, %arg8: memref<640x128xf32, #tpu.memory_space<vmem>>, %arg9: memref<640x128xf32, #tpu.memory_space<vmem>>, %arg10: memref<640x128xf32, #tpu.memory_space<vmem>>) attributes {dimension_semantics = [#tpu.dimension_semantics<arbitrary>], iteration_bounds = array<i64: 250>, scalar_prefetch = 0 : i64, scratch_operands = 0 : i64, tpu.core_type = #tpu.core_type<tc>, window_params = [{transform_indices = @transform_0, window_bounds = array<i64: 640, 144>}, {pipeline_mode = #tpu.pipeline_mode<synchronous>, transform_indices = @transform_1, window_bounds = array<i64: 144, 128>}, {pipeline_mode = #tpu.pipeline_mode<synchronous>, transform_indices = @transform_2, window_bounds = array<i64: 1, 128>}, {pipeline_mode = #tpu.pipeline_mode<synchronous>, transform_indices = @transform_3, window_bounds = array<i64: 1, 128>}, {pipeline_mode = #tpu.pipeline_mode<synchronous>, transform_indices = @transform_4, window_bounds = array<i64: 1, 128>}, {pipeline_mode = #tpu.pipeline_mode<synchronous>, transform_indices = @transform_5, window_bounds = array<i64: 128, 128>}, {pipeline_mode = #tpu.pipeline_mode<synchronous>, transform_indices = @transform_6, window_bounds = array<i64: 128, 128>}, {transform_indices = @transform_7, window_bounds = array<i64: 640, 128>}, {transform_indices = @transform_8, window_bounds = array<i64: 640, 128>}, {transform_indices = @transform_9, window_bounds = array<i64: 640, 128>}]} {
    %get3A = arith.constant 0 : index
    %get3A_0 = arith.constant 0 : index
    %get3A_1 = vector.load %arg1[%get3A, %get3A_0] : memref<640x144xf32, #tpu.memory_space<vmem>>, vector<640x144xf32>
    %get3A_2 = arith.constant 0 : index
    %get3A_3 = arith.constant 0 : index
    %get3A_4 = vector.load %arg2[%get3A_2, %get3A_3] : memref<144x128xf32, #tpu.memory_space<vmem>>, vector<144x128xf32>
    %dot_general3A = arith.constant dense<0.000000e+00> : vector<640x128xf32>
    %dot_general3A_5 = tpu.matmul %get3A_1, %get3A_4, %dot_general3A {dimension_numbers = #tpu.dot_dimension_numbers<[1], [0], [0], [1], [0, 0, 1, 1], [], []>, transpose_lhs_hint = false} : vector<640x144xf32>, vector<144x128xf32>, vector<640x128xf32> -> vector<640x128xf32>
    %get3A_6 = arith.constant 0 : index
    %get3A_7 = arith.constant 0 : index
    %get3A_8 = vector.load %arg3[%get3A_6, %get3A_7] : memref<1x128xf32, #tpu.memory_space<vmem>>, vector<1x128xf32>
    %add3A = vector.broadcast %get3A_8 : vector<1x128xf32> to vector<640x128xf32>
    %add3A_9 = arith.addf %dot_general3A_5, %add3A : vector<640x128xf32>
    %get3A_10 = arith.constant 0 : index
    %get3A_11 = arith.constant 0 : index
    %get3A_12 = vector.load %arg4[%get3A_10, %get3A_11] : memref<1x128xf32, #tpu.memory_space<vmem>>, vector<1x128xf32>
    %mul3A = vector.broadcast %get3A_12 : vector<1x128xf32> to vector<640x128xf32>
    %mul3A_13 = arith.mulf %add3A_9, %mul3A : vector<640x128xf32>
    %get3A_14 = arith.constant 0 : index
    %get3A_15 = arith.constant 0 : index
    %get3A_16 = vector.load %arg5[%get3A_14, %get3A_15] : memref<1x128xf32, #tpu.memory_space<vmem>>, vector<1x128xf32>
    %add3A_17 = vector.broadcast %get3A_16 : vector<1x128xf32> to vector<640x128xf32>
    %add3A_18 = arith.addf %mul3A_13, %add3A_17 : vector<640x128xf32>
    %max3A = arith.constant 0.000000e+00 : f32
    %max3A_19 = vector.broadcast %max3A : f32 to vector<640x128xf32>
    %max3A_20 = arith.maximumf %add3A_18, %max3A_19 : vector<640x128xf32>
    %swap3A = arith.constant 0 : index
    %swap3A_21 = arith.constant 0 : index
    %swap3A_22 = vector.load %arg8[%swap3A, %swap3A_21] : memref<640x128xf32, #tpu.memory_space<vmem>>, vector<640x128xf32>
    tpu.vector_store %arg8[%swap3A, %swap3A_21], %max3A_20 {strides = array<i32>} : memref<640x128xf32, #tpu.memory_space<vmem>>, vector<640x128xf32>,
    %get3A_23 = arith.constant 0 : index
    %get3A_24 = arith.constant 0 : index
    %get3A_25 = vector.load %arg6[%get3A_23, %get3A_24] : memref<128x128xf32, #tpu.memory_space<vmem>>, vector<128x128xf32>
    %dot_general3A_26 = arith.constant dense<0.000000e+00> : vector<640x128xf32>
    %dot_general3A_27 = tpu.matmul %max3A_20, %get3A_25, %dot_general3A_26 {dimension_numbers = #tpu.dot_dimension_numbers<[1], [0], [0], [1], [0, 0, 1, 1], [], []>, transpose_lhs_hint = false} : vector<640x128xf32>, vector<128x128xf32>, vector<640x128xf32> -> vector<640x128xf32>
    %swap3A_28 = arith.constant 0 : index
    %swap3A_29 = arith.constant 0 : index
    %swap3A_30 = vector.load %arg9[%swap3A_28, %swap3A_29] : memref<640x128xf32, #tpu.memory_space<vmem>>, vector<640x128xf32>
    tpu.vector_store %arg9[%swap3A_28, %swap3A_29], %dot_general3A_27 {strides = array<i32>} : memref<640x128xf32, #tpu.memory_space<vmem>>, vector<640x128xf32>,
    %get3A_31 = arith.constant 0 : index
    %get3A_32 = arith.constant 0 : index
    %get3A_33 = vector.load %arg7[%get3A_31, %get3A_32] : memref<128x128xf32, #tpu.memory_space<vmem>>, vector<128x128xf32>
    %dot_general3A_34 = arith.constant dense<0.000000e+00> : vector<640x128xf32>
    %dot_general3A_35 = tpu.matmul %max3A_20, %get3A_33, %dot_general3A_34 {dimension_numbers = #tpu.dot_dimension_numbers<[1], [0], [0], [1], [0, 0, 1, 1], [], []>, transpose_lhs_hint = false} : vector<640x128xf32>, vector<128x128xf32>, vector<640x128xf32> -> vector<640x128xf32>
    %swap3A_36 = arith.constant 0 : index
    %swap3A_37 = arith.constant 0 : index
    %swap3A_38 = vector.load %arg10[%swap3A_36, %swap3A_37] : memref<640x128xf32, #tpu.memory_space<vmem>>, vector<640x128xf32>
    tpu.vector_store %arg10[%swap3A_36, %swap3A_37], %dot_general3A_35 {strides = array<i32>} : memref<640x128xf32, #tpu.memory_space<vmem>>, vector<640x128xf32>,
    return
  }
  func.func @transform_0(%arg0: i32) -> (i32, i32) {
    %c0_i32 = arith.constant 0 : i32
    %c0_i32_0 = arith.constant 0 : i32
    return %arg0, %c0_i32 : i32, i32
  }
  func.func @transform_1(%arg0: i32) -> (i32, i32) {
    %c0_i32 = arith.constant 0 : i32
    %c0_i32_0 = arith.constant 0 : i32
    %c0_i32_1 = arith.constant 0 : i32
    return %c0_i32, %c0_i32_0 : i32, i32
  }
  func.func @transform_2(%arg0: i32) -> (i32, i32) {
    %c0_i32 = arith.constant 0 : i32
    %c0_i32_0 = arith.constant 0 : i32
    %c0_i32_1 = arith.constant 0 : i32
    return %c0_i32, %c0_i32_0 : i32, i32
  }
  func.func @transform_3(%arg0: i32) -> (i32, i32) {
    %c0_i32 = arith.constant 0 : i32
    %c0_i32_0 = arith.constant 0 : i32
    %c0_i32_1 = arith.constant 0 : i32
    return %c0_i32, %c0_i32_0 : i32, i32
  }
  func.func @transform_4(%arg0: i32) -> (i32, i32) {
    %c0_i32 = arith.constant 0 : i32
    %c0_i32_0 = arith.constant 0 : i32
    %c0_i32_1 = arith.constant 0 : i32
    return %c0_i32, %c0_i32_0 : i32, i32
  }
  func.func @transform_5(%arg0: i32) -> (i32, i32) {
    %c0_i32 = arith.constant 0 : i32
    %c0_i32_0 = arith.constant 0 : i32
    %c0_i32_1 = arith.constant 0 : i32
    return %c0_i32, %c0_i32_0 : i32, i32
  }
  func.func @transform_6(%arg0: i32) -> (i32, i32) {
    %c0_i32 = arith.constant 0 : i32
    %c0_i32_0 = arith.constant 0 : i32
    %c0_i32_1 = arith.constant 0 : i32
    return %c0_i32, %c0_i32_0 : i32, i32
  }
  func.func @transform_7(%arg0: i32) -> (i32, i32) {
    %c0_i32 = arith.constant 0 : i32
    %c0_i32_0 = arith.constant 0 : i32
    return %arg0, %c0_i32 : i32, i32
  }
  func.func @transform_8(%arg0: i32) -> (i32, i32) {
    %c0_i32 = arith.constant 0 : i32
    %c0_i32_0 = arith.constant 0 : i32
    return %arg0, %c0_i32 : i32, i32
  }
  func.func @transform_9(%arg0: i32) -> (i32, i32) {
    %c0_i32 = arith.constant 0 : i32
    %c0_i32_0 = arith.constant 0 : i32
    return %arg0, %c0_i32 : i32, i32
  }
}

</mosaic_0001>

<sc_bundles>
// kernel: gather_offload_async_start.1
scs
__scs_entry_jumppad:
0x0: {  	(pc) =	sbr.rel $0x88, $3  }
0x1: {  	(tag) =	ssettag $0x0;
	lr =	simm.s32 $0x1  }
0x2: {  	[smem:$0x3F93] =	sst lr;
	_ =	strace $0xD0000000  }
0x3: {  	_ = 	snop  }
0x4: {  	_ = 	snop  }
0x5: {  	_ = 	snop  }
0x6: {  	_ = 	snop  }
0x7: {  	_ = 	snop  }
__scs_overlays_trampoline_lowered:
0x8: {  	[smem:$0x3FA2] =	sst s0  }
0x9: {  	[smem:$0x3FA3] =	sst s1  }
0xa: {  	[smem:$0x3FA4] =	sst s2  }
0xb: {  	[smem:$0x3FA5] =	sst s3  }
0xc: {  	[smem:$0x3FA6] =	sst s4  }
0xd: {  	[smem:$0x3FA7] =	sst s5  }
0xe: {  	[smem:$0x3FA8] =	sst s6  }
0xf: {  	[smem:$0x3FA9] =	sst s7  }
0x10: {  	[smem:$0x3FAA] =	sst s8  }
0x11: {  	[smem:$0x3FAB] =	sst s9;
	s0 =	simm.s32 @!p0 $0x0  }
0x12: {  	s1 =	sld [smem:$0x3F91];
	s0 =	simm.s32 @p0 $0x1  }
0x13: {  	[smem:$0x3FAC] =	sst s0;
	s0 =	simm.s32 @!p1 $0x0  }
0x14: {  	s2 =	sld [smem:$0x3F90];
	s0 =	simm.s32 @p1 $0x1  }
0x15: {  	[smem:$0x3FAD] =	sst s0;
	s0 =	simm.s32 @!p2 $0x0  }
0x16: {  	s3 =	sld [smem:$0x3FDB];
	s0 =	simm.s32 @p2 $0x1  }
0x17: {  	s4 =	simm.s32 $0x1BF5;
	[smem:$0x3FAF] =	sst s0  }
0x18: {  	s0 =	sld [smem:$0x3F92];
	_ =	swait.ge [sflag:s4], $0x0  }
0x19: {  	s7 =	sld [smem:$0x3F93]  }
0x1a: {  	s8 =	sadd.s32 $0xFFFFE003, lr  }
0x1b: {  	s9 =	sadd.s32 $0xFFFFFEF7, lr;
	s5 =	simm.s32 $0xFFFFFFFF;
	p2 =	slt.u32 s8, $0xFFFFF086  }
0x1c: {  	p1 =	slt.u32 s9, $0xF7A;
	s5 =	simm.s32 @!p2 $0x0  }
0x1d: {  	s5 =	simm.s32 @p1 $0x1;
	p0 =	seq.s32 s7, s2  }
0x1e: {  	s7 =	smul.u32 @!p0 $0xF7A, s2;
	p2 =	seq.s32 @!p0 s5, $0x0  }
0x1f: {  	s9 =	smul.u32 $0xF7A, s1;
	s8 =	simm.s32 @!p0 $0x1BF5;
	p2 =	por !p2, p0  }
0x20: {  	[sflag:s8] =	ssyncset.s32 @!p0 $0xFFFFF086;
	s6 =	sadd.s32 @!p0 s3, s7;
	s7 =	simm.s32 @!p0 $0x108  }
0x21: {  	s3 =	sadd.s32 s3, s9;
	s6 =	sadd.s32 @!p0 $0x88, s6;
	s7 =	simm.s32 @p2 $0x1082  }
0x22: {  	[simem:s7], [sflag:s8] =	dma.local @!p0 [hbm:s6], $0xF7A  }
0x23: {  	s9 =	sor.u32 $0xD0000000, s2;
	s6 =	simm.s32 $0x108;
	_ =	swait.ge @!p0 [sflag:s8], $0x0  }
0x24: {  	s3 =	sadd.s32 $0x88, s3;
	s6 =	simm.s32 @!p1 $0x1082;
	[sflag:s4] =	ssyncset.s32 $0xFFFFF086  }
0x25: {  	[simem:s6], [sflag:s4] =	dma.local [hbm:s3], $0xF7A  }
0x26: {  	[smem:$0x3F93] =	sst s1;
	(tag) =	ssettag s2;
	_ =	strace s9  }
0x27: {  	s1 =	sld [smem:$0x3FA3]  }
0x28: {  	s2 =	sld [smem:$0x3FA4]  }
0x29: {  	s4 =	sld [smem:$0x3FA6]  }
0x2a: {  	p0 =	seq.s32 s5, $0x0;
	s5 =	sld [smem:$0x3FA7]  }
0x2b: {  	s6 =	sld [smem:$0x3FA8]  }
0x2c: {  	s7 =	sld [smem:$0x3FA9]  }
0x2d: {  	s3 =	simm.s32 $0x108;
	s8 =	sld [smem:$0x3FAA]  }
0x2e: {  	s3 =	simm.s32 @!p0 $0x1082;
	s9 =	sld [smem:$0x3FAB]  }
0x2f: {  	lr =	sadd.s32 s0, s3;
	s0 =	sld [smem:$0x3FA2]  }
0x30: {  	s3 =	sld [smem:$0x3FA5]  }
0x31: {  	[smem:$0x3FAE] =	sst s10  }
0x32: {  	s10 =	sld [smem:$0x3FAC];
	_ =	sdelay $0x3  }
0x33: {  	p0 =	seq.s32 s10, $0x1;
	s10 =	sld [smem:$0x3FAE];
	_ =	sdelay $0x3  }
0x34: {  	[smem:$0x3FAE] =	sst s10  }
0x35: {  	s10 =	sld [smem:$0x3FAD];
	_ =	sdelay $0x3  }
0x36: {  	p1 =	seq.s32 s10, $0x1;
	s10 =	sld [smem:$0x3FAE];
	_ =	sdelay $0x3  }
0x37: {  	[smem:$0x3FAE] =	sst s10  }
0x38: {  	s10 =	sld [smem:$0x3FAF]  }
0x39: {  	_ = 	snop;
	(pc) =	sbr.ind lr, $3  }
0x3a: {  	_ = 	snop  }
0x3b: {  	_ = 	snop  }
0x3c: {  	p2 =	seq.s32 s10, $0x1;
	s10 =	sld [smem:$0x3FAE]  }
0x3d: {  	_ =	shalt  }
0x3e: {  	_ =	shalt  }
0x3f: {  	_ =	shalt  }
0x40: {  	_ =	shalt  }
0x41: {  	_ =	shalt  }
0x42: {  	_ =	shalt  }
0x43: {  	_ =	shalt  }
0x44: {  	_ =	shalt  }
0x45: {  	_ =	shalt  }
0x46: {  	_ =	shalt  }
0x47: {  	_ =	shalt  }
0x48: {  	_ =	shalt  }
0x49: {  	_ =	shalt  }
0x4a: {  	_ =	shalt  }
0x4b: {  	_ =	shalt  }
0x4c: {  	_ =	shalt  }
0x4d: {  	_ =	shalt  }
0x4e: {  	_ =	shalt  }
0x4f: {  	_ =	shalt  }
0x50: {  	_ =	shalt  }
0x51: {  	_ =	shalt  }
0x52: {  	_ =	shalt  }
0x53: {  	_ =	shalt  }
0x54: {  	_ =	shalt  }
0x55: {  	_ =	shalt  }
0x56: {  	_ =	shalt  }
0x57: {  	_ =	shalt  }
0x58: {  	_ =	shalt  }
0x59: {  	_ =	shalt  }
0x5a: {  	_ =	shalt  }
0x5b: {  	_ =	shalt  }
0x5c: {  	_ =	shalt  }
0x5d: {  	_ =	shalt  }
0x5e: {  	_ =	shalt  }
0x5f: {  	_ =	shalt  }
0x60: {  	_ =	shalt  }
0x61: {  	_ =	shalt  }
0x62: {  	_ =	shalt  }
0x63: {  	_ =	shalt  }
0x64: {  	_ =	shalt  }
0x65: {  	_ =	shalt  }
0x66: {  	_ =	shalt  }
0x67: {  	_ =	shalt  }
0x68: {  	_ =	shalt  }
0x69: {  	_ =	shalt  }
0x6a: {  	_ =	shalt  }
0x6b: {  	_ =	shalt  }
0x6c: {  	_ =	shalt  }
0x6d: {  	_ =	shalt  }
0x6e: {  	_ =	shalt  }
0x6f: {  	_ =	shalt  }
0x70: {  	_ =	shalt  }
0x71: {  	_ =	shalt  }
0x72: {  	_ =	shalt  }
0x73: {  	_ =	shalt  }
0x74: {  	_ =	shalt  }
0x75: {  	_ =	shalt  }
0x76: {  	_ =	shalt  }
0x77: {  	_ =	shalt  }
0x78: {  	_ =	shalt  }
0x79: {  	_ =	shalt  }
0x7a: {  	_ =	shalt  }
0x7b: {  	_ =	shalt  }
0x7c: {  	_ =	shalt  }
0x7d: {  	_ =	shalt  }
0x7e: {  	_ =	shalt  }
0x7f: {  	_ =	shalt  }
0x80: {  	_ =	shalt  }
0x81: {  	_ =	shalt  }
0x82: {  	_ =	shalt  }
0x83: {  	_ =	shalt  }
0x84: {  	_ =	shalt  }
0x85: {  	_ =	shalt  }
0x86: {  	_ =	shalt  }
0x87: {  	_ =	shalt  }
.Lfunc_end0:
.L_simem_size_0:
called_computation.3_lowered:
.L_overlay_start_0:
0x88: {  	s2 =	sld [smem:$0x3FD9]  }
0x89: {  	s3 =	sld [smem:$0x3FFE];
	_ =	sdelay $0x1  }
0x8a: {  	s1 =	srdreg.scid  }
0x8b: {  	s0 =	sand.u32 $0x1, s1  }
0x8c: {  	s16 =	sshll.u32 s0, $0xA;
	s2 =	sadd.s32 s3, s2  }
0x8d: {  	s2 =	sadd.s32 s2, s16  }
0x8e: {  	[smem:$0x3FBA] =	sst s2  }
0x8f: {  	_ = 	snop  }
0x90: {  	(tm) =	ssettm $0x1  }
0x91: {  	s17 =	sld [smem:$0x3FFB];
	_ =	sdelay $0x3  }
0x92: {  	_ =	strace s17  }
0x93: {  	s2 =	sld [smem:$0x3FFC];
	_ =	sdelay $0x3  }
0x94: {  	_ =	strace s2  }
0x95: {  	s2 =	sld [smem:$0x3FFD];
	_ =	sdelay $0x3  }
0x96: {  	_ =	strace s2  }
0x97: {  	_ =	strace $0x8FFFFFFF  }
0x98: {  	s18 =	sld [smem:$0x3FDB];
	_ =	sdelay $0x1  }
0x99: {  	s19 =	simm.s32 $_scs_section_size  }
0x9a: {  	s4 =	simm.s32 $_size__tile_overlayer_lowered;
	s5 =	simm.s32 $_tile_overlayer_lowered  }
0x9b: {  	s22 =	simm.s32 $0x1BFF;
	s21 =	sshll.u32 s5, $0x1;
	s2 =	sadd.s32 s19, s18  }
0x9c: {  	s6 =	simm.s32 $0x0;
	s20 =	sshll.u32 s4, $0x1;
	s4 =	sadd.s32 s21, s2  }
0x9d: {  	[timem:s6], [sflag:s22] =	dma.local [hbm:s4], s20  }
0x9e: {  	_ =	swait.ge [sflag:s22], s20  }
0x9f: {  	s3 =	ssub.s32 $0x0, s20;
	[sflag:s22] =	ssyncset.done $0x0  }
0xa0: {  	[sflag:s22] =	ssyncadd.s32 s3;
	_ =	sdelay $0x1  }
0xa1: {  	s23 =	simm.s32 $0x1B8B  }
0xa2: {  	_ =	swait.ge [sflag:s23], $0x1  }
0xa3: {  	[sflag:s23] =	ssyncset.done $0x0  }
0xa4: {  	s25 =	simm.s32 $0x1B8E;
	s24 =	sld [smem:$0x3FFE];
	[sflag:s23] =	ssyncadd.s32 $0xFFFFFFFF  }
0xa5: {  	s26 =	simm.s32 $execute0_lowered;
	[smem:$0x3FD2] =	sst s25  }
0xa6: {  	s4 =	sshll.u32 s26, $0x1;
	_ =	strace $0x80000049;
	[dreg:$0x1] =	wrdreg $0xFFFFFFFF  }
0xa7: {  	s28 =	simm.s32 $_size_execute0_lowered;
	s2 =	sadd.s32 s2, s4;
	[dreg:$0x0] =	wrdreg $0x0  }
0xa8: {  	s4 =	sshll.u32 s28, $0x1;
	[dreg:$0x2] =	wrdreg s2  }
0xa9: {  	[dreg:$0x3] =	wrdreg s4  }
0xaa: {  	[dreg:$0x4] =	wrdreg $0xC0  }
0xab: {  	_ =	task [dreg:s6], $0x5FFFF  }
0xac: {  	[dreg:$0x1] =	wrdreg $0xFFFFFFFF  }
0xad: {  	[dreg:$0x0] =	wrdreg $0x60  }
0xae: {  	[dreg:$0x2] =	wrdreg s24  }
0xaf: {  	[dreg:$0x3] =	wrdreg $0x9  }
0xb0: {  	_ =	task.clear_ibuf [dreg:s6], $0x4FFFF;
	_ =	strace $0x90000049  }
0xb1: {  	s29 =	simm.s32 $0x9;
	_ =	strace $0x8000004B  }
0xb2: {  	_ =	swait.ge [sflag:s29], $0x1  }
0xb3: {  	[sflag:s29] =	ssyncadd.s32 $0xFFFFFFFF  }
0xb4: {  	_ =	strace $0x9000004B  }
0xb5: {  	_ =	sfence  }
0xb6: {  	s30 =	sld [smem:$0x0];
	_ =	sdelay $0x2  }
0xb7: {  	s31 =	sshll.u32 s1, $0xD;
	s1 =	sshrl.u32 s1, $0x2  }
0xb8: {  	s3 =	sand.u32 $0x4000, s31;
	s1 =	sadd.s32 s1, s30  }
0xb9: {  	s0 =	sor.u32 s3, s0;
	s1 =	sshll.u32 s1, $0x11  }
0xba: {  	s0 =	sor.u32 s1, s0  }
0xbb: {  	s0 =	sadd.s32 $0x8F2B, s0  }
0xbc: {  	[sflag:s0] =	ssyncadd.remote.s32 $0x1  }
0xbd: {  	_ =	sfence.sel $0xFFFF  }
0xbe: {  	[dreg:$0x0] =	wrdreg $0xFFFFFFFF;
	(pc) =	sbr.abs _section_cstart, $3  }
0xbf: {  	[dreg:$0x1] =	wrdreg $0xFFFFFFFF  }
0xc0: {  	_ =	task.clear_ibuf [dreg:s6], $0x2FFFF;
	_ =	strace $0x9FFFFFFF  }
0xc1: {  	(tm) =	ssettm $0x7FFFFFFF  }
tec
execute0_lowered:
.L_overlay_start_1:
0x0: {  	(tag) =	ssettag $0x1  }
0x1: {  	s0 =	srdreg.scid  }
0x2: {  	s1 =	sshll.u32 s0, $0x4  }
0x3: {  	s0 =	stileid.u32;
	s1 =	sand.u32 $0x10, s1  }
0x4: {  	s1 =	sor.u32 s0, s1  }
0x5: {  	s2 =	smul.u32 $0xF, s1  }
0x6: {  	s3 =	smin.u32 s1, $0x14  }
0x7: {  	s2 =	sadd.s32 s3, s2  }
0x8: {  	p0 =	slt.u32 s1, $0x14;
	s1 =	simm.s32 $0x1400;
	s2 =	smul.u32 $0x140, s2  }
0x9: {  	s1 =	simm.s32 @!p0 $0x12C0  }
0xa: {  	s1 =	sadd.s32 s1, s2  }
0xb: {  	s3 =	smin.u32 s1, $0x27100  }
0xc: {  	s7 =	ssub.s32 s3, s2  }
0xd: {  	p0 =	sgt.s32 s7, $0x0  }
0xe: {  	s7 =	simm.s32 @!p0 $0x0  }
0xf: {  	s31 =	smulhi.u32 $0x66666667, s7  }
0x10: {  	s9 =	rddreg [dreg:$0x0];
	s6 =	simm.s32 $0x1;
	s11 =	simm.s32 $0x3  }
0x11: {  	s13 =	simm.s32 $0x0;
	s12 =	simm.s32 $0x0;
	s8 =	sshrl.u32 s31, $0x7  }
0x12: {  	s4 =	sadd.s32 $0xD800, s9;
	s5 =	sadd.s32 $0x8800, s9;
	s10 =	smul.u32 $0x140, s8  }
.Ltmp0:
0x13: {  	s9 =	sadd.s32 $0x4F5400, s9;
	s1 =	rddreg [dreg:$0x1];
	(pc) =	sbr.rel .LBB2_1-.Ltmp0, $4  }
0x14: {  	_ =	strace $0x8000004A;
	p0 =	sne.s32 s7, s10;
	s10 =	simm.s32 $0x1  }
0x15: {  	[sflag:s6] =	ssyncpa.u1 $0x0;
	s7 =	simm.s32 $0x2;
	s10 =	simm.s32 @!p0 $0x0  }
0x16: {  	[sflag:s7] =	ssyncpa.u1 $0x0;
	p0 =	por $0x0, $0x0;
	s8 =	sadd.s32 s10, s8  }
0x17: {  	vm0 =	vmmov $0xff;
	vm1 =	vcmask $0x3F20;
	[sflag:s11] =	ssyncpa.u1 $0x0;
	s11 =	smov.u32 s2;
	s10 =	sadd.s32 $0x1, s8  }
.LBB2_6:
0x18: {  	[hbm:s17] =	stream.linear.scatter [tilespmem:s14], [sflag:$0x3], $0x400, $0x38;
	[tilespmem:$0x14280] =	vst v63  }
.LBB2_7:
0x19: {  	s13 =	sadd.s32 $0x140, s11  }
0x1a: {  	s15 =	smov.u32 s2;
	p2 =	slt.s32 s13, s3  }
0x1b: {  	s15 =	smov.u32 @p2 s13;
	p2 =	sne.s32 s12, s10  }
.Ltmp1:
0x1c: {  	p1 =	slt.u32 s12, $0x2;
	(pc) =	sbr.rel @!p2 .LBB2_8-.Ltmp1, $4  }
0x1d: {  	s14 =	simm.s32 @!p1 $0x3  }
0x1e: {  	s16 =	sadd.s32 $0x1, s12;
	_ =	swait.ge @!p1 [sflag:s14], $0xA000  }
0x1f: {  	p0 =	por !p0, !p0;
	s13 =	smov.u32 s11;
	[sflag:s14] =	ssyncset.done @!p1 $0x0  }
0x20: {  	s12 =	smov.u32 s16;
	s11 =	smov.u32 s15;
	[sflag:s14] =	ssyncadd.s32 @!p1 $0xFFFF6000  }
.LBB2_1:
0x21: {  	p1 =	sge.u32 s12, s8  }
0x22: {  	s14 =	sxor.u32 @!p1 $0xFFFFFFFF, s12  }
0x23: {  	s14 =	sand.u32 @!p1 $0x1, s14  }
0x24: {  	s14 =	smul.u32 @!p1 $0x500, s14  }
0x25: {  	s31 =	sadd.s32 $0xFFFFFFFF, s12;
	s15 =	sshrl.u32 @!p1 s11, $0x3  }
0x26: {  	s16 =	sand.u32 @!p1 $0x7, s11;
	s15 =	sadd.s32 @!p1 s5, s15;
	s14 =	sshrl.u32 @!p1 s14, $0x2  }
0x27: {  	[tilespmem:s14], [sflag:$0x2] =	stream.linear.gather @!p1 [hbm4b:s15+s16], $0x140, $0x38;
	[tilespmem:$0x14280] =	vst v63  }
0x28: {  	p1 =	sge.u32 s31, s8  }
.Ltmp2:
0x29: {  	_ = 	snop;
	(pc) =	sbr.rel @p1 .LBB2_7-.Ltmp2, $1  }
0x2a: {  	_ =	sdelay $0x3  }
0x2b: {  	s14 =	simm.s32 $0x1  }
0x2c: {  	s14 =	simm.s32 @!p0 $0x0  }
0x2d: {  	s15 =	smul.u32 $0x500, s14  }
0x2e: {  	_ =	swait.ge [sflag:s7], $0x140  }
0x2f: {  	[sflag:s7] =	ssyncset.done $0x0;
	s16 =	sshrl.u32 s15, $0x2  }
0x30: {  	[sflag:s7] =	ssyncadd.s32 $0xFFFFFEC0;
	s15 =	sadd.s32 $0x0, s16  }
0x31: {  	v0 =	vld.msk [tilespmem:s15+$0x0 ss:$0x1], $0xffff;
	_ =	sdelay $0x4  }
0x32: {  	vm2 =	vgt.s32 v0, $0x0  }
0x33: {  	v0 =	vnsel vm2, $0x0, v0  }
0x34: {  	v0 =	vmin.u32 v0, $0x270FF  }
0x35: {  	v0 =	vshll.u32 v0, $0x4  }
0x36: {  	s14 =	smul.u32 $0x28000, s14;
	_ =	sdelay $0x1  }
0x37: {  	s14 =	sshrl.u32 s14, $0x2  }
0x38: {  	s14 =	sor.u32 $0x280, s14  }
0x39: {  	[tilespmem:s14], [sflag:$0x1] =	stream.indirect_vreg.gather [hbm:s4], $0x80, v0, vm0, $0x38;
	[tilespmem:$0x14280] =	vst v63  }
0x3a: {  	s17 =	sadd.s32 $0x10, s16;
	s15 =	sadd.s32 $0x400, s14  }
0x3b: {  	[tilespmem:s15], [sflag:$0x1] =	stream.indirect_vreg.gather [hbm:s4], $0x80, v0, vm1, $0x38;
	[tilespmem:$0x14280] =	vst v63  }
0x3c: {  	s18 =	simm.s32 $0x80;
	v0 =	vld.msk [tilespmem:s17+$0x0 ss:$0x1], $0xffff;
	s17 =	smov.u32 s14  }
.LBB2_3:
0x3d: {  	p1 =	sne.s32 s18, $0x4C0;
	_ =	sdelay $0x4  }
0x3e: {  	vm2 =	vgt.s32 v0, $0x0  }
0x3f: {  	v0 =	vnsel vm2, $0x0, v0  }
0x40: {  	v0 =	vmin.u32 v0, $0x270FF  }
0x41: {  	v0 =	vshll.u32 v0, $0x4;
	_ =	sdelay $0x3  }
.Ltmp3:
0x42: {  	s19 =	sshra.s32 s18, $0x2;
	s17 =	sadd.s32 $0x800, s17;
	(pc) =	sbr.rel @p1 .LBB2_3-.Ltmp3, $4  }
0x43: {  	[tilespmem:s17], [sflag:$0x1] =	stream.indirect_vreg.gather [hbm:s4], $0x80, v0, vm0, $0x38;
	[tilespmem:$0x14280] =	vst v63  }
0x44: {  	s19 =	sadd.s32 s19, s16;
	s20 =	sadd.s32 $0x400, s17  }
0x45: {  	[tilespmem:s20], [sflag:$0x1] =	stream.indirect_vreg.gather [hbm:s4], $0x80, v0, vm1, $0x38;
	[tilespmem:$0x14280] =	vst v63  }
0x46: {  	s18 =	sadd.s32 $0x40, s18;
	v0 =	vld.msk [tilespmem:s19+$0x0 ss:$0x1], $0xffff  }
0x47: {  	_ =	sdelay $0x3  }
0x48: {  	vm2 =	vgt.s32 v0, $0x0  }
0x49: {  	v0 =	vnsel vm2, $0x0, v0  }
0x4a: {  	v0 =	vmin.u32 v0, $0x270FF  }
0x4b: {  	v0 =	vshll.u32 v0, $0x4;
	_ =	sdelay $0x3  }
0x4c: {  	s16 =	sadd.s32 $0x800, s17  }
0x4d: {  	[tilespmem:s16], [sflag:$0x1] =	stream.indirect_vreg.gather [hbm:s4], $0x80, v0, vm0, $0x38;
	[tilespmem:$0x14280] =	vst v63  }
0x4e: {  	s16 =	sadd.s32 $0x400, s16  }
0x4f: {  	[tilespmem:s16], [sflag:$0x1] =	stream.indirect_vreg.gather [hbm:s4], $0x80, v0, vm1, $0x38;
	[tilespmem:$0x14280] =	vst v63  }
0x50: {  	s13 =	sshll.u32 s13, $0x4;
	_ =	swait.ge [sflag:s6], $0xA000  }
0x51: {  	s13 =	sadd.s32 s13, s9;
	[sflag:s6] =	ssyncset.done $0x0  }
0x52: {  	s17 =	sadd.s32 $0x0, s13;
	s16 =	simm.s32 $0x80;
	[sflag:s6] =	ssyncadd.s32 $0xFFFF6000  }
.LBB2_5:
0x53: {  	[hbm:s17] =	stream.linear.scatter [tilespmem:s14], [sflag:$0x3], $0x400, $0x38;
	[tilespmem:$0x14280] =	vst v63  }
0x54: {  	s17 =	smov.u32 s16;
	s14 =	smov.u32 s15;
	p1 =	sne.s32 s16, $0x1380  }
.Ltmp4:
0x55: {  	s16 =	sadd.s32 $0x80, s16;
	(pc) =	sbr.rel @p1 .LBB2_5-.Ltmp4, $2  }
0x56: {  	_ =	sdelay $0x2  }
0x57: {  	s15 =	sadd.s32 $0x400, s15;
	s17 =	sadd.s32 s17, s13  }
.Ltmp5:
0x58: {  	_ = 	snop;
	(pc) =	sbr.rel .LBB2_6-.Ltmp5, $1  }
0x59: {  	_ =	sdelay $0x3  }
.LBB2_8:
0x5a: {  	_ =	sfence.sel $0x180000  }
0x5b: {  	s2 =	simm.s32 $0x2;
	[bflag:$0x0] =	sbarrier.arrive $0xFFFF  }
0x5c: {  	s30 =	simm.s32 $0x3;
	[sflag:s2] =	ssyncpa.u1 $0x1  }
0x5d: {  	s31 =	simm.s32 $0x1;
	[sflag:s30] =	ssyncpa.u1 $0x1  }
0x5e: {  	[sflag:s31] =	ssyncpa.u1 $0x1  }
0x5f: {  	p0 =	sne.s32 s0, $0x0;
	_ =	strace $0x9000004A  }
0x60: {  	s0 =	sadd.s32 @!p0 $0x100000, s1;
	[bflag:$0x2] =	sbarrier.arrive $0xFFFF  }
0x61: {  	[sflag:s0] =	ssyncadd.tile.s32 @!p0 $0x1;
	_ =	shalt  }
.Lfunc_end2:
_tile_overlayer_lowered:
.L_overlay_start_2:
0x62: {  	(tag) =	ssettag $0x2  }
0x63: {  	s0 =	rddreg [dreg:$0x0];
	s2 =	stileid.u32  }
0x64: {  	s1 =	rddreg [dreg:$0x1];
	p0 =	sne.s32 s2, $0x0  }
0x65: {  	s3 =	rddreg [dreg:$0x2];
	[bflag:$0x3] =	sbarrier.arrive $0xFFFF;
	s2 =	simm.s32 @!p0 $0x1C01  }
0x66: {  	[timem:s3], [sflag:s2] =	dma.local @!p0 [hbm:s0], s1  }
0x67: {  	s0 =	simm.s32 @!p0 $0x1  }
0x68: {  	_ =	swait.ge @!p0 [sflag:s0], s1  }
0x69: {  	s1 =	ssub.s32 @!p0 $0x0, s1;
	[sflag:s0] =	ssyncset.done @!p0 $0x0  }
0x6a: {  	[sflag:s0] =	ssyncadd.s32 @!p0 s1  }
0x6b: {  	[bflag:$0x3] =	sbarrier.arrive $0xFFFF  }
0x6c: {  	_ =	shalt  }

// kernel: gather_offload_async_start
scs
__scs_entry_jumppad:
0x0: {  	(pc) =	sbr.rel $0x88, $3  }
0x1: {  	(tag) =	ssettag $0x0;
	lr =	simm.s32 $0x1  }
0x2: {  	[smem:$0x3F93] =	sst lr;
	_ =	strace $0xD0000000  }
0x3: {  	_ = 	snop  }
0x4: {  	_ = 	snop  }
0x5: {  	_ = 	snop  }
0x6: {  	_ = 	snop  }
0x7: {  	_ = 	snop  }
__scs_overlays_trampoline_lowered:
0x8: {  	[smem:$0x3FA2] =	sst s0  }
0x9: {  	[smem:$0x3FA3] =	sst s1  }
0xa: {  	[smem:$0x3FA4] =	sst s2  }
0xb: {  	[smem:$0x3FA5] =	sst s3  }
0xc: {  	[smem:$0x3FA6] =	sst s4  }
0xd: {  	[smem:$0x3FA7] =	sst s5  }
0xe: {  	[smem:$0x3FA8] =	sst s6  }
0xf: {  	[smem:$0x3FA9] =	sst s7  }
0x10: {  	[smem:$0x3FAA] =	sst s8  }
0x11: {  	[smem:$0x3FAB] =	sst s9;
	s0 =	simm.s32 @!p0 $0x0  }
0x12: {  	s1 =	sld [smem:$0x3F91];
	s0 =	simm.s32 @p0 $0x1  }
0x13: {  	[smem:$0x3FAC] =	sst s0;
	s0 =	simm.s32 @!p1 $0x0  }
0x14: {  	s2 =	sld [smem:$0x3F90];
	s0 =	simm.s32 @p1 $0x1  }
0x15: {  	[smem:$0x3FAD] =	sst s0;
	s0 =	simm.s32 @!p2 $0x0  }
0x16: {  	s3 =	sld [smem:$0x3FDB];
	s0 =	simm.s32 @p2 $0x1  }
0x17: {  	s4 =	simm.s32 $0x1BF5;
	[smem:$0x3FAF] =	sst s0  }
0x18: {  	s0 =	sld [smem:$0x3F92];
	_ =	swait.ge [sflag:s4], $0x0  }
0x19: {  	s7 =	sld [smem:$0x3F93]  }
0x1a: {  	s8 =	sadd.s32 $0xFFFFE003, lr  }
0x1b: {  	s9 =	sadd.s32 $0xFFFFFEF7, lr;
	s5 =	simm.s32 $0xFFFFFFFF;
	p2 =	slt.u32 s8, $0xFFFFF086  }
0x1c: {  	p1 =	slt.u32 s9, $0xF7A;
	s5 =	simm.s32 @!p2 $0x0  }
0x1d: {  	s5 =	simm.s32 @p1 $0x1;
	p0 =	seq.s32 s7, s2  }
0x1e: {  	s7 =	smul.u32 @!p0 $0xF7A, s2;
	p2 =	seq.s32 @!p0 s5, $0x0  }
0x1f: {  	s9 =	smul.u32 $0xF7A, s1;
	s8 =	simm.s32 @!p0 $0x1BF5;
	p2 =	por !p2, p0  }
0x20: {  	[sflag:s8] =	ssyncset.s32 @!p0 $0xFFFFF086;
	s6 =	sadd.s32 @!p0 s3, s7;
	s7 =	simm.s32 @!p0 $0x108  }
0x21: {  	s3 =	sadd.s32 s3, s9;
	s6 =	sadd.s32 @!p0 $0x88, s6;
	s7 =	simm.s32 @p2 $0x1082  }
0x22: {  	[simem:s7], [sflag:s8] =	dma.local @!p0 [hbm:s6], $0xF7A  }
0x23: {  	s9 =	sor.u32 $0xD0000000, s2;
	s6 =	simm.s32 $0x108;
	_ =	swait.ge @!p0 [sflag:s8], $0x0  }
0x24: {  	s3 =	sadd.s32 $0x88, s3;
	s6 =	simm.s32 @!p1 $0x1082;
	[sflag:s4] =	ssyncset.s32 $0xFFFFF086  }
0x25: {  	[simem:s6], [sflag:s4] =	dma.local [hbm:s3], $0xF7A  }
0x26: {  	[smem:$0x3F93] =	sst s1;
	(tag) =	ssettag s2;
	_ =	strace s9  }
0x27: {  	s1 =	sld [smem:$0x3FA3]  }
0x28: {  	s2 =	sld [smem:$0x3FA4]  }
0x29: {  	s4 =	sld [smem:$0x3FA6]  }
0x2a: {  	p0 =	seq.s32 s5, $0x0;
	s5 =	sld [smem:$0x3FA7]  }
0x2b: {  	s6 =	sld [smem:$0x3FA8]  }
0x2c: {  	s7 =	sld [smem:$0x3FA9]  }
0x2d: {  	s3 =	simm.s32 $0x108;
	s8 =	sld [smem:$0x3FAA]  }
0x2e: {  	s3 =	simm.s32 @!p0 $0x1082;
	s9 =	sld [smem:$0x3FAB]  }
0x2f: {  	lr =	sadd.s32 s0, s3;
	s0 =	sld [smem:$0x3FA2]  }
0x30: {  	s3 =	sld [smem:$0x3FA5]  }
0x31: {  	[smem:$0x3FAE] =	sst s10  }
0x32: {  	s10 =	sld [smem:$0x3FAC];
	_ =	sdelay $0x3  }
0x33: {  	p0 =	seq.s32 s10, $0x1;
	s10 =	sld [smem:$0x3FAE];
	_ =	sdelay $0x3  }
0x34: {  	[smem:$0x3FAE] =	sst s10  }
0x35: {  	s10 =	sld [smem:$0x3FAD];
	_ =	sdelay $0x3  }
0x36: {  	p1 =	seq.s32 s10, $0x1;
	s10 =	sld [smem:$0x3FAE];
	_ =	sdelay $0x3  }
0x37: {  	[smem:$0x3FAE] =	sst s10  }
0x38: {  	s10 =	sld [smem:$0x3FAF]  }
0x39: {  	_ = 	snop;
	(pc) =	sbr.ind lr, $3  }
0x3a: {  	_ = 	snop  }
0x3b: {  	_ = 	snop  }
0x3c: {  	p2 =	seq.s32 s10, $0x1;
	s10 =	sld [smem:$0x3FAE]  }
0x3d: {  	_ =	shalt  }
0x3e: {  	_ =	shalt  }
0x3f: {  	_ =	shalt  }
0x40: {  	_ =	shalt  }
0x41: {  	_ =	shalt  }
0x42: {  	_ =	shalt  }
0x43: {  	_ =	shalt  }
0x44: {  	_ =	shalt  }
0x45: {  	_ =	shalt  }
0x46: {  	_ =	shalt  }
0x47: {  	_ =	shalt  }
0x48: {  	_ =	shalt  }
0x49: {  	_ =	shalt  }
0x4a: {  	_ =	shalt  }
0x4b: {  	_ =	shalt  }
0x4c: {  	_ =	shalt  }
0x4d: {  	_ =	shalt  }
0x4e: {  	_ =	shalt  }
0x4f: {  	_ =	shalt  }
0x50: {  	_ =	shalt  }
0x51: {  	_ =	shalt  }
0x52: {  	_ =	shalt  }
0x53: {  	_ =	shalt  }
0x54: {  	_ =	shalt  }
0x55: {  	_ =	shalt  }
0x56: {  	_ =	shalt  }
0x57: {  	_ =	shalt  }
0x58: {  	_ =	shalt  }
0x59: {  	_ =	shalt  }
0x5a: {  	_ =	shalt  }
0x5b: {  	_ =	shalt  }
0x5c: {  	_ =	shalt  }
0x5d: {  	_ =	shalt  }
0x5e: {  	_ =	shalt  }
0x5f: {  	_ =	shalt  }
0x60: {  	_ =	shalt  }
0x61: {  	_ =	shalt  }
0x62: {  	_ =	shalt  }
0x63: {  	_ =	shalt  }
0x64: {  	_ =	shalt  }
0x65: {  	_ =	shalt  }
0x66: {  	_ =	shalt  }
0x67: {  	_ =	shalt  }
0x68: {  	_ =	shalt  }
0x69: {  	_ =	shalt  }
0x6a: {  	_ =	shalt  }
0x6b: {  	_ =	shalt  }
0x6c: {  	_ =	shalt  }
0x6d: {  	_ =	shalt  }
0x6e: {  	_ =	shalt  }
0x6f: {  	_ =	shalt  }
0x70: {  	_ =	shalt  }
0x71: {  	_ =	shalt  }
0x72: {  	_ =	shalt  }
0x73: {  	_ =	shalt  }
0x74: {  	_ =	shalt  }
0x75: {  	_ =	shalt  }
0x76: {  	_ =	shalt  }
0x77: {  	_ =	shalt  }
0x78: {  	_ =	shalt  }
0x79: {  	_ =	shalt  }
0x7a: {  	_ =	shalt  }
0x7b: {  	_ =	shalt  }
0x7c: {  	_ =	shalt  }
0x7d: {  	_ =	shalt  }
0x7e: {  	_ =	shalt  }
0x7f: {  	_ =	shalt  }
0x80: {  	_ =	shalt  }
0x81: {  	_ =	shalt  }
0x82: {  	_ =	shalt  }
0x83: {  	_ =	shalt  }
0x84: {  	_ =	shalt  }
0x85: {  	_ =	shalt  }
0x86: {  	_ =	shalt  }
0x87: {  	_ =	shalt  }
.Lfunc_end0:
.L_simem_size_0:
called_computation.2_lowered:
.L_overlay_start_0:
0x88: {  	s2 =	sld [smem:$0x3FD9]  }
0x89: {  	s3 =	sld [smem:$0x3FFE];
	_ =	sdelay $0x1  }
0x8a: {  	s1 =	srdreg.scid  }
0x8b: {  	s0 =	sand.u32 $0x1, s1  }
0x8c: {  	s17 =	sshll.u32 s0, $0xA;
	s2 =	sadd.s32 s3, s2  }
0x8d: {  	s2 =	sadd.s32 s2, s17  }
0x8e: {  	[smem:$0x3FBA] =	sst s2  }
0x8f: {  	_ = 	snop  }
0x90: {  	s2 =	sld [smem:$0x3FD0];
	(tm) =	ssettm $0x1  }
0x91: {  	s18 =	sld [smem:$0x3FFB];
	_ =	sdelay $0x3  }
0x92: {  	_ =	strace s18  }
0x93: {  	s3 =	sld [smem:$0x3FFC];
	_ =	sdelay $0x3  }
0x94: {  	_ =	strace s3  }
0x95: {  	s3 =	sld [smem:$0x3FFD];
	_ =	sdelay $0x3  }
0x96: {  	_ =	strace s3  }
0x97: {  	_ =	strace $0x8FFFFFFF  }
0x98: {  	s19 =	sld [smem:$0x3FDB];
	_ =	sdelay $0x1  }
0x99: {  	s4 =	simm.s32 $_scs_section_size  }
0x9a: {  	s5 =	simm.s32 $_size__tile_overlayer_lowered;
	s6 =	simm.s32 $_tile_overlayer_lowered  }
0x9b: {  	s22 =	simm.s32 $0x1BFF;
	s21 =	sshll.u32 s6, $0x1;
	s3 =	sadd.s32 s4, s19  }
0x9c: {  	s7 =	simm.s32 $0x0;
	s20 =	sshll.u32 s5, $0x1;
	s5 =	sadd.s32 s21, s3  }
0x9d: {  	[timem:s7], [sflag:s22] =	dma.local [hbm:s5], s20  }
0x9e: {  	_ =	swait.ge [sflag:s22], s20  }
0x9f: {  	s4 =	ssub.s32 $0x0, s20;
	[sflag:s22] =	ssyncset.done $0x0  }
0xa0: {  	[sflag:s22] =	ssyncadd.s32 s4;
	_ =	sdelay $0x1  }
0xa1: {  	s23 =	simm.s32 $0x1B8B  }
0xa2: {  	_ =	swait.ge [sflag:s23], $0x1  }
0xa3: {  	[sflag:s23] =	ssyncset.done $0x0  }
0xa4: {  	s25 =	simm.s32 $0x1B8E;
	s24 =	sld [smem:$0x3FFE];
	[sflag:s23] =	ssyncadd.s32 $0xFFFFFFFF  }
0xa5: {  	s26 =	simm.s32 $execute0_lowered;
	[smem:$0x3FD2] =	sst s25  }
0xa6: {  	s5 =	sshll.u32 s26, $0x1;
	_ =	strace $0x8000004F;
	[dreg:$0x1] =	wrdreg $0xFFFFFFFF  }
0xa7: {  	s28 =	simm.s32 $_size_execute0_lowered;
	s3 =	sadd.s32 s3, s5;
	[dreg:$0x0] =	wrdreg $0x0  }
0xa8: {  	s5 =	sshll.u32 s28, $0x1;
	[dreg:$0x2] =	wrdreg s3  }
0xa9: {  	[dreg:$0x3] =	wrdreg s5  }
0xaa: {  	[dreg:$0x4] =	wrdreg $0xC0  }
0xab: {  	_ =	task [dreg:s7], $0x5FFFF  }
0xac: {  	[dreg:$0x1] =	wrdreg $0xFFFFFFFF  }
0xad: {  	[dreg:$0x0] =	wrdreg $0x60  }
0xae: {  	[dreg:$0x2] =	wrdreg s2  }
0xaf: {  	[dreg:$0x3] =	wrdreg s24  }
0xb0: {  	[dreg:$0x4] =	wrdreg $0x9  }
0xb1: {  	_ =	task.clear_ibuf [dreg:s7], $0x5FFFF;
	_ =	strace $0x9000004F  }
0xb2: {  	s29 =	simm.s32 $0x9;
	_ =	strace $0x80000051  }
0xb3: {  	_ =	swait.ge [sflag:s29], $0x1  }
0xb4: {  	[sflag:s29] =	ssyncadd.s32 $0xFFFFFFFF  }
0xb5: {  	_ =	strace $0x90000051  }
0xb6: {  	_ =	sfence  }
0xb7: {  	s30 =	sld [smem:$0x0];
	_ =	sdelay $0x2  }
0xb8: {  	s31 =	sshll.u32 s1, $0xD;
	s1 =	sshrl.u32 s1, $0x2  }
0xb9: {  	s3 =	sand.u32 $0x4000, s31;
	s1 =	sadd.s32 s1, s30  }
0xba: {  	s0 =	sor.u32 s3, s0;
	s1 =	sshll.u32 s1, $0x11  }
0xbb: {  	s0 =	sor.u32 s1, s0  }
0xbc: {  	s0 =	sadd.s32 $0x8F2B, s0  }
0xbd: {  	[sflag:s0] =	ssyncadd.remote.s32 $0x1  }
0xbe: {  	_ =	sfence.sel $0xFFFF  }
0xbf: {  	[dreg:$0x0] =	wrdreg $0xFFFFFFFF;
	(pc) =	sbr.abs _section_cstart, $3  }
0xc0: {  	[dreg:$0x1] =	wrdreg $0xFFFFFFFF  }
0xc1: {  	_ =	task.clear_ibuf [dreg:s7], $0x2FFFF;
	_ =	strace $0x9FFFFFFF  }
0xc2: {  	(tm) =	ssettm $0x7FFFFFFF  }
0xc3: {  	_ =	shalt  }
tec
execute0_lowered:
.L_overlay_start_1:
0x0: {  	(tag) =	ssettag $0x1  }
0x1: {  	s2 =	rddreg [dreg:$0x0]  }
0x2: {  	s8 =	rddreg [dreg:$0x1]  }
0x3: {  	s0 =	rddreg [dreg:$0x2];
	s1 =	stileid.u32  }
0x4: {  	s3 =	srdreg.scid;
	_ =	strace $0x80000050;
	s4 =	simm.s32 $0x1  }
0x5: {  	s7 =	simm.s32 $0x1;
	s9 =	simm.s32 $0x1;
	s10 =	simm.s32 $0x3  }
0x6: {  	s13 =	simm.s32 $0x0;
	s5 =	sand.u32 $0x1, s3;
	s6 =	sshll.u32 s1, $0x1  }
0x7: {  	s12 =	simm.s32 $0x0;
	s3 =	sadd.s32 $0x518000, s8;
	s5 =	sor.u32 s6, s5  }
.Ltmp0:
0x8: {  	[sflag:s4] =	ssyncpa.u1 $0x0;
	p0 =	slt.u32 s5, $0x9;
	(pc) =	sbr.rel .LBB2_1-.Ltmp0, $4  }
0x9: {  	s6 =	simm.s32 $0x2;
	s7 =	simm.s32 @!p0 $0x0;
	p0 =	sne.s32 s5, $0x8  }
0xa: {  	[sflag:s6] =	ssyncpa.u1 $0x0;
	s5 =	smul.u32 $0xFA0, s5;
	s9 =	simm.s32 @!p0 $0x0  }
0xb: {  	s8 =	sadd.s32 $0x4F5400, s8;
	[sflag:s10] =	ssyncpa.u1 $0x0;
	s7 =	sadd.s32 s9, s7  }
0xc: {  	vm0 =	vmmov $0xffff;
	s10 =	simm.s32 $0x0;
	s11 =	smov.u32 s5;
	s9 =	sadd.s32 $0x1, s7  }
.LBB2_4:
0xd: {  	v2 =	vnsel vm1, $0x0, v2  }
0xe: {  	vm1 =	vgt.s32 v0, $0x0;
	v2 =	vmin.u32 v2, $0xBFFFF  }
0xf: {  	v0 =	vnsel vm1, $0x0, v0  }
0x10: {  	v0 =	vmin.u32 v0, $0xBFFFF  }
0x11: {  	[tilespmem:s18], [sflag:$0x1] =	stream.indirect_vreg.gather [hbm4b:s2+s10], $0x1, v1, vm0, $0x4038;
	[tilespmem:$0x3E80] =	vst v63  }
0x12: {  	(ifvalue) =	ssetifvalue $0x7FFFFFFF  }
0x13: {  	[tilespmem:s15], [sflag:$0x1] =	stream.indirect_vreg.gather [hbm4b:s2+s10], $0x1, v2, vm0, $0x4038;
	[tilespmem:$0x3E80] =	vst v63  }
0x14: {  	s29 =	sadd.s32 $0x10, s15;
	(ifvalue) =	ssetifvalue $0x7FFFFFFF  }
0x15: {  	[tilespmem:s29], [sflag:$0x1] =	stream.indirect_vreg.gather [hbm4b:s2+s10], $0x1, v0, vm0, $0x4038;
	[tilespmem:$0x3E80] =	vst v63  }
0x16: {  	_ =	swait.ge [sflag:s4], $0xFA0  }
0x17: {  	s30 =	sshrl.u32 s13, $0x3;
	[sflag:s4] =	ssyncset.done $0x0  }
0x18: {  	s31 =	sand.u32 $0x7, s13;
	s15 =	sadd.s32 s8, s30;
	[sflag:s4] =	ssyncadd.s32 $0xFFFFF060  }
0x19: {  	[hbm4b:s15+s31] =	stream.linear.scatter [tilespmem:s14], [sflag:$0x3], $0xFA0, $0x38;
	[tilespmem:$0x3E80] =	vst v63  }
.LBB2_5:
0x1a: {  	s15 =	sadd.s32 $0x1F400, s11  }
0x1b: {  	p1 =	sgt.s32 s15, $0x270FF  }
0x1c: {  	s15 =	smov.u32 @p1 s5;
	p1 =	sne.s32 s12, s9  }
.Ltmp1:
0x1d: {  	p0 =	slt.u32 s12, $0x2;
	(pc) =	sbr.rel @!p1 .LBB2_6-.Ltmp1, $4  }
0x1e: {  	s14 =	simm.s32 @!p0 $0x3  }
0x1f: {  	_ =	swait.ge @!p0 [sflag:s14], $0xFA0  }
0x20: {  	s16 =	sadd.s32 $0x1, s12;
	s13 =	smov.u32 s11;
	[sflag:s14] =	ssyncset.done @!p0 $0x0  }
0x21: {  	s12 =	smov.u32 s16;
	s11 =	smov.u32 s15;
	[sflag:s14] =	ssyncadd.s32 @!p0 $0xFFFFF060  }
.LBB2_1:
0x22: {  	p0 =	sge.u32 s12, s7  }
0x23: {  	s14 =	sxor.u32 @!p0 $0x1, s12  }
0x24: {  	s14 =	smul.u32 @!p0 $0x3E80, s14  }
0x25: {  	s31 =	sadd.s32 $0xFFFFFFFF, s12;
	s15 =	sshrl.u32 @!p0 s11, $0x3  }
0x26: {  	s16 =	sand.u32 @!p0 $0x7, s11;
	s15 =	sadd.s32 @!p0 s3, s15;
	s14 =	sshra.s32 @!p0 s14, $0x2  }
0x27: {  	[tilespmem:s14], [sflag:$0x2] =	stream.linear.gather @!p0 [hbm4b:s15+s16], $0xFA0, $0x38;
	[tilespmem:$0x3E80] =	vst v63  }
0x28: {  	p0 =	sge.u32 s31, s7  }
.Ltmp2:
0x29: {  	_ = 	snop;
	(pc) =	sbr.rel @p0 .LBB2_5-.Ltmp2, $1  }
0x2a: {  	_ =	sdelay $0x3  }
0x2b: {  	s14 =	sand.u32 $0x1, s12  }
0x2c: {  	_ =	swait.ge [sflag:s6], $0xFA0;
	p0 =	seq.s32 s14, $0x1;
	s14 =	simm.s32 $0xFA0  }
0x2d: {  	[sflag:s6] =	ssyncset.done $0x0;
	s14 =	simm.s32 @!p0 $0x0  }
0x2e: {  	[sflag:s6] =	ssyncadd.s32 $0xFFFFF060;
	(ifvalue) =	ssetifvalue $0x7FFFFFFF;
	v0 =	vld.msk [tilespmem:s14+$0x0 ss:$0x1], $0xffff;
	_ =	sdelay $0x4  }
0x2f: {  	s15 =	sadd.s32 $0x10, s14;
	vm1 =	vgt.s32 v0, $0x0  }
0x30: {  	v2 =	vld.msk [tilespmem:s15+$0x0 ss:$0x1], $0xffff;
	v1 =	vnsel vm1, $0x0, v0  }
0x31: {  	v1 =	vmin.u32 v1, $0xBFFFF;
	_ =	sdelay $0x2  }
0x32: {  	s17 =	simm.s32 $0x20;
	s14 =	sadd.s32 $0x1F40, s14;
	s16 =	sadd.s32 $0x10, s15  }
0x33: {  	s15 =	sadd.s32 $0x10, s14;
	s18 =	smov.u32 s14;
	v0 =	vld.msk [tilespmem:s16+$0x0 ss:$0x1], $0xffff;
	vm1 =	vgt.s32 v2, $0x0;
	(ifvalue) =	ssetifvalue $0x7FFFFFFF  }
.LBB2_3:
0x34: {  	[tilespmem:s18], [sflag:$0x1] =	stream.indirect_vreg.gather [hbm4b:s2+s10], $0x1, v1, vm0, $0x4038;
	[tilespmem:$0x3E80] =	vst v63  }
0x35: {  	s17 =	sadd.s32 $0x10, s17  }
0x36: {  	v2 =	vnsel vm1, $0x0, v2;
	p0 =	slt.u32 s17, $0xF90  }
.Ltmp3:
0x37: {  	s18 =	smov.u32 s15;
	v1 =	vmin.u32 v2, $0xBFFFF;
	(pc) =	sbr.rel @p0 .LBB2_3-.Ltmp3, $3  }
0x38: {  	_ =	sdelay $0x1  }
0x39: {  	s16 =	sadd.s32 $0x10, s16  }
0x3a: {  	vm1 =	vgt.s32 v0, $0x0;
	s15 =	sadd.s32 $0x10, s15;
	v2 =	vmov v0;
	(ifvalue) =	ssetifvalue $0x7FFFFFFF;
	v0 =	vld.msk [tilespmem:s16+$0x0 ss:$0x1], $0xffff  }
.Ltmp4:
0x3b: {  	_ = 	snop;
	(pc) =	sbr.rel .LBB2_4-.Ltmp4, $1  }
0x3c: {  	_ =	sdelay $0x3  }
.LBB2_6:
0x3d: {  	_ =	sfence.sel $0x180000  }
0x3e: {  	s2 =	simm.s32 $0x2;
	[bflag:$0x0] =	sbarrier.arrive $0xFFFF  }
0x3f: {  	s30 =	simm.s32 $0x3;
	[sflag:s2] =	ssyncpa.u1 $0x1  }
0x40: {  	s31 =	simm.s32 $0x1;
	[sflag:s30] =	ssyncpa.u1 $0x1  }
0x41: {  	[sflag:s31] =	ssyncpa.u1 $0x1  }
0x42: {  	p0 =	sne.s32 s1, $0x0;
	_ =	strace $0x90000050  }
0x43: {  	s0 =	sadd.s32 @!p0 $0x100000, s0;
	[bflag:$0x2] =	sbarrier.arrive $0xFFFF  }
0x44: {  	[sflag:s0] =	ssyncadd.tile.s32 @!p0 $0x1;
	_ =	shalt  }
.Lfunc_end2:
_tile_overlayer_lowered:
.L_overlay_start_2:
0x45: {  	(tag) =	ssettag $0x2  }
0x46: {  	s0 =	rddreg [dreg:$0x0];
	s2 =	stileid.u32  }
0x47: {  	s1 =	rddreg [dreg:$0x1];
	p0 =	sne.s32 s2, $0x0  }
0x48: {  	s3 =	rddreg [dreg:$0x2];
	[bflag:$0x3] =	sbarrier.arrive $0xFFFF;
	s2 =	simm.s32 @!p0 $0x1C01  }
0x49: {  	[timem:s3], [sflag:s2] =	dma.local @!p0 [hbm:s0], s1  }
0x4a: {  	s0 =	simm.s32 @!p0 $0x1  }
0x4b: {  	_ =	swait.ge @!p0 [sflag:s0], s1  }
0x4c: {  	s1 =	ssub.s32 @!p0 $0x0, s1;
	[sflag:s0] =	ssyncset.done @!p0 $0x0  }
0x4d: {  	[sflag:s0] =	ssyncadd.s32 @!p0 s1  }
0x4e: {  	[bflag:$0x3] =	sbarrier.arrive $0xFFFF  }
0x4f: {  	_ =	shalt  }

// kernel: kernel.5.cloned.1.call-start
scs
__scs_entry_jumppad:
0x0: {  	(pc) =	sbr.rel $0x88, $3  }
0x1: {  	(tag) =	ssettag $0x0;
	lr =	simm.s32 $0x1  }
0x2: {  	[smem:$0x3F93] =	sst lr;
	_ =	strace $0xD0000000  }
0x3: {  	_ = 	snop  }
0x4: {  	_ = 	snop  }
0x5: {  	_ = 	snop  }
0x6: {  	_ = 	snop  }
0x7: {  	_ = 	snop  }
__scs_overlays_trampoline_lowered:
0x8: {  	[smem:$0x3FA2] =	sst s0  }
0x9: {  	[smem:$0x3FA3] =	sst s1  }
0xa: {  	[smem:$0x3FA4] =	sst s2  }
0xb: {  	[smem:$0x3FA5] =	sst s3  }
0xc: {  	[smem:$0x3FA6] =	sst s4  }
0xd: {  	[smem:$0x3FA7] =	sst s5  }
0xe: {  	[smem:$0x3FA8] =	sst s6  }
0xf: {  	[smem:$0x3FA9] =	sst s7  }
0x10: {  	[smem:$0x3FAA] =	sst s8  }
0x11: {  	[smem:$0x3FAB] =	sst s9;
	s0 =	simm.s32 @!p0 $0x0  }
0x12: {  	s1 =	sld [smem:$0x3F91];
	s0 =	simm.s32 @p0 $0x1  }
0x13: {  	[smem:$0x3FAC] =	sst s0;
	s0 =	simm.s32 @!p1 $0x0  }
0x14: {  	s2 =	sld [smem:$0x3F90];
	s0 =	simm.s32 @p1 $0x1  }
0x15: {  	[smem:$0x3FAD] =	sst s0;
	s0 =	simm.s32 @!p2 $0x0  }
0x16: {  	s3 =	sld [smem:$0x3FDB];
	s0 =	simm.s32 @p2 $0x1  }
0x17: {  	s4 =	simm.s32 $0x1BF5;
	[smem:$0x3FAF] =	sst s0  }
0x18: {  	s0 =	sld [smem:$0x3F92];
	_ =	swait.ge [sflag:s4], $0x0  }
0x19: {  	s7 =	sld [smem:$0x3F93]  }
0x1a: {  	s8 =	sadd.s32 $0xFFFFE003, lr  }
0x1b: {  	s9 =	sadd.s32 $0xFFFFFEF7, lr;
	s5 =	simm.s32 $0xFFFFFFFF;
	p2 =	slt.u32 s8, $0xFFFFF086  }
0x1c: {  	p1 =	slt.u32 s9, $0xF7A;
	s5 =	simm.s32 @!p2 $0x0  }
0x1d: {  	s5 =	simm.s32 @p1 $0x1;
	p0 =	seq.s32 s7, s2  }
0x1e: {  	s7 =	smul.u32 @!p0 $0xF7A, s2;
	p2 =	seq.s32 @!p0 s5, $0x0  }
0x1f: {  	s9 =	smul.u32 $0xF7A, s1;
	s8 =	simm.s32 @!p0 $0x1BF5;
	p2 =	por !p2, p0  }
0x20: {  	[sflag:s8] =	ssyncset.s32 @!p0 $0xFFFFF086;
	s6 =	sadd.s32 @!p0 s3, s7;
	s7 =	simm.s32 @!p0 $0x108  }
0x21: {  	s3 =	sadd.s32 s3, s9;
	s6 =	sadd.s32 @!p0 $0x88, s6;
	s7 =	simm.s32 @p2 $0x1082  }
0x22: {  	[simem:s7], [sflag:s8] =	dma.local @!p0 [hbm:s6], $0xF7A  }
0x23: {  	s9 =	sor.u32 $0xD0000000, s2;
	s6 =	simm.s32 $0x108;
	_ =	swait.ge @!p0 [sflag:s8], $0x0  }
0x24: {  	s3 =	sadd.s32 $0x88, s3;
	s6 =	simm.s32 @!p1 $0x1082;
	[sflag:s4] =	ssyncset.s32 $0xFFFFF086  }
0x25: {  	[simem:s6], [sflag:s4] =	dma.local [hbm:s3], $0xF7A  }
0x26: {  	[smem:$0x3F93] =	sst s1;
	(tag) =	ssettag s2;
	_ =	strace s9  }
0x27: {  	s1 =	sld [smem:$0x3FA3]  }
0x28: {  	s2 =	sld [smem:$0x3FA4]  }
0x29: {  	s4 =	sld [smem:$0x3FA6]  }
0x2a: {  	p0 =	seq.s32 s5, $0x0;
	s5 =	sld [smem:$0x3FA7]  }
0x2b: {  	s6 =	sld [smem:$0x3FA8]  }
0x2c: {  	s7 =	sld [smem:$0x3FA9]  }
0x2d: {  	s3 =	simm.s32 $0x108;
	s8 =	sld [smem:$0x3FAA]  }
0x2e: {  	s3 =	simm.s32 @!p0 $0x1082;
	s9 =	sld [smem:$0x3FAB]  }
0x2f: {  	lr =	sadd.s32 s0, s3;
	s0 =	sld [smem:$0x3FA2]  }
0x30: {  	s3 =	sld [smem:$0x3FA5]  }
0x31: {  	[smem:$0x3FAE] =	sst s10  }
0x32: {  	s10 =	sld [smem:$0x3FAC];
	_ =	sdelay $0x3  }
0x33: {  	p0 =	seq.s32 s10, $0x1;
	s10 =	sld [smem:$0x3FAE];
	_ =	sdelay $0x3  }
0x34: {  	[smem:$0x3FAE] =	sst s10  }
0x35: {  	s10 =	sld [smem:$0x3FAD];
	_ =	sdelay $0x3  }
0x36: {  	p1 =	seq.s32 s10, $0x1;
	s10 =	sld [smem:$0x3FAE];
	_ =	sdelay $0x3  }
0x37: {  	[smem:$0x3FAE] =	sst s10  }
0x38: {  	s10 =	sld [smem:$0x3FAF]  }
0x39: {  	_ = 	snop;
	(pc) =	sbr.ind lr, $3  }
0x3a: {  	_ = 	snop  }
0x3b: {  	_ = 	snop  }
0x3c: {  	p2 =	seq.s32 s10, $0x1;
	s10 =	sld [smem:$0x3FAE]  }
0x3d: {  	_ =	shalt  }
0x3e: {  	_ =	shalt  }
0x3f: {  	_ =	shalt  }
0x40: {  	_ =	shalt  }
0x41: {  	_ =	shalt  }
0x42: {  	_ =	shalt  }
0x43: {  	_ =	shalt  }
0x44: {  	_ =	shalt  }
0x45: {  	_ =	shalt  }
0x46: {  	_ =	shalt  }
0x47: {  	_ =	shalt  }
0x48: {  	_ =	shalt  }
0x49: {  	_ =	shalt  }
0x4a: {  	_ =	shalt  }
0x4b: {  	_ =	shalt  }
0x4c: {  	_ =	shalt  }
0x4d: {  	_ =	shalt  }
0x4e: {  	_ =	shalt  }
0x4f: {  	_ =	shalt  }
0x50: {  	_ =	shalt  }
0x51: {  	_ =	shalt  }
0x52: {  	_ =	shalt  }
0x53: {  	_ =	shalt  }
0x54: {  	_ =	shalt  }
0x55: {  	_ =	shalt  }
0x56: {  	_ =	shalt  }
0x57: {  	_ =	shalt  }
0x58: {  	_ =	shalt  }
0x59: {  	_ =	shalt  }
0x5a: {  	_ =	shalt  }
0x5b: {  	_ =	shalt  }
0x5c: {  	_ =	shalt  }
0x5d: {  	_ =	shalt  }
0x5e: {  	_ =	shalt  }
0x5f: {  	_ =	shalt  }
0x60: {  	_ =	shalt  }
0x61: {  	_ =	shalt  }
0x62: {  	_ =	shalt  }
0x63: {  	_ =	shalt  }
0x64: {  	_ =	shalt  }
0x65: {  	_ =	shalt  }
0x66: {  	_ =	shalt  }
0x67: {  	_ =	shalt  }
0x68: {  	_ =	shalt  }
0x69: {  	_ =	shalt  }
0x6a: {  	_ =	shalt  }
0x6b: {  	_ =	shalt  }
0x6c: {  	_ =	shalt  }
0x6d: {  	_ =	shalt  }
0x6e: {  	_ =	shalt  }
0x6f: {  	_ =	shalt  }
0x70: {  	_ =	shalt  }
0x71: {  	_ =	shalt  }
0x72: {  	_ =	shalt  }
0x73: {  	_ =	shalt  }
0x74: {  	_ =	shalt  }
0x75: {  	_ =	shalt  }
0x76: {  	_ =	shalt  }
0x77: {  	_ =	shalt  }
0x78: {  	_ =	shalt  }
0x79: {  	_ =	shalt  }
0x7a: {  	_ =	shalt  }
0x7b: {  	_ =	shalt  }
0x7c: {  	_ =	shalt  }
0x7d: {  	_ =	shalt  }
0x7e: {  	_ =	shalt  }
0x7f: {  	_ =	shalt  }
0x80: {  	_ =	shalt  }
0x81: {  	_ =	shalt  }
0x82: {  	_ =	shalt  }
0x83: {  	_ =	shalt  }
0x84: {  	_ =	shalt  }
0x85: {  	_ =	shalt  }
0x86: {  	_ =	shalt  }
0x87: {  	_ =	shalt  }
.Lfunc_end0:
.L_simem_size_0:
called_computation.4_lowered:
.L_overlay_start_0:
0x88: {  	s2 =	sld [smem:$0x3FD9]  }
0x89: {  	s3 =	sld [smem:$0x3FFE];
	_ =	sdelay $0x1  }
0x8a: {  	s1 =	srdreg.scid  }
0x8b: {  	s0 =	sand.u32 $0x1, s1  }
0x8c: {  	s17 =	sshll.u32 s0, $0xA;
	s2 =	sadd.s32 s3, s2  }
0x8d: {  	s2 =	sadd.s32 s2, s17  }
0x8e: {  	[smem:$0x3FBA] =	sst s2  }
0x8f: {  	_ = 	snop  }
0x90: {  	s2 =	sld [smem:$0x3FD0];
	(tm) =	ssettm $0x1  }
0x91: {  	s18 =	sld [smem:$0x3FFB];
	_ =	sdelay $0x3  }
0x92: {  	_ =	strace s18  }
0x93: {  	s3 =	sld [smem:$0x3FFC];
	_ =	sdelay $0x3  }
0x94: {  	_ =	strace s3  }
0x95: {  	s3 =	sld [smem:$0x3FFD];
	_ =	sdelay $0x3  }
0x96: {  	_ =	strace s3  }
0x97: {  	_ =	strace $0x8FFFFFFF  }
0x98: {  	s19 =	sld [smem:$0x3FDB];
	_ =	sdelay $0x1  }
0x99: {  	s4 =	simm.s32 $_scs_section_size  }
0x9a: {  	s5 =	simm.s32 $_size__tile_overlayer_lowered;
	s6 =	simm.s32 $_tile_overlayer_lowered  }
0x9b: {  	s22 =	simm.s32 $0x1BFF;
	s21 =	sshll.u32 s6, $0x1;
	s3 =	sadd.s32 s4, s19  }
0x9c: {  	s7 =	simm.s32 $0x0;
	s20 =	sshll.u32 s5, $0x1;
	s5 =	sadd.s32 s21, s3  }
0x9d: {  	[timem:s7], [sflag:s22] =	dma.local [hbm:s5], s20  }
0x9e: {  	_ =	swait.ge [sflag:s22], s20  }
0x9f: {  	s4 =	ssub.s32 $0x0, s20;
	[sflag:s22] =	ssyncset.done $0x0  }
0xa0: {  	[sflag:s22] =	ssyncadd.s32 s4;
	_ =	sdelay $0x1  }
0xa1: {  	s23 =	simm.s32 $0x1B8B  }
0xa2: {  	_ =	swait.ge [sflag:s23], $0x1  }
0xa3: {  	[sflag:s23] =	ssyncset.done $0x0  }
0xa4: {  	s25 =	simm.s32 $0x1B8E;
	s24 =	sld [smem:$0x3FFE];
	[sflag:s23] =	ssyncadd.s32 $0xFFFFFFFF  }
0xa5: {  	s26 =	simm.s32 $execute0_lowered;
	[smem:$0x3FD2] =	sst s25  }
0xa6: {  	s5 =	sshll.u32 s26, $0x1;
	_ =	strace $0x8000004C;
	[dreg:$0x1] =	wrdreg $0xFFFFFFFF  }
0xa7: {  	s28 =	simm.s32 $_size_execute0_lowered;
	s3 =	sadd.s32 s3, s5;
	[dreg:$0x0] =	wrdreg $0x0  }
0xa8: {  	s5 =	sshll.u32 s28, $0x1;
	[dreg:$0x2] =	wrdreg s3  }
0xa9: {  	[dreg:$0x3] =	wrdreg s5  }
0xaa: {  	[dreg:$0x4] =	wrdreg $0xC0  }
0xab: {  	_ =	task [dreg:s7], $0x5FFFF  }
0xac: {  	[dreg:$0x1] =	wrdreg $0xFFFFFFFF  }
0xad: {  	[dreg:$0x0] =	wrdreg $0x60  }
0xae: {  	[dreg:$0x2] =	wrdreg s2  }
0xaf: {  	[dreg:$0x3] =	wrdreg s24  }
0xb0: {  	[dreg:$0x4] =	wrdreg $0x9  }
0xb1: {  	_ =	task.clear_ibuf [dreg:s7], $0x5FFFF;
	_ =	strace $0x9000004C  }
0xb2: {  	s29 =	simm.s32 $0x9;
	_ =	strace $0x8000004E  }
0xb3: {  	_ =	swait.ge [sflag:s29], $0x1  }
0xb4: {  	[sflag:s29] =	ssyncadd.s32 $0xFFFFFFFF  }
0xb5: {  	_ =	strace $0x9000004E  }
0xb6: {  	_ =	sfence  }
0xb7: {  	s30 =	sld [smem:$0x0];
	_ =	sdelay $0x2  }
0xb8: {  	s31 =	sshll.u32 s1, $0xD;
	s1 =	sshrl.u32 s1, $0x2  }
0xb9: {  	s3 =	sand.u32 $0x4000, s31;
	s1 =	sadd.s32 s1, s30  }
0xba: {  	s0 =	sor.u32 s3, s0;
	s1 =	sshll.u32 s1, $0x11  }
0xbb: {  	s0 =	sor.u32 s1, s0  }
0xbc: {  	s0 =	sadd.s32 $0x8F2B, s0  }
0xbd: {  	[sflag:s0] =	ssyncadd.remote.s32 $0x1  }
0xbe: {  	_ =	sfence.sel $0xFFFF  }
0xbf: {  	[dreg:$0x0] =	wrdreg $0xFFFFFFFF;
	(pc) =	sbr.abs _section_cstart, $3  }
0xc0: {  	[dreg:$0x1] =	wrdreg $0xFFFFFFFF  }
0xc1: {  	_ =	task.clear_ibuf [dreg:s7], $0x2FFFF;
	_ =	strace $0x9FFFFFFF  }
0xc2: {  	(tm) =	ssettm $0x7FFFFFFF  }
0xc3: {  	_ =	shalt  }
tec
execute0_lowered:
.L_overlay_start_1:
0x0: {  	(tag) =	ssettag $0x1  }
0x1: {  	s1 =	rddreg [dreg:$0x0]  }
0x2: {  	s6 =	rddreg [dreg:$0x1];
	s3 =	simm.s32 $0x0;
	s4 =	srdreg.scid  }
0x3: {  	s2 =	stileid.u32;
	s11 =	simm.s32 $0x2800;
	s12 =	simm.s32 $0x8880  }
0x4: {  	s13 =	simm.s32 $0xE900;
	s14 =	simm.s32 $0x400;
	s15 =	simm.s32 $0x0  }
0x5: {  	[smem:$0x7FF] =	sst s3;
	s7 =	sand.u32 $0x1, s4;
	s30 =	sshll.u32 s2, $0x8  }
0x6: {  	s5 =	sshrl.u32 s2, $0x2;
	_ =	strace $0x8000004D;
	s8 =	sshll.u32 s7, $0x7  }
0x7: {  	s4 =	sand.u32 $0x300, s30;
	s9 =	sshll.u32 s5, $0xA;
	s10 =	smul.u32 $0x30000, s5  }
0x8: {  	s5 =	sadd.s32 $0x5400, s6;
	s7 =	ssub.s32 $0x2, s7;
	s8 =	sor.u32 s8, s4  }
.Ltmp0:
0x9: {  	s9 =	sor.u32 s9, s8;
	s8 =	sor.u32 s10, s8;
	(pc) =	sbr.rel .LBB2_1-.Ltmp0, $4  }
0xa: {  	s4 =	sadd.s32 $0x4F5400, s6;
	s9 =	sshrl.u32 s9, $0x3;
	s8 =	sshrl.u32 s8, $0x3  }
0xb: {  	s31 =	sshrl.u32 s7, $0x1;
	s9 =	sadd.s32 s9, s6;
	s8 =	sadd.s32 s8, s6  }
0xc: {  	s10 =	ssub.s32 s7, s31;
	s6 =	sadd.s32 $0x7E00, s9;
	s7 =	sadd.s32 $0x4FB000, s8  }
0xd: {  	v0 =	vimm.f32 $0.0e+00;
	v1 =	vlaneseq.u32;
	s8 =	smax.u32 s10, $0x1;
	s9 =	simm.s32 $0x1;
	s10 =	simm.s32 $0x80  }
.LBB2_52:
0xe: {  	s15 =	sadd.s32 $0x1, s15  }
0xf: {  	p0 =	sne.s32 s15, s8  }
.Ltmp1:
0x10: {  	_ = 	snop;
	(pc) =	sbr.rel @!p0 .LBB2_53-.Ltmp1, $4  }
0x11: {  	[hbm4b:s7+s10] =	stream.strided.scatter [tilespmem:s13], [sflag:$0x1], $0x6000, s14, s10, $0x38;
	[tilespmem:$0x14900] =	vst v63  }
0x12: {  	_ =	swait.ge [sflag:s9], $0x6000  }
0x13: {  	[sflag:s9] =	ssyncset.done $0x0  }
0x14: {  	[sflag:s9] =	ssyncadd.s32 $0xFFFFA000  }
.LBB2_1:
0x15: {  	[tilespmem:s3], [sflag:$0x1] =	stream.linear.gather [hbm4b:s6+s3], $0x80, $0x38;
	[tilespmem:$0x14900] =	vst v63  }
0x16: {  	_ =	swait.ge [sflag:s9], $0x80  }
0x17: {  	[sflag:s9] =	ssyncset.done $0x0  }
0x18: {  	[sflag:s9] =	ssyncadd.s32 $0xFFFFFF80  }
0x19: {  	v2 =	vld [tilespmem:$0x0];
	_ =	sdelay $0x4  }
0x1a: {  	(v2sf) =	vpush v2, $0x0;
	_ =	sdelay $0xd  }
0x1b: {  	[tilespmem:s10], [sflag:$0x1] =	stream.linear.gather [hbm4b:s5+s3], $0x2780, $0x38;
	[tilespmem:$0x14900] =	vst v63  }
0x1c: {  	s16 =	spop (v2sf)  }
0x1d: {  	_ =	swait.ge [sflag:s9], $0x2780  }
0x1e: {  	s17 =	sshrl.u32 s16, $0x3;
	[sflag:s9] =	ssyncset.done $0x0  }
0x1f: {  	s18 =	sadd.s32 s1, s17;
	[sflag:s9] =	ssyncadd.s32 $0xFFFFD880  }
0x20: {  	[tilespmem:s11], [sflag:$0x1] =	stream.linear.gather [hbm4b:s18+s3], $0x6000, $0x38;
	[tilespmem:$0x14900] =	vst v63  }
0x21: {  	_ =	swait.ge [sflag:s9], $0x6000  }
0x22: {  	[sflag:s9] =	ssyncset.done $0x0  }
0x23: {  	s17 =	sadd.s32 s4, s17;
	[sflag:s9] =	ssyncadd.s32 $0xFFFFA000  }
0x24: {  	[tilespmem:s12], [sflag:$0x1] =	stream.linear.gather [hbm4b:s17+s3], $0x6000, $0x38;
	[tilespmem:$0x14900] =	vst v63  }
0x25: {  	_ =	swait.ge [sflag:s9], $0x6000  }
0x26: {  	[sflag:s9] =	ssyncset.done $0x0  }
0x27: {  	s18 =	simm.s32 $0x0;
	s17 =	simm.s32 $0x40;
	[sflag:s9] =	ssyncadd.s32 $0xFFFFA000  }
.LBB2_2:
0x28: {  	p0 =	seq.s32 s17, $0x17FC0;
	[tilespmem:s18+$0xE900] =	vst v0;
	s18 =	smov.u32 s17;
	s17 =	sadd.s32 $0x40, s17  }
.Ltmp2:
0x29: {  	(pc) =	sbr.rel @!p0 .LBB2_2-.Ltmp2, $2  }
0x2a: {  	_ =	sdelay $0x2  }
0x2b: {  	s18 =	sshra.s32 s18, $0x2  }
0x2c: {  	(v2sf) =	vpush v2, $0x3  }
0x2d: {  	(v2sf) =	vpush v2, $0x4;
	_ =	sdelay $0xd  }
0x2e: {  	s17 =	spop (v2sf)  }
0x2f: {  	[tilespmem:s18+$0xE900] =	vst v0;
	s18 =	spop (v2sf)  }
0x30: {  	p0 =	sge.s32 s17, s18  }
.Ltmp3:
0x31: {  	_ = 	snop;
	(pc) =	sbr.rel @p0 .LBB2_52-.Ltmp3, $1  }
0x32: {  	_ =	sdelay $0x3  }
.Ltmp4:
0x33: {  	(pc) =	sbr.rel .LBB2_6-.Ltmp4, $2  }
0x34: {  	_ =	sdelay $0x2  }
0x35: {  	s19 =	sxor.u32 $0xFFFFFFFF, s16  }
.LBB2_5:
0x36: {  	s17 =	sadd.s32 $0x1, s17  }
0x37: {  	p0 =	seq.s32 s17, s18  }
.Ltmp5:
0x38: {  	_ = 	snop;
	(pc) =	sbr.rel @p0 .LBB2_52-.Ltmp5, $1  }
0x39: {  	_ =	sdelay $0x3  }
.LBB2_6:
0x3a: {  	v2 =	vld [tilespmem:s17+$0x80]  }
0x3b: {  	v3 =	vld [tilespmem:s17+$0x81];
	_ =	sdelay $0x3  }
0x3c: {  	(v2sf) =	vpush v2, $0x0  }
0x3d: {  	(v2sf) =	vpush v3, $0x0;
	_ =	sdelay $0xd  }
0x3e: {  	s22 =	spop (v2sf)  }
0x3f: {  	s21 =	spop (v2sf)  }
0x40: {  	s20 =	ssub.s32 s21, s22  }
0x41: {  	s23 =	sadd.s32 $0xF, s20  }
0x42: {  	s24 =	sand.u32 $0xF, s23  }
0x43: {  	s30 =	sshra.s32 s23, $0x1F;
	p1 =	slt.s32 s23, $0x1;
	p0 =	sne.s32 s24, $0x0  }
0x44: {  	s24 =	sshrl.u32 s30, $0x1C;
	p0 =	por !p1, !p0  }
0x45: {  	s23 =	sadd.s32 s24, s23;
	s24 =	simm.s32 $0x1;
	p0 =	por !p0, !p0  }
0x46: {  	s25 =	sadd.s32 s19, s21;
	s31 =	sshra.s32 s23, $0x4;
	s24 =	simm.s32 @!p0 $0x0  }
0x47: {  	p0 =	slt.s32 s25, $0x5FFF;
	s21 =	ssub.s32 s31, s24  }
0x48: {  	s25 =	simm.s32 @!p0 $0x5FFF;
	p0 =	slt.s32 s21, $0x1  }
.Ltmp6:
0x49: {  	_ = 	snop;
	(pc) =	sbr.rel @p0 .LBB2_7-.Ltmp6, $4  }
0x4a: {  	_ = 	snop  }
0x4b: {  	s0 =	simm.s32 @!p0 $0x0  }
0x4c: {  	s0 =	simm.s32 @p0 $0x1  }
0x4d: {  	s22 =	ssub.s32 s22, s16;
	s23 =	simm.f32 $-3.000000010e+38;
	v2 =	vmov s25;
	[smem:$0x7FD] =	sst s0  }
0x4e: {  	p5 =	seq.s32 s21, $0x1  }
.Ltmp7:
0x4f: {  	_ = 	snop;
	(pc) =	sbr.rel @p5 .LBB2_13-.Ltmp7, $4  }
0x50: {  	_ = 	snop  }
0x51: {  	v3 =	vadd.s32 s22, v1;
	s25 =	sadd.s32 $0xFFFFFFFF, s21  }
0x52: {  	s24 =	sadd.s32 $0x10, s22;
	p0 =	por $0x0, $0x0;
	p1 =	por $0x0, $0x0;
	vm1 =	vgt.s32 v3, v2  }
0x53: {  	p2 =	por $0x0, $0x0;
	p3 =	por $0x0, $0x0;
	p4 =	por $0x0, $0x0;
	v3 =	vsel vm1, v2, v3  }
0x54: {  	p5 =	seq.s32 s25, $0x1  }
.Ltmp8:
0x55: {  	_ = 	snop;
	(pc) =	sbr.rel @p5 .LBB2_15-.Ltmp8, $4  }
0x56: {  	_ = 	snop  }
0x57: {  	v5 =	vadd.s32 s24, v1  }
0x58: {  	vm3 =	vgt.s32 v5, v2  }
0x59: {  	v4 =	vld.idx.msk [tilespmem:v3+s11+$0x0], $0xffff;
	s25 =	sadd.s32 $0xFFFFFFFF, s25;
	vm0 =	vmmov vm1;
	s24 =	sadd.s32 $0x10, s24;
	p0 =	por $0x1, $0x1;
	v3 =	vsel vm3, v2, v5  }
0x5a: {  	p5 =	seq.s32 s25, $0x1  }
.Ltmp9:
0x5b: {  	_ = 	snop;
	(pc) =	sbr.rel @p5 .LBB2_17-.Ltmp9, $4  }
0x5c: {  	_ = 	snop  }
0x5d: {  	v6 =	vadd.s32 s24, v1  }
0x5e: {  	vm2 =	vgt.s32 v6, v2;
	v4 =	vsel vm0, $0xFF61B1E6, v4  }
0x5f: {  	v5 =	vld.idx.msk [tilespmem:v3+s11+$0x0], $0xffff;
	s25 =	sadd.s32 $0xFFFFFFFF, s25;
	s24 =	sadd.s32 $0x10, s24;
	p1 =	por $0x1, $0x1;
	v3 =	vsel vm2, v2, v6;
	vm0 =	vmmov vm3;
	(xrf0) =	vmax.scan.msk.f32 $0xffff, v4  }
0x60: {  	_ =	sdelay $0x4  }
0x61: {  	v7, _, _ =	vpop (xrf0)  }
0x62: {  	(v2sf) =	vpush v7, $0xF;
	_ =	sdelay $0x8  }
0x63: {  	p5 =	seq.s32 s25, $0x1  }
.Ltmp10:
0x64: {  	_ = 	snop;
	(pc) =	sbr.rel @p5 .LBB2_19-.Ltmp10, $4  }
0x65: {  	_ = 	snop  }
0x66: {  	v6 =	vadd.s32 s24, v1  }
0x67: {  	vm1 =	vgt.s32 v6, v2;
	v5 =	vsel vm0, $0xFF61B1E6, v5  }
0x68: {  	v4 =	vld.idx.msk [tilespmem:v3+s11+$0x0], $0xffff;
	s25 =	sadd.s32 $0xFFFFFFFF, s25;
	s24 =	sadd.s32 $0x10, s24;
	p2 =	por $0x1, $0x1;
	v3 =	vsel vm1, v2, v6;
	vm0 =	vmmov vm2;
	(xrf0) =	vmax.scan.msk.f32 $0xffff, v5  }
0x69: {  	_ =	sdelay $0x4  }
0x6a: {  	v7, _, _ =	vpop (xrf0)  }
0x6b: {  	(v2sf) =	vpush v7, $0xF;
	_ =	sdelay $0x3  }
0x6c: {  	p5 =	seq.s32 s25, $0x1  }
.Ltmp11:
0x6d: {  	_ = 	snop;
	(pc) =	sbr.rel @p5 .LBB2_21-.Ltmp11, $4  }
0x6e: {  	_ = 	snop  }
0x6f: {  	v6 =	vadd.s32 s24, v1  }
0x70: {  	vm2 =	vgt.s32 v6, v2;
	v4 =	vsel vm0, $0xFF61B1E6, v4  }
0x71: {  	v5 =	vld.idx.msk [tilespmem:v3+s11+$0x0], $0xffff;
	s25 =	sadd.s32 $0xFFFFFFFF, s25;
	s24 =	sadd.s32 $0x10, s24;
	p3 =	por $0x1, $0x1;
	v3 =	vsel vm2, v2, v6;
	vm0 =	vmmov vm1;
	(xrf0) =	vmax.scan.msk.f32 $0xffff, v4  }
0x72: {  	_ =	sdelay $0x4  }
0x73: {  	v7, _, _ =	vpop (xrf0)  }
0x74: {  	(v2sf) =	vpush v7, $0xF;
	_ =	sdelay $0x3  }
0x75: {  	v6 =	vadd.s32 s24, v1;
	p5 =	seq.s32 s25, $0x1  }
.Ltmp12:
0x76: {  	vm1 =	vgt.s32 v6, v2;
	v5 =	vsel vm0, $0xFF61B1E6, v5;
	(pc) =	sbr.rel @p5 .LBB2_23-.Ltmp12, $3  }
0x77: {  	v4 =	vld.idx.msk [tilespmem:v3+s11+$0x0], $0xffff;
	v3 =	vsel vm1, v2, v6;
	(xrf0) =	vmax.scan.msk.f32 $0xffff, v5;
	_ =	sdelay $0x1  }
0x78: {  	s25 =	sadd.s32 $0xFFFFFFFF, s25  }
0x79: {  	s26 =	sadd.s32 $0x10, s24;
	p4 =	por $0x1, $0x1;
	s24 =	simm.f32 $-3.000000010e+38;
	vm0 =	vmmov vm2  }
.LBB2_24:
0x7a: {  	v7 =	vadd.s32 s26, v1;
	p5 =	seq.s32 s25, $0x1;
	s25 =	sadd.s32 $0xFFFFFFFF, s25;
	s28 =	spop (v2sf)  }
.Ltmp13:
0x7b: {  	v6 =	vsel vm0, $0xFF61B1E6, v4;
	vm0 =	vmmov vm1;
	v4 =	vld.idx.msk [tilespmem:v3+s11+$0x0], $0xffff;
	s24 =	smax.f32 s24, s28;
	vm1 =	vgt.s32 v7, v2;
	(pc) =	sbr.rel @!p5 .LBB2_24-.Ltmp13, $3  }
0x7c: {  	v3 =	vsel vm1, v2, v7;
	(xrf0) =	vmax.scan.msk.f32 $0xffff, v6;
	v5, _, _ =	vpop (xrf0)  }
0x7d: {  	(v2sf) =	vpush v5, $0xF;
	_ =	sdelay $0x1  }
0x7e: {  	s26 =	sadd.s32 $0x10, s26  }
.LBB2_25:
0x7f: {  	_ =	sdelay $0x3  }
0x80: {  	v3 =	vld.idx.msk [tilespmem:v3+s11+$0x0], $0xffff;
	_ =	sdelay $0x2  }
0x81: {  	v4 =	vsel @p0 vm0, $0xFF61B1E6, v4  }
0x82: {  	vm15 =	vmmov vm1;
	(xrf0) =	vmax.scan.msk.f32 @p0 $0xffff, v4  }
0x83: {  	v3 =	vsel vm15, $0xFF61B1E6, v3  }
0x84: {  	(xrf0) =	vmax.scan.msk.f32 $0xffff, v3;
	_ =	sdelay $0x1  }
0x85: {  	v3, _, _ =	vpop @p1 (xrf0)  }
0x86: {  	(v2sf) =	vpush @p1 v3, $0xF  }
0x87: {  	v3, _, _ =	vpop @p0 (xrf0)  }
0x88: {  	(v2sf) =	vpush @p0 v3, $0xF  }
0x89: {  	v3, _, _ =	vpop (xrf0)  }
0x8a: {  	(v2sf) =	vpush v3, $0xF;
	_ =	sdelay $0x4  }
0x8b: {  	s25 =	spop @p4 (v2sf)  }
0x8c: {  	s24 =	smax.f32 @p4 s24, s25;
	s25 =	simm.f32 $-3.000000010e+38  }
0x8d: {  	s25 =	smov.u32 @p4 s24;
	s24 =	spop @p3 (v2sf)  }
0x8e: {  	s24 =	smax.f32 @p3 s25, s24;
	s25 =	simm.f32 $-3.000000010e+38  }
0x8f: {  	s25 =	smov.u32 @p3 s24;
	s24 =	spop @p2 (v2sf)  }
0x90: {  	s24 =	smax.f32 @p2 s25, s24;
	s25 =	simm.f32 $-3.000000010e+38  }
0x91: {  	s25 =	smov.u32 @p2 s24;
	s24 =	spop @p1 (v2sf)  }
0x92: {  	s24 =	smax.f32 @p1 s25, s24;
	s25 =	simm.f32 $-3.000000010e+38  }
0x93: {  	s25 =	smov.u32 @p1 s24;
	s24 =	spop @p0 (v2sf)  }
0x94: {  	s24 =	smax.f32 @p0 s25, s24  }
0x95: {  	s23 =	smov.u32 @p0 s24;
	s31 =	spop (v2sf)  }
0x96: {  	s23 =	smax.f32 s23, s31  }
.LBB2_7:
0x97: {  	p0 =	slt.s32 s20, $0x1  }
.Ltmp14:
0x98: {  	_ = 	snop;
	(pc) =	sbr.rel @p0 .LBB2_5-.Ltmp14, $1  }
0x99: {  	_ =	sdelay $0x3  }
.Ltmp15:
0x9a: {  	(pc) =	sbr.rel .LBB2_9-.Ltmp15, $2  }
0x9b: {  	_ =	sdelay $0x2  }
0x9c: {  	s24 =	simm.s32 $0x0  }
.LBB2_47:
0x9d: {  	p1 =	por $0x0, $0x0  }
.LBB2_50:
0x9e: {  	vm1 =	vle.s32 v5, v2;
	v9 =	vpop @p1 (erf)  }
0x9f: {  	v5 =	vsel vm1, v5, v2;
	v9 =	vmul.f32 @p1 v9, v6;
	_ =	sdelay $0x1  }
0xa0: {  	v8 =	vadd.f32 @p1 v9, v8;
	_ =	sdelay $0x1  }
0xa1: {  	[tilespmem:v7+s13+$0x0] =	vst.idx.msk @p1 vm0, v8  }
0xa2: {  	v7 =	vld.idx.msk [tilespmem:v5+s11+$0x0], $0xffff;
	_ =	sdelay $0x4  }
0xa3: {  	v4 =	vadd.f32 v7, v4;
	_ =	sdelay $0x1  }
0xa4: {  	v7 =	vmul.f32 $2.000000030e-01, v4  }
0xa5: {  	vm14 =	vgt.f32 v4, $0.0e+00  }
0xa6: {  	v4 =	vsel vm14, v4, v7  }
0xa7: {  	v3 =	vsub.f32 v4, v3;
	_ =	sdelay $0x1  }
0xa8: {  	v3 =	vmul.f32 $1.442695020e+00, v3;
	_ =	sdelay $0x1  }
0xa9: {  	(erf) = vpow2.f32 v3;
	_ =	sdelay $0x6  }
0xaa: {  	v3 =	vld.idx.msk [tilespmem:v5+s13+$0x0], $0xffff;
	_ =	sdelay $0x1  }
0xab: {  	v63 =	vpop (erf)  }
0xac: {  	v4 =	vmul.f32 v63, v6;
	_ =	sdelay $0x1  }
0xad: {  	v3 =	vadd.f32 v4, v3;
	_ =	sdelay $0x1  }
0xae: {  	vm15 =	vmmov vm1;
	[tilespmem:v5+s13+$0x0] =	vst.idx.msk vm1, v3  }
.LBB2_51:
0xaf: {  	s24 =	sadd.s32 $0x1, s24  }
0xb0: {  	p0 =	seq.s32 s24, s20  }
.Ltmp16:
0xb1: {  	_ = 	snop;
	(pc) =	sbr.rel @p0 .LBB2_5-.Ltmp16, $1  }
0xb2: {  	_ =	sdelay $0x3  }
.LBB2_9:
0xb3: {  	s0 =	sld [smem:$0x7FD];
	_ =	sdelay $0x2  }
0xb4: {  	p0 =	seq.s32 s0, $0x1  }
.Ltmp17:
0xb5: {  	_ = 	snop;
	(pc) =	sbr.rel @p0 .LBB2_51-.Ltmp17, $1  }
0xb6: {  	_ =	sdelay $0x3  }
0xb7: {  	s25 =	sadd.s32 s22, s24  }
0xb8: {  	p0 =	slt.s32 s25, $0x5FFF  }
0xb9: {  	s25 =	simm.s32 @!p0 $0x5FFF  }
0xba: {  	v4 =	vld [tilespmem:s25+$0x8880];
	_ =	sdelay $0x4  }
0xbb: {  	(v2sf) =	vpush v4, $0x0;
	_ =	sdelay $0xe  }
0xbc: {  	s31 =	spop (v2sf)  }
0xbd: {  	s25 =	sadd.f32 s31, s23;
	_ =	sdelay $0x1  }
0xbe: {  	p0 =	sgt.f32 s25, $0.0e+00;
	s29 =	smul.f32 $2.000000030e-01, s25  }
0xbf: {  	_ = 	snop  }
0xc0: {  	s29 =	smov.u32 @p0 s25;
	p0 =	sne.s32 s21, $0x1  }
.Ltmp18:
0xc1: {  	_ = 	snop;
	(pc) =	sbr.rel @!p0 .LBB2_11-.Ltmp18, $4  }
0xc2: {  	s28 =	simm.f32 $0.0e+00;
	s26 =	sadd.s32 $0xFFFFFFFF, s21  }
0xc3: {  	v5 =	vadd.s32 s22, v1;
	p3 =	por $0x0, $0x0;
	p4 =	por $0x0, $0x0;
	s0 =	simm.s32 @!p0 $0x0  }
0xc4: {  	p5 =	por $0x0, $0x0;
	p6 =	por $0x0, $0x0;
	vm0 =	vgt.s32 v5, v2;
	s0 =	simm.s32 @p0 $0x1  }
0xc5: {  	p2 =	por $0x0, $0x0;
	v6 =	vsel vm0, v2, v5;
	v4 =	vbroadcast v4, $0x0;
	s25 =	sadd.s32 $0x10, s22;
	v3 =	vmov s29;
	[smem:$0x7FC] =	sst s0  }
0xc6: {  	p0 =	sne.s32 s26, $0x1  }
.Ltmp19:
0xc7: {  	_ = 	snop;
	(pc) =	sbr.rel @!p0 .LBB2_27-.Ltmp19, $4  }
0xc8: {  	_ = 	snop  }
0xc9: {  	v7 =	vadd.s32 s25, v1  }
0xca: {  	vm1 =	vmmov vm0;
	vm0 =	vgt.s32 v7, v2  }
0xcb: {  	v8 =	vld.idx.msk [tilespmem:v6+s11+$0x0], $0xffff;
	s29 =	sadd.s32 $0xFFFFFFFF, s26;
	s30 =	sadd.s32 $0x10, s25;
	p3 =	por $0x1, $0x1;
	v6 =	vsel vm0, v2, v7  }
0xcc: {  	_ =	sdelay $0x2  }
0xcd: {  	p0 =	sne.s32 s29, $0x1  }
.Ltmp20:
0xce: {  	v7 =	vadd.f32 v8, v4;
	(pc) =	sbr.rel @!p0 .LBB2_29-.Ltmp20, $4  }
0xcf: {  	_ = 	snop  }
0xd0: {  	vm2 =	vmmov vm1;
	v9 =	vadd.s32 s30, v1;
	v10 =	vmul.f32 $2.000000030e-01, v7  }
0xd1: {  	vm1 =	vmmov vm0;
	vm0 =	vgt.s32 v9, v2;
	vm3 =	vgt.f32 v7, $0.0e+00  }
0xd2: {  	s29 =	sadd.s32 $0xFFFFFFFF, s29;
	s30 =	sadd.s32 $0x10, s30;
	p4 =	por $0x1, $0x1;
	vm2 =	vmmov vm2;
	v8 =	vld.idx.msk [tilespmem:v6+s11+$0x0], $0xffff;
	v6 =	vsel vm0, v2, v9;
	v7 =	vsel vm3, v7, v10  }
0xd3: {  	_ =	sdelay $0x2  }
0xd4: {  	p0 =	sne.s32 s29, $0x1  }
.Ltmp21:
0xd5: {  	v7 =	vsub.f32 v7, v3;
	v9 =	vadd.f32 v8, v4;
	(pc) =	sbr.rel @!p0 .LBB2_31-.Ltmp21, $4  }
0xd6: {  	vm4 =	vmmov vm1;
	v10 =	vadd.s32 s30, v1;
	vm1 =	vmmov vm0  }
0xd7: {  	vm3 =	vmmov vm2;
	v7 =	vmul.f32 $1.442695020e+00, v7;
	v11 =	vmul.f32 $2.000000030e-01, v9  }
0xd8: {  	vm0 =	vgt.s32 v10, v2;
	vm2 =	vmmov vm4;
	vm5 =	vgt.f32 v9, $0.0e+00  }
0xd9: {  	s29 =	sadd.s32 $0xFFFFFFFF, s29;
	s31 =	sadd.s32 $0x10, s30;
	p5 =	por $0x1, $0x1;
	v8 =	vld.idx.msk [tilespmem:v6+s11+$0x0], $0xffff;
	v6 =	vsel vm0, v2, v10;
	(erf) = vpow2.f32 v7;
	v7 =	vsel vm5, v9, v11  }
0xda: {  	_ =	sdelay $0x2  }
0xdb: {  	p0 =	sne.s32 s29, $0x1  }
.Ltmp22:
0xdc: {  	v9 =	vadd.s32 s31, v1;
	v7 =	vsub.f32 v7, v3;
	v10 =	vadd.f32 v8, v4;
	(pc) =	sbr.rel @!p0 .LBB2_33-.Ltmp22, $4  }
0xdd: {  	vm4 =	vmmov vm1;
	vm1 =	vmmov vm0;
	vm5 =	vmmov vm3  }
0xde: {  	vm3 =	vmmov vm2;
	v7 =	vmul.f32 $1.442695020e+00, v7;
	v11 =	vmul.f32 $2.000000030e-01, v10  }
0xdf: {  	vm0 =	vgt.s32 v9, v2;
	vm2 =	vmmov vm4;
	vm6 =	vgt.f32 v10, $0.0e+00  }
0xe0: {  	s30 =	sadd.s32 $0xFFFFFFFF, s29;
	s29 =	sadd.s32 $0x10, s31;
	p6 =	por $0x1, $0x1;
	v8 =	vld.idx.msk [tilespmem:v6+s11+$0x0], $0xffff;
	v6 =	vsel vm0, v2, v9;
	(erf) = vpow2.f32 v7;
	v7 =	vsel vm6, v10, v11  }
0xe1: {  	_ =	sdelay $0x2  }
0xe2: {  	v10 =	vadd.s32 s29, v1;
	p0 =	sne.s32 s30, $0x1  }
.Ltmp23:
0xe3: {  	vm4 =	vmmov vm1;
	v7 =	vsub.f32 v7, v3;
	v9 =	vpop (erf);
	v8 =	vadd.f32 v8, v4;
	(pc) =	sbr.rel @!p0 .LBB2_35-.Ltmp23, $4  }
0xe4: {  	vm1 =	vmmov vm0;
	vm0 =	vgt.s32 v10, v2;
	v11 =	vsel vm5, $0x0, v9  }
0xe5: {  	vm5 =	vmmov vm3;
	v7 =	vmul.f32 $1.442695020e+00, v7;
	v12 =	vmul.f32 $2.000000030e-01, v8  }
0xe6: {  	vm3 =	vmmov vm2;
	vm2 =	vmmov vm4;
	vm6 =	vgt.f32 v8, $0.0e+00  }
0xe7: {  	s30 =	sadd.s32 $0xFFFFFFFF, s30;
	s31 =	sadd.s32 $0x10, s29;
	v9 =	vld.idx.msk [tilespmem:v6+s11+$0x0], $0xffff;
	v6 =	vsel vm0, v2, v10;
	(xrf2) =	vadd.scan.msk.f32 $0xffff, v11;
	(erf) = vpow2.f32 v7;
	v7 =	vsel vm6, v8, v12  }
0xe8: {  	_ =	sdelay $0x2  }
0xe9: {  	v10 =	vadd.s32 s31, v1;
	p0 =	sne.s32 s30, $0x1  }
.Ltmp24:
0xea: {  	vm6 =	vmmov vm1;
	v7 =	vsub.f32 v7, v3;
	v9 =	vadd.f32 v9, v4;
	(pc) =	sbr.rel @!p0 .LBB2_37-.Ltmp24, $4  }
0xeb: {  	vm1 =	vmmov vm0;
	vm4 =	vmmov vm3;
	vm0 =	vgt.s32 v10, v2  }
0xec: {  	v8 =	vld.idx.msk [tilespmem:v6+s11+$0x0], $0xffff;
	v6 =	vsel vm0, v2, v10;
	v7 =	vmul.f32 $1.442695020e+00, v7;
	v10 =	vpop (erf);
	v11 =	vmul.f32 $2.000000030e-01, v9  }
0xed: {  	vm3 =	vmmov vm2;
	v10 =	vsel vm5, $0x0, v10;
	vm5 =	vgt.f32 v9, $0.0e+00  }
0xee: {  	s29 =	sadd.s32 $0xFFFFFFFF, s30;
	s30 =	sadd.s32 $0x10, s31;
	p2 =	por $0x1, $0x1;
	vm2 =	vmmov vm6;
	(erf) = vpow2.f32 v7;
	(xrf2) =	vadd.scan.msk.f32 $0xffff, v10;
	v7 =	vsel vm5, v9, v11  }
0xef: {  	_ = 	snop  }
0xf0: {  	v10 =	vadd.s32 s30, v1;
	_ =	sdelay $0x1  }
0xf1: {  	vm5 =	vmmov vm1;
	vm1 =	vmmov vm0;
	vm0 =	vgt.s32 v10, v2  }
0xf2: {  	v9 =	vld.idx.msk [tilespmem:v6+s11+$0x0], $0xffff;
	v6 =	vsel vm0, v2, v10;
	v10, _, _ =	vpop (xrf2)  }
0xf3: {  	(v2sf) =	vpush v10, $0xF;
	_ =	sdelay $0x7  }
0xf4: {  	p0 =	sne.s32 s29, $0x1  }
.Ltmp25:
0xf5: {  	v7 =	vsub.f32 v7, v3;
	v8 =	vadd.f32 v8, v4;
	(pc) =	sbr.rel @!p0 .LBB2_39-.Ltmp25, $4  }
0xf6: {  	_ = 	snop  }
0xf7: {  	v11 =	vpop (erf);
	vm7 =	vmmov vm2;
	v7 =	vmul.f32 $1.442695020e+00, v7;
	v12 =	vmul.f32 $2.000000030e-01, v8  }
0xf8: {  	vm6 =	vmmov vm3;
	v11 =	vsel vm4, $0x0, v11;
	vm8 =	vgt.f32 v8, $0.0e+00  }
0xf9: {  	s29 =	sadd.s32 $0xFFFFFFFF, s29;
	s30 =	sadd.s32 $0x10, s30;
	vm2 =	vmmov vm5;
	(xrf2) =	vadd.scan.msk.f32 $0xffff, v11;
	(erf) = vpow2.f32 v7;
	v7 =	vsel vm8, v8, v12  }
0xfa: {  	_ = 	snop  }
0xfb: {  	v10 =	vadd.s32 s30, v1  }
0xfc: {  	vm3 =	vmmov vm1  }
0xfd: {  	v7 =	vsub.f32 v7, v3;
	vm1 =	vmmov vm0;
	vm0 =	vgt.s32 v10, v2  }
0xfe: {  	v8 =	vld.idx.msk [tilespmem:v6+s11+$0x0], $0xffff;
	v6 =	vsel vm0, v2, v10;
	v10, _, _ =	vpop (xrf2)  }
0xff: {  	v11 =	vpop (erf);
	v7 =	vmul.f32 $1.442695020e+00, v7;
	(v2sf) =	vpush v10, $0xF  }
0x100: {  	p0 =	por $0x1, $0x1;
	v11 =	vsel vm6, $0x0, v11  }
0x101: {  	s0 =	simm.s32 @!p0 $0x0;
	(xrf2) =	vadd.scan.msk.f32 $0xffff, v11;
	(erf) = vpow2.f32 v7  }
0x102: {  	s0 =	simm.s32 @p0 $0x1;
	p0 =	sne.s32 s29, $0x1  }
.Ltmp26:
0x103: {  	v9 =	vadd.f32 v9, v4;
	(pc) =	sbr.rel @!p0 .LBB2_41-.Ltmp26, $4  }
0x104: {  	_ = 	snop  }
0x105: {  	v12 =	vmul.f32 $2.000000030e-01, v9  }
0x106: {  	vm8 =	vmmov vm7;
	vm5 =	vgt.f32 v9, $0.0e+00  }
0x107: {  	s31 =	sadd.s32 $0xFFFFFFFF, s29;
	vm9 =	vmmov vm2;
	vm10 =	vmmov vm3;
	s29 =	sadd.s32 $0x10, s30;
	[smem:$0x7FB] =	sst s0;
	v9 =	vsel vm5, v9, v12  }
0x108: {  	v11 =	vsub.f32 v9, v3;
	_ =	sdelay $0x1  }
0x109: {  	v7 =	vadd.s32 s29, v1  }
0x10a: {  	vm2 =	vmmov vm1;
	vm1 =	vmmov vm0;
	vm0 =	vgt.s32 v7, v2  }
0x10b: {  	p0 =	por $0x1, $0x1;
	v10 =	vld.idx.msk [tilespmem:v6+s11+$0x0], $0xffff;
	v6 =	vsel vm0, v2, v7;
	v7 =	vmul.f32 $1.442695020e+00, v11;
	v11, _, _ =	vpop (xrf2)  }
0x10c: {  	s0 =	simm.s32 @!p0 $0x0;
	(v2sf) =	vpush v11, $0xF  }
0x10d: {  	s0 =	simm.s32 @p0 $0x1;
	p0 =	por $0x1, $0x1  }
0x10e: {  	[smem:$0x7F9] =	sst s0;
	s0 =	simm.s32 @!p0 $0x0  }
0x10f: {  	v12 =	vpop (erf);
	s0 =	simm.s32 @p0 $0x1;
	p0 =	sne.s32 s31, $0x1  }
.Ltmp27:
0x110: {  	v8 =	vadd.f32 v8, v4;
	v12 =	vsel vm8, $0x0, v12;
	(pc) =	sbr.rel @!p0 .LBB2_43-.Ltmp27, $4  }
0x111: {  	(xrf2) =	vadd.scan.msk.f32 $0xffff, v12  }
0x112: {  	v13 =	vmul.f32 $2.000000030e-01, v8;
	(erf) = vpow2.f32 v7  }
0x113: {  	s30 =	sadd.s32 $0xFFFFFFFF, s31;
	vm5 =	vmmov vm9;
	vm3 =	vgt.f32 v8, $0.0e+00  }
0x114: {  	vm2 =	vmmov vm2;
	s31 =	sadd.s32 $0x10, s29;
	v7 =	vsel vm3, v8, v13;
	vm3 =	vmmov vm10;
	s29 =	simm.f32 $0.0e+00;
	[smem:$0x7FA] =	sst s0  }
.LBB2_44:
0x115: {  	v13 =	vadd.s32 s31, v1  }
0x116: {  	v7 =	vsub.f32 v7, v3;
	s0 =	spop (v2sf);
	vm11 =	vmmov vm1;
	vm1 =	vmmov vm0;
	p0 =	sne.s32 s30, $0x1  }
.Ltmp28:
0x117: {  	s30 =	sadd.s32 $0xFFFFFFFF, s30;
	v11 =	vadd.f32 v10, v4;
	vm0 =	vgt.s32 v13, v2;
	v10 =	vld.idx.msk [tilespmem:v6+s11+$0x0], $0xffff;
	v12 =	vpop (erf);
	s29 =	sadd.f32 s0, s29;
	(pc) =	sbr.rel @p0 .LBB2_44-.Ltmp28, $4  }
0x118: {  	v6 =	vsel vm0, v2, v13;
	v7 =	vmul.f32 $1.442695020e+00, v7;
	v8, _, _ =	vpop (xrf2)  }
0x119: {  	v13 =	vmul.f32 $2.000000030e-01, v11;
	v12 =	vsel vm5, $0x0, v12;
	(v2sf) =	vpush v8, $0xF  }
0x11a: {  	vm12 =	vgt.f32 v11, $0.0e+00;
	vm5 =	vmmov vm3;
	(erf) = vpow2.f32 v7;
	(xrf2) =	vadd.scan.msk.f32 $0xffff, v12  }
0x11b: {  	s31 =	sadd.s32 $0x10, s31;
	vm3 =	vmmov vm2;
	vm2 =	vmmov vm11;
	v7 =	vsel vm12, v11, v13  }
0x11c: {  	v8 =	vmov v10;
	p0 =	por $0x1, $0x1  }
.LBB2_46:
0x11d: {  	_ =	sdelay $0x3  }
0x11e: {  	v6 =	vld.idx.msk [tilespmem:v6+s11+$0x0], $0xffff  }
0x11f: {  	v8 =	vadd.f32 @p3 v8, v4;
	_ =	sdelay $0x1  }
0x120: {  	v7 =	vsub.f32 @p4 v7, v3;
	v10 =	vmul.f32 @p3 $2.000000030e-01, v8  }
0x121: {  	vm11 =	vgt.f32 @p3 v8, $0.0e+00  }
0x122: {  	v7 =	vmul.f32 @p4 $1.442695020e+00, v7;
	v8 =	vsel @p3 vm11, v8, v10;
	v6 =	vadd.f32 v6, v4  }
0x123: {  	v8 =	vpsel p3, v8, v9  }
0x124: {  	(erf) = vpow2.f32 @p4 v7;
	v7 =	vsub.f32 @p3 v8, v3;
	v8 =	vmul.f32 $2.000000030e-01, v6  }
0x125: {  	vm15 =	vgt.f32 v6, $0.0e+00  }
0x126: {  	v7 =	vmul.f32 @p3 $1.442695020e+00, v7;
	v6 =	vsel vm15, v6, v8  }
0x127: {  	v6 =	vsub.f32 v6, v3;
	_ =	sdelay $0x1  }
0x128: {  	vm3 =	vmmov @p5 vm3;
	v8 =	vpop @p6 (erf);
	(erf) = vpow2.f32 @p3 v7;
	v6 =	vmul.f32 $1.442695020e+00, v6  }
0x129: {  	vm1 =	vmmov @p3 vm1;
	vm8 =	vmmov @p5 vm3;
	v7 =	vpop @p5 (erf)  }
0x12a: {  	vm2 =	vmmov @p4 vm2;
	(erf) = vpow2.f32 v6;
	v6 =	vsel @p5 vm8, $0x0, v7  }
0x12b: {  	vm1 =	vmmov @p3 vm1;
	vm9 =	vmmov @p4 vm2;
	v8 =	vsel @p6 vm5, $0x0, v8  }
0x12c: {  	vm10 =	vmmov @p3 vm1;
	vm1 =	vmmov @p4 vm9;
	(xrf2) =	vadd.scan.msk.f32 @p6 $0xffff, v8;
	v7 =	vpop @p4 (erf)  }
0x12d: {  	vm6 =	vmmov @p4 vm1;
	(xrf2) =	vadd.scan.msk.f32 @p5 $0xffff, v6;
	v6, _, _ =	vpop @p2 (xrf2)  }
0x12e: {  	vm2 =	vmmov @p3 vm10;
	(v2sf) =	vpush @p2 v6, $0xF;
	v6 =	vsel @p4 vm6, $0x0, v7  }
0x12f: {  	s0 =	sld [smem:$0x7FB];
	vm7 =	vmmov @p3 vm2  }
0x130: {  	vm1 =	vmmov @p3 vm7  }
0x131: {  	vm0 =	vmmov vm0;
	vm4 =	vmmov @p3 vm1;
	(xrf2) =	vadd.scan.msk.f32 @p4 $0xffff, v6;
	v6 =	vpop @p3 (erf)  }
0x132: {  	p1 =	por p2, p2;
	vm0 =	vmmov vm0;
	p2 =	seq.s32 s0, $0x1;
	v6 =	vsel @p3 vm4, $0x0, v6  }
0x133: {  	vm0 =	vmmov vm0;
	v7, _, _ =	vpop @p2 (xrf2)  }
0x134: {  	vm0 =	vmmov vm0;
	(v2sf) =	vpush @p2 v7, $0xF  }
0x135: {  	s30 =	sld [smem:$0x7F9];
	vm0 =	vmmov vm0;
	s0 =	spop @p0 (v2sf);
	(xrf2) =	vadd.scan.msk.f32 @p3 $0xffff, v6;
	v6 =	vpop (erf)  }
0x136: {  	s0 =	sadd.f32 @p0 s0, s29;
	v7, _, _ =	vpop @p6 (xrf2);
	v6 =	vsel vm0, $0x0, v6  }
0x137: {  	s29 =	simm.f32 $0.0e+00;
	(v2sf) =	vpush @p6 v7, $0xF  }
0x138: {  	s29 =	smov.u32 @p0 s0;
	p0 =	seq.s32 s30, $0x1;
	(xrf2) =	vadd.scan.msk.f32 $0xffff, v6  }
0x139: {  	s31 =	sld [smem:$0x7FA];
	s0 =	spop @p0 (v2sf);
	v6, _, _ =	vpop @p5 (xrf2)  }
0x13a: {  	s0 =	sadd.f32 @p0 s0, s29;
	(v2sf) =	vpush @p5 v6, $0xF  }
0x13b: {  	s29 =	simm.f32 $0.0e+00  }
0x13c: {  	s29 =	smov.u32 @p0 s0;
	p0 =	por p5, p5;
	v6, _, _ =	vpop @p4 (xrf2);
	p5 =	seq.s32 s31, $0x1  }
0x13d: {  	s0 =	spop @p5 (v2sf);
	(v2sf) =	vpush @p4 v6, $0xF  }
0x13e: {  	s0 =	sadd.f32 @p5 s0, s29  }
0x13f: {  	s29 =	simm.f32 $0.0e+00;
	v6, _, _ =	vpop @p3 (xrf2)  }
0x140: {  	s29 =	smov.u32 @p5 s0;
	s0 =	spop @p1 (v2sf);
	(v2sf) =	vpush @p3 v6, $0xF  }
0x141: {  	s0 =	sadd.f32 @p1 s0, s29  }
0x142: {  	s29 =	simm.f32 $0.0e+00;
	v6, _, _ =	vpop (xrf2)  }
0x143: {  	s29 =	smov.u32 @p1 s0;
	s0 =	spop @p2 (v2sf);
	(v2sf) =	vpush v6, $0xF  }
0x144: {  	s0 =	sadd.f32 @p2 s0, s29  }
0x145: {  	s29 =	simm.f32 $0.0e+00  }
0x146: {  	s29 =	smov.u32 @p2 s0;
	s0 =	spop @p6 (v2sf)  }
0x147: {  	s0 =	sadd.f32 @p6 s0, s29  }
0x148: {  	s29 =	simm.f32 $0.0e+00  }
0x149: {  	s29 =	smov.u32 @p6 s0;
	s0 =	spop @p0 (v2sf)  }
0x14a: {  	s0 =	sadd.f32 @p0 s0, s29  }
0x14b: {  	s29 =	simm.f32 $0.0e+00  }
0x14c: {  	s29 =	smov.u32 @p0 s0;
	s0 =	spop @p4 (v2sf)  }
0x14d: {  	s0 =	sadd.f32 @p4 s0, s29  }
0x14e: {  	s29 =	simm.f32 $0.0e+00  }
0x14f: {  	s29 =	smov.u32 @p4 s0;
	s0 =	spop @p3 (v2sf)  }
0x150: {  	s0 =	sadd.f32 @p3 s0, s29;
	_ =	sdelay $0x1  }
0x151: {  	s30 =	spop (v2sf);
	s28 =	smov.u32 @p3 s0  }
0x152: {  	s0 =	sadd.f32 s30, s28;
	_ =	sdelay $0x1  }
0x153: {  	v6 =	vmov s0  }
0x154: {  	(erf) = vrcp.f32 v6  }
0x155: {  	s31 =	sld [smem:$0x7FC];
	_ =	sdelay $0x2  }
0x156: {  	p0 =	seq.s32 s31, $0x1  }
.Ltmp29:
0x157: {  	_ = 	snop;
	(pc) =	sbr.rel @!p0 .LBB2_47-.Ltmp29, $2  }
0x158: {  	_ =	sdelay $0x2  }
0x159: {  	v6 =	vpop (erf)  }
0x15a: {  	vm0 =	vle.s32 v5, v2  }
0x15b: {  	v7 =	vsel vm0, v5, v2;
	_ =	sdelay $0x4  }
0x15c: {  	v5 =	vld.idx.msk [tilespmem:v7+s11+$0x0], $0xffff;
	_ =	sdelay $0x4  }
0x15d: {  	v5 =	vadd.f32 v5, v4;
	_ =	sdelay $0x1  }
0x15e: {  	v8 =	vmul.f32 $2.000000030e-01, v5  }
0x15f: {  	vm1 =	vgt.f32 v5, $0.0e+00  }
0x160: {  	v5 =	vsel vm1, v5, v8  }
0x161: {  	v5 =	vsub.f32 v5, v3;
	_ =	sdelay $0x1  }
0x162: {  	v5 =	vmul.f32 $1.442695020e+00, v5;
	_ =	sdelay $0x1  }
0x163: {  	(erf) = vpow2.f32 v5;
	_ =	sdelay $0x2  }
0x164: {  	p0 =	sne.s32 s26, $0x1  }
.Ltmp30:
0x165: {  	_ = 	snop;
	(pc) =	sbr.rel @!p0 .LBB2_50-.Ltmp30, $3  }
0x166: {  	_ =	sdelay $0x1  }
0x167: {  	v8 =	vld.idx.msk [tilespmem:v7+s13+$0x0], $0xffff  }
0x168: {  	s26 =	sadd.s32 $0xFFFFFFFF, s26;
	p1 =	por $0x1, $0x1;
	vm0 =	vmmov vm0;
	v5 =	vadd.s32 s25, v1  }
.LBB2_49:
0x169: {  	p0 =	sne.s32 s26, $0x1;
	vm1 =	vle.s32 v5, v2;
	v9 =	vpop (erf)  }
0x16a: {  	v5 =	vsel vm1, v5, v2;
	v9 =	vmul.f32 v9, v6;
	_ =	sdelay $0x1  }
0x16b: {  	v8 =	vadd.f32 v9, v8;
	_ =	sdelay $0x1  }
0x16c: {  	[tilespmem:v7+s13+$0x0] =	vst.idx.msk vm0, v8;
	v7 =	vmov v5;
	vm0 =	vmmov vm1  }
0x16d: {  	v5 =	vld.idx.msk [tilespmem:v5+s11+$0x0], $0xffff;
	_ =	sdelay $0x5  }
0x16e: {  	v5 =	vadd.f32 v5, v4;
	_ =	sdelay $0x1  }
0x16f: {  	v8 =	vmul.f32 $2.000000030e-01, v5  }
0x170: {  	vm1 =	vgt.f32 v5, $0.0e+00  }
0x171: {  	v5 =	vsel vm1, v5, v8  }
0x172: {  	v5 =	vsub.f32 v5, v3;
	_ =	sdelay $0x1  }
0x173: {  	v5 =	vmul.f32 $1.442695020e+00, v5;
	_ =	sdelay $0x1  }
0x174: {  	(erf) = vpow2.f32 v5;
	_ =	sdelay $0x3  }
.Ltmp31:
0x175: {  	(pc) =	sbr.rel @p0 .LBB2_49-.Ltmp31, $4  }
0x176: {  	_ = 	snop  }
0x177: {  	v8 =	vld.idx.msk [tilespmem:v7+s13+$0x0], $0xffff  }
0x178: {  	s25 =	sadd.s32 $0x10, s25  }
0x179: {  	s26 =	sadd.s32 $0xFFFFFFFF, s26;
	v5 =	vadd.s32 s25, v1  }
.Ltmp32:
0x17a: {  	_ = 	snop;
	(pc) =	sbr.rel .LBB2_50-.Ltmp32, $1  }
0x17b: {  	_ =	sdelay $0x3  }
.LBB2_11:
0x17c: {  	p0 =	por $0x0, $0x0  }
0x17d: {  	s0 =	simm.s32 @!p0 $0x0  }
0x17e: {  	p1 =	por $0x0, $0x0;
	s0 =	simm.s32 @p0 $0x1  }
.Ltmp33:
0x17f: {  	[smem:$0x7F9] =	sst s0;
	s0 =	simm.s32 @!p1 $0x0;
	(pc) =	sbr.rel .LBB2_46-.Ltmp33, $4  }
0x180: {  	s0 =	simm.s32 @p1 $0x1;
	p1 =	por $0x0, $0x0  }
0x181: {  	[smem:$0x7FA] =	sst s0;
	s0 =	simm.s32 @!p1 $0x0  }
0x182: {  	s0 =	simm.s32 @p1 $0x1  }
0x183: {  	s29 =	simm.f32 $0.0e+00;
	p0 =	por $0x0, $0x0;
	[smem:$0x7FB] =	sst s0  }
.LBB2_27:
0x184: {  	p0 =	por $0x0, $0x0  }
0x185: {  	s0 =	simm.s32 @!p0 $0x0  }
0x186: {  	s0 =	simm.s32 @p0 $0x1;
	p0 =	por $0x0, $0x0  }
.Ltmp34:
0x187: {  	[smem:$0x7F9] =	sst s0;
	s0 =	simm.s32 @!p0 $0x0;
	(pc) =	sbr.rel .LBB2_46-.Ltmp34, $4  }
0x188: {  	s0 =	simm.s32 @p0 $0x1;
	p0 =	por $0x0, $0x0  }
0x189: {  	[smem:$0x7FA] =	sst s0;
	s0 =	simm.s32 @!p0 $0x0  }
0x18a: {  	s0 =	simm.s32 @p0 $0x1  }
0x18b: {  	s29 =	simm.f32 $0.0e+00;
	p0 =	por $0x0, $0x0;
	[smem:$0x7FB] =	sst s0  }
.LBB2_29:
0x18c: {  	p0 =	por $0x0, $0x0  }
0x18d: {  	s0 =	simm.s32 @!p0 $0x0  }
0x18e: {  	s0 =	simm.s32 @p0 $0x1;
	p0 =	por $0x0, $0x0  }
.Ltmp35:
0x18f: {  	[smem:$0x7F9] =	sst s0;
	s0 =	simm.s32 @!p0 $0x0;
	(pc) =	sbr.rel .LBB2_46-.Ltmp35, $4  }
0x190: {  	s0 =	simm.s32 @p0 $0x1;
	p0 =	por $0x0, $0x0  }
0x191: {  	[smem:$0x7FA] =	sst s0;
	s0 =	simm.s32 @!p0 $0x0  }
0x192: {  	s0 =	simm.s32 @p0 $0x1  }
0x193: {  	s29 =	simm.f32 $0.0e+00;
	p0 =	por $0x0, $0x0;
	[smem:$0x7FB] =	sst s0  }
.LBB2_31:
0x194: {  	p0 =	por $0x0, $0x0  }
0x195: {  	s0 =	simm.s32 @!p0 $0x0  }
0x196: {  	s0 =	simm.s32 @p0 $0x1;
	p0 =	por $0x0, $0x0  }
.Ltmp36:
0x197: {  	[smem:$0x7F9] =	sst s0;
	s0 =	simm.s32 @!p0 $0x0;
	(pc) =	sbr.rel .LBB2_46-.Ltmp36, $4  }
0x198: {  	s0 =	simm.s32 @p0 $0x1;
	p0 =	por $0x0, $0x0  }
0x199: {  	[smem:$0x7FA] =	sst s0;
	s0 =	simm.s32 @!p0 $0x0  }
0x19a: {  	s0 =	simm.s32 @p0 $0x1  }
0x19b: {  	s29 =	simm.f32 $0.0e+00;
	p0 =	por $0x0, $0x0;
	[smem:$0x7FB] =	sst s0  }
.LBB2_33:
0x19c: {  	p0 =	por $0x0, $0x0  }
0x19d: {  	s0 =	simm.s32 @!p0 $0x0  }
0x19e: {  	s0 =	simm.s32 @p0 $0x1;
	p0 =	por $0x0, $0x0  }
.Ltmp37:
0x19f: {  	[smem:$0x7F9] =	sst s0;
	s0 =	simm.s32 @!p0 $0x0;
	(pc) =	sbr.rel .LBB2_46-.Ltmp37, $4  }
0x1a0: {  	s0 =	simm.s32 @p0 $0x1;
	p0 =	por $0x0, $0x0  }
0x1a1: {  	[smem:$0x7FA] =	sst s0;
	s0 =	simm.s32 @!p0 $0x0  }
0x1a2: {  	s0 =	simm.s32 @p0 $0x1  }
0x1a3: {  	s29 =	simm.f32 $0.0e+00;
	p0 =	por $0x0, $0x0;
	[smem:$0x7FB] =	sst s0  }
.LBB2_35:
0x1a4: {  	p0 =	por $0x0, $0x0  }
0x1a5: {  	s0 =	simm.s32 @!p0 $0x0  }
0x1a6: {  	s0 =	simm.s32 @p0 $0x1;
	p0 =	por $0x0, $0x0  }
.Ltmp38:
0x1a7: {  	[smem:$0x7F9] =	sst s0;
	s0 =	simm.s32 @!p0 $0x0;
	(pc) =	sbr.rel .LBB2_46-.Ltmp38, $4  }
0x1a8: {  	s0 =	simm.s32 @p0 $0x1;
	p0 =	por $0x1, $0x1  }
0x1a9: {  	[smem:$0x7FA] =	sst s0;
	s0 =	simm.s32 @!p0 $0x0  }
0x1aa: {  	s0 =	simm.s32 @p0 $0x1  }
0x1ab: {  	s29 =	simm.f32 $0.0e+00;
	v8 =	vmov v9;
	p0 =	por $0x0, $0x0;
	[smem:$0x7FB] =	sst s0  }
.LBB2_37:
0x1ac: {  	p0 =	por $0x0, $0x0  }
0x1ad: {  	s0 =	simm.s32 @!p0 $0x0  }
0x1ae: {  	s0 =	simm.s32 @p0 $0x1;
	p0 =	por $0x0, $0x0  }
.Ltmp39:
0x1af: {  	[smem:$0x7F9] =	sst s0;
	s0 =	simm.s32 @!p0 $0x0;
	(pc) =	sbr.rel .LBB2_46-.Ltmp39, $4  }
0x1b0: {  	s0 =	simm.s32 @p0 $0x1;
	p0 =	por $0x1, $0x1  }
0x1b1: {  	[smem:$0x7FA] =	sst s0;
	s0 =	simm.s32 @!p0 $0x0  }
0x1b2: {  	s0 =	simm.s32 @p0 $0x1  }
0x1b3: {  	s29 =	simm.f32 $0.0e+00;
	vm5 =	vmmov vm4;
	p0 =	por $0x0, $0x0;
	[smem:$0x7FB] =	sst s0  }
.LBB2_39:
0x1b4: {  	p0 =	por $0x0, $0x0  }
0x1b5: {  	s0 =	simm.s32 @!p0 $0x0  }
0x1b6: {  	s0 =	simm.s32 @p0 $0x1;
	p0 =	por $0x1, $0x1  }
.Ltmp40:
0x1b7: {  	[smem:$0x7F9] =	sst s0;
	s0 =	simm.s32 @!p0 $0x0;
	(pc) =	sbr.rel .LBB2_46-.Ltmp40, $4  }
0x1b8: {  	s0 =	simm.s32 @p0 $0x1;
	p0 =	por $0x1, $0x1  }
0x1b9: {  	[smem:$0x7FA] =	sst s0;
	s0 =	simm.s32 @!p0 $0x0  }
0x1ba: {  	s0 =	simm.s32 @p0 $0x1;
	_ =	sdelay $0x1  }
0x1bb: {  	v8 =	vmov v9;
	s29 =	simm.f32 $0.0e+00;
	vm5 =	vmmov vm6;
	vm3 =	vmmov vm7;
	p0 =	por $0x0, $0x0;
	[smem:$0x7FB] =	sst s0  }
.LBB2_41:
0x1bc: {  	p0 =	por $0x1, $0x1  }
.Ltmp41:
0x1bd: {  	s0 =	simm.s32 @!p0 $0x0;
	(pc) =	sbr.rel .LBB2_46-.Ltmp41, $4  }
0x1be: {  	s0 =	simm.s32 @p0 $0x1;
	p0 =	por $0x1, $0x1  }
0x1bf: {  	[smem:$0x7F9] =	sst s0;
	s0 =	simm.s32 @!p0 $0x0  }
0x1c0: {  	s0 =	simm.s32 @p0 $0x1;
	_ =	sdelay $0x1  }
0x1c1: {  	v7 =	vmovc v9;
	s29 =	simm.f32 $0.0e+00;
	vm5 =	vmmov vm8;
	vm3 =	vmmov vm9;
	vm2 =	vmmov vm10;
	p0 =	por $0x0, $0x0;
	[smem:$0x7FA] =	sst s0  }
.LBB2_43:
.Ltmp42:
0x1c2: {  	(pc) =	sbr.rel .LBB2_46-.Ltmp42, $2  }
0x1c3: {  	_ =	sdelay $0x2  }
0x1c4: {  	v8 =	vmov v10;
	s29 =	simm.f32 $0.0e+00;
	p0 =	por $0x1, $0x1  }
.LBB2_13:
.Ltmp43:
0x1c5: {  	(pc) =	sbr.rel .LBB2_25-.Ltmp43, $2  }
0x1c6: {  	_ =	sdelay $0x2  }
0x1c7: {  	s24 =	simm.f32 $-3.000000010e+38  }
.LBB2_15:
.Ltmp44:
0x1c8: {  	(pc) =	sbr.rel .LBB2_25-.Ltmp44, $2  }
0x1c9: {  	_ =	sdelay $0x2  }
0x1ca: {  	s24 =	simm.f32 $-3.000000010e+38;
	vm1 =	vmmov vm3  }
.LBB2_17:
.Ltmp45:
0x1cb: {  	_ = 	snop;
	(pc) =	sbr.rel .LBB2_25-.Ltmp45, $2  }
0x1cc: {  	_ =	sdelay $0x2  }
0x1cd: {  	s24 =	simm.f32 $-3.000000010e+38;
	vm1 =	vmmov vm2;
	v4 =	vmov v5  }
.LBB2_19:
.Ltmp46:
0x1ce: {  	(pc) =	sbr.rel .LBB2_25-.Ltmp46, $2  }
0x1cf: {  	_ =	sdelay $0x2  }
0x1d0: {  	s24 =	simm.f32 $-3.000000010e+38  }
.LBB2_21:
.Ltmp47:
0x1d1: {  	_ = 	snop;
	(pc) =	sbr.rel .LBB2_25-.Ltmp47, $2  }
0x1d2: {  	_ =	sdelay $0x3  }
0x1d3: {  	s24 =	simm.f32 $-3.000000010e+38;
	vm1 =	vmmov vm2;
	v4 =	vmov v5  }
.LBB2_23:
.Ltmp48:
0x1d4: {  	(pc) =	sbr.rel .LBB2_25-.Ltmp48, $2  }
0x1d5: {  	_ =	sdelay $0x2  }
0x1d6: {  	s24 =	simm.f32 $-3.000000010e+38  }
.LBB2_53:
0x1d7: {  	_ =	sfence.sel $0x180000  }
0x1d8: {  	[bflag:$0x0] =	sbarrier.arrive $0xFFFF  }
0x1d9: {  	_ =	strace $0x9000004D  }
0x1da: {  	[bflag:$0x2] =	sbarrier.arrive $0xFFFF  }
0x1db: {  	p0 =	sne.s32 s2, $0x0;
	s0 =	rddreg [dreg:$0x2]  }
0x1dc: {  	s0 =	sadd.s32 @!p0 $0x100000, s0  }
0x1dd: {  	[sflag:s0] =	ssyncadd.tile.s32 @!p0 $0x1;
	_ =	shalt  }
.Lfunc_end2:
_tile_overlayer_lowered:
.L_overlay_start_2:
0x1de: {  	(tag) =	ssettag $0x2  }
0x1df: {  	s0 =	rddreg [dreg:$0x0];
	s2 =	stileid.u32  }
0x1e0: {  	s1 =	rddreg [dreg:$0x1];
	p0 =	sne.s32 s2, $0x0  }
0x1e1: {  	s3 =	rddreg [dreg:$0x2];
	[bflag:$0x3] =	sbarrier.arrive $0xFFFF;
	s2 =	simm.s32 @!p0 $0x1C01  }
0x1e2: {  	[timem:s3], [sflag:s2] =	dma.local @!p0 [hbm:s0], s1  }
0x1e3: {  	s0 =	simm.s32 @!p0 $0x1  }
0x1e4: {  	_ =	swait.ge @!p0 [sflag:s0], s1  }
0x1e5: {  	s1 =	ssub.s32 @!p0 $0x0, s1;
	[sflag:s0] =	ssyncset.done @!p0 $0x0  }
0x1e6: {  	[sflag:s0] =	ssyncadd.s32 @!p0 s1  }
0x1e7: {  	[bflag:$0x3] =	sbarrier.arrive $0xFFFF  }
0x1e8: {  	_ =	shalt  }

// kernel: scatter_offload_async_start.1
scs
__scs_entry_jumppad:
0x0: {  	(pc) =	sbr.rel $0x88, $3  }
0x1: {  	(tag) =	ssettag $0x0;
	lr =	simm.s32 $0x1  }
0x2: {  	[smem:$0x3F93] =	sst lr;
	_ =	strace $0xD0000000  }
0x3: {  	_ = 	snop  }
0x4: {  	_ = 	snop  }
0x5: {  	_ = 	snop  }
0x6: {  	_ = 	snop  }
0x7: {  	_ = 	snop  }
__scs_overlays_trampoline_lowered:
0x8: {  	[smem:$0x3FA2] =	sst s0  }
0x9: {  	[smem:$0x3FA3] =	sst s1  }
0xa: {  	[smem:$0x3FA4] =	sst s2  }
0xb: {  	[smem:$0x3FA5] =	sst s3  }
0xc: {  	[smem:$0x3FA6] =	sst s4  }
0xd: {  	[smem:$0x3FA7] =	sst s5  }
0xe: {  	[smem:$0x3FA8] =	sst s6  }
0xf: {  	[smem:$0x3FA9] =	sst s7  }
0x10: {  	[smem:$0x3FAA] =	sst s8  }
0x11: {  	[smem:$0x3FAB] =	sst s9;
	s0 =	simm.s32 @!p0 $0x0  }
0x12: {  	s1 =	sld [smem:$0x3F91];
	s0 =	simm.s32 @p0 $0x1  }
0x13: {  	[smem:$0x3FAC] =	sst s0;
	s0 =	simm.s32 @!p1 $0x0  }
0x14: {  	s2 =	sld [smem:$0x3F90];
	s0 =	simm.s32 @p1 $0x1  }
0x15: {  	[smem:$0x3FAD] =	sst s0;
	s0 =	simm.s32 @!p2 $0x0  }
0x16: {  	s3 =	sld [smem:$0x3FDB];
	s0 =	simm.s32 @p2 $0x1  }
0x17: {  	s4 =	simm.s32 $0x1BF5;
	[smem:$0x3FAF] =	sst s0  }
0x18: {  	s0 =	sld [smem:$0x3F92];
	_ =	swait.ge [sflag:s4], $0x0  }
0x19: {  	s7 =	sld [smem:$0x3F93]  }
0x1a: {  	s8 =	sadd.s32 $0xFFFFE003, lr  }
0x1b: {  	s9 =	sadd.s32 $0xFFFFFEF7, lr;
	s5 =	simm.s32 $0xFFFFFFFF;
	p2 =	slt.u32 s8, $0xFFFFF086  }
0x1c: {  	p1 =	slt.u32 s9, $0xF7A;
	s5 =	simm.s32 @!p2 $0x0  }
0x1d: {  	s5 =	simm.s32 @p1 $0x1;
	p0 =	seq.s32 s7, s2  }
0x1e: {  	s7 =	smul.u32 @!p0 $0xF7A, s2;
	p2 =	seq.s32 @!p0 s5, $0x0  }
0x1f: {  	s9 =	smul.u32 $0xF7A, s1;
	s8 =	simm.s32 @!p0 $0x1BF5;
	p2 =	por !p2, p0  }
0x20: {  	[sflag:s8] =	ssyncset.s32 @!p0 $0xFFFFF086;
	s6 =	sadd.s32 @!p0 s3, s7;
	s7 =	simm.s32 @!p0 $0x108  }
0x21: {  	s3 =	sadd.s32 s3, s9;
	s6 =	sadd.s32 @!p0 $0x88, s6;
	s7 =	simm.s32 @p2 $0x1082  }
0x22: {  	[simem:s7], [sflag:s8] =	dma.local @!p0 [hbm:s6], $0xF7A  }
0x23: {  	s9 =	sor.u32 $0xD0000000, s2;
	s6 =	simm.s32 $0x108;
	_ =	swait.ge @!p0 [sflag:s8], $0x0  }
0x24: {  	s3 =	sadd.s32 $0x88, s3;
	s6 =	simm.s32 @!p1 $0x1082;
	[sflag:s4] =	ssyncset.s32 $0xFFFFF086  }
0x25: {  	[simem:s6], [sflag:s4] =	dma.local [hbm:s3], $0xF7A  }
0x26: {  	[smem:$0x3F93] =	sst s1;
	(tag) =	ssettag s2;
	_ =	strace s9  }
0x27: {  	s1 =	sld [smem:$0x3FA3]  }
0x28: {  	s2 =	sld [smem:$0x3FA4]  }
0x29: {  	s4 =	sld [smem:$0x3FA6]  }
0x2a: {  	p0 =	seq.s32 s5, $0x0;
	s5 =	sld [smem:$0x3FA7]  }
0x2b: {  	s6 =	sld [smem:$0x3FA8]  }
0x2c: {  	s7 =	sld [smem:$0x3FA9]  }
0x2d: {  	s3 =	simm.s32 $0x108;
	s8 =	sld [smem:$0x3FAA]  }
0x2e: {  	s3 =	simm.s32 @!p0 $0x1082;
	s9 =	sld [smem:$0x3FAB]  }
0x2f: {  	lr =	sadd.s32 s0, s3;
	s0 =	sld [smem:$0x3FA2]  }
0x30: {  	s3 =	sld [smem:$0x3FA5]  }
0x31: {  	[smem:$0x3FAE] =	sst s10  }
0x32: {  	s10 =	sld [smem:$0x3FAC];
	_ =	sdelay $0x3  }
0x33: {  	p0 =	seq.s32 s10, $0x1;
	s10 =	sld [smem:$0x3FAE];
	_ =	sdelay $0x3  }
0x34: {  	[smem:$0x3FAE] =	sst s10  }
0x35: {  	s10 =	sld [smem:$0x3FAD];
	_ =	sdelay $0x3  }
0x36: {  	p1 =	seq.s32 s10, $0x1;
	s10 =	sld [smem:$0x3FAE];
	_ =	sdelay $0x3  }
0x37: {  	[smem:$0x3FAE] =	sst s10  }
0x38: {  	s10 =	sld [smem:$0x3FAF]  }
0x39: {  	_ = 	snop;
	(pc) =	sbr.ind lr, $3  }
0x3a: {  	_ = 	snop  }
0x3b: {  	_ = 	snop  }
0x3c: {  	p2 =	seq.s32 s10, $0x1;
	s10 =	sld [smem:$0x3FAE]  }
0x3d: {  	_ =	shalt  }
0x3e: {  	_ =	shalt  }
0x3f: {  	_ =	shalt  }
0x40: {  	_ =	shalt  }
0x41: {  	_ =	shalt  }
0x42: {  	_ =	shalt  }
0x43: {  	_ =	shalt  }
0x44: {  	_ =	shalt  }
0x45: {  	_ =	shalt  }
0x46: {  	_ =	shalt  }
0x47: {  	_ =	shalt  }
0x48: {  	_ =	shalt  }
0x49: {  	_ =	shalt  }
0x4a: {  	_ =	shalt  }
0x4b: {  	_ =	shalt  }
0x4c: {  	_ =	shalt  }
0x4d: {  	_ =	shalt  }
0x4e: {  	_ =	shalt  }
0x4f: {  	_ =	shalt  }
0x50: {  	_ =	shalt  }
0x51: {  	_ =	shalt  }
0x52: {  	_ =	shalt  }
0x53: {  	_ =	shalt  }
0x54: {  	_ =	shalt  }
0x55: {  	_ =	shalt  }
0x56: {  	_ =	shalt  }
0x57: {  	_ =	shalt  }
0x58: {  	_ =	shalt  }
0x59: {  	_ =	shalt  }
0x5a: {  	_ =	shalt  }
0x5b: {  	_ =	shalt  }
0x5c: {  	_ =	shalt  }
0x5d: {  	_ =	shalt  }
0x5e: {  	_ =	shalt  }
0x5f: {  	_ =	shalt  }
0x60: {  	_ =	shalt  }
0x61: {  	_ =	shalt  }
0x62: {  	_ =	shalt  }
0x63: {  	_ =	shalt  }
0x64: {  	_ =	shalt  }
0x65: {  	_ =	shalt  }
0x66: {  	_ =	shalt  }
0x67: {  	_ =	shalt  }
0x68: {  	_ =	shalt  }
0x69: {  	_ =	shalt  }
0x6a: {  	_ =	shalt  }
0x6b: {  	_ =	shalt  }
0x6c: {  	_ =	shalt  }
0x6d: {  	_ =	shalt  }
0x6e: {  	_ =	shalt  }
0x6f: {  	_ =	shalt  }
0x70: {  	_ =	shalt  }
0x71: {  	_ =	shalt  }
0x72: {  	_ =	shalt  }
0x73: {  	_ =	shalt  }
0x74: {  	_ =	shalt  }
0x75: {  	_ =	shalt  }
0x76: {  	_ =	shalt  }
0x77: {  	_ =	shalt  }
0x78: {  	_ =	shalt  }
0x79: {  	_ =	shalt  }
0x7a: {  	_ =	shalt  }
0x7b: {  	_ =	shalt  }
0x7c: {  	_ =	shalt  }
0x7d: {  	_ =	shalt  }
0x7e: {  	_ =	shalt  }
0x7f: {  	_ =	shalt  }
0x80: {  	_ =	shalt  }
0x81: {  	_ =	shalt  }
0x82: {  	_ =	shalt  }
0x83: {  	_ =	shalt  }
0x84: {  	_ =	shalt  }
0x85: {  	_ =	shalt  }
0x86: {  	_ =	shalt  }
0x87: {  	_ =	shalt  }
.Lfunc_end0:
.L_simem_size_0:
called_computation.1_lowered:
.L_overlay_start_0:
0x88: {  	s2 =	sld [smem:$0x3FD9]  }
0x89: {  	s3 =	sld [smem:$0x3FFE];
	_ =	sdelay $0x1  }
0x8a: {  	s1 =	srdreg.scid  }
0x8b: {  	s0 =	sand.u32 $0x1, s1  }
0x8c: {  	s16 =	sshll.u32 s0, $0xA;
	s2 =	sadd.s32 s3, s2  }
0x8d: {  	s2 =	sadd.s32 s2, s16  }
0x8e: {  	[smem:$0x3FBA] =	sst s2  }
0x8f: {  	_ = 	snop  }
0x90: {  	s2 =	sld [smem:$0x3FD0];
	(tm) =	ssettm $0x1  }
0x91: {  	s17 =	sld [smem:$0x3FFB];
	_ =	sdelay $0x3  }
0x92: {  	_ =	strace s17  }
0x93: {  	s3 =	sld [smem:$0x3FFC];
	_ =	sdelay $0x3  }
0x94: {  	_ =	strace s3  }
0x95: {  	s3 =	sld [smem:$0x3FFD];
	_ =	sdelay $0x3  }
0x96: {  	_ =	strace s3  }
0x97: {  	_ =	strace $0x8FFFFFFF  }
0x98: {  	s18 =	sld [smem:$0x3FDB];
	_ =	sdelay $0x1  }
0x99: {  	s4 =	simm.s32 $_scs_section_size  }
0x9a: {  	s5 =	simm.s32 $_size__tile_overlayer_lowered;
	s6 =	simm.s32 $_tile_overlayer_lowered  }
0x9b: {  	s21 =	simm.s32 $0x1BFF;
	s20 =	sshll.u32 s6, $0x1;
	s3 =	sadd.s32 s4, s18  }
0x9c: {  	s7 =	simm.s32 $0x0;
	s19 =	sshll.u32 s5, $0x1;
	s5 =	sadd.s32 s20, s3  }
0x9d: {  	[timem:s7], [sflag:s21] =	dma.local [hbm:s5], s19  }
0x9e: {  	_ =	swait.ge [sflag:s21], s19  }
0x9f: {  	s4 =	ssub.s32 $0x0, s19;
	[sflag:s21] =	ssyncset.done $0x0  }
0xa0: {  	[sflag:s21] =	ssyncadd.s32 s4;
	_ =	sdelay $0x1  }
0xa1: {  	s22 =	simm.s32 $0x1B8B  }
0xa2: {  	_ =	swait.ge [sflag:s22], $0x1  }
0xa3: {  	[sflag:s22] =	ssyncset.done $0x0  }
0xa4: {  	s23 =	sld [smem:$0x3FFE];
	[sflag:s22] =	ssyncadd.s32 $0xFFFFFFFF  }
0xa5: {  	s25 =	simm.s32 $0x1B8E;
	s24 =	sld [smem:$0x0]  }
0xa6: {  	s26 =	simm.s32 $execute0_lowered;
	[smem:$0x3FD2] =	sst s25  }
0xa7: {  	s6 =	sshll.u32 s26, $0x1;
	_ =	strace $0x80000052;
	[dreg:$0x1] =	wrdreg $0xFFFFFFFF  }
0xa8: {  	s28 =	simm.s32 $_size_execute0_lowered;
	s3 =	sadd.s32 s3, s6;
	[dreg:$0x0] =	wrdreg $0x0  }
0xa9: {  	s6 =	sshll.u32 s28, $0x1;
	[dreg:$0x2] =	wrdreg s3  }
0xaa: {  	[dreg:$0x3] =	wrdreg s6  }
0xab: {  	[dreg:$0x4] =	wrdreg $0xC0  }
0xac: {  	_ =	task [dreg:s7], $0x5FFFF  }
0xad: {  	[dreg:$0x1] =	wrdreg $0xFFFFFFFF  }
0xae: {  	[dreg:$0x0] =	wrdreg $0x60  }
0xaf: {  	[dreg:$0x2] =	wrdreg s2  }
0xb0: {  	[dreg:$0x3] =	wrdreg s23  }
0xb1: {  	[dreg:$0x4] =	wrdreg s1  }
0xb2: {  	[dreg:$0x5] =	wrdreg s24  }
0xb3: {  	[dreg:$0x6] =	wrdreg $0x9  }
0xb4: {  	_ =	task.clear_ibuf [dreg:s7], $0x7FFFF;
	_ =	strace $0x90000052  }
0xb5: {  	s29 =	simm.s32 $0x9;
	_ =	strace $0x80000054  }
0xb6: {  	_ =	swait.ge [sflag:s29], $0x1  }
0xb7: {  	[sflag:s29] =	ssyncadd.s32 $0xFFFFFFFF  }
0xb8: {  	_ =	strace $0x90000054  }
0xb9: {  	_ =	sfence  }
0xba: {  	s30 =	sld [smem:$0x0];
	_ =	sdelay $0x2  }
0xbb: {  	s31 =	sshll.u32 s1, $0xD;
	s1 =	sshrl.u32 s1, $0x2  }
0xbc: {  	s3 =	sand.u32 $0x4000, s31;
	s1 =	sadd.s32 s1, s30  }
0xbd: {  	s0 =	sor.u32 s3, s0;
	s1 =	sshll.u32 s1, $0x11  }
0xbe: {  	s0 =	sor.u32 s1, s0  }
0xbf: {  	s0 =	sadd.s32 $0x8F2B, s0  }
0xc0: {  	[sflag:s0] =	ssyncadd.remote.s32 $0x1  }
0xc1: {  	_ =	sfence.sel $0xFFFF  }
0xc2: {  	[dreg:$0x0] =	wrdreg $0xFFFFFFFF;
	(pc) =	sbr.abs _section_cstart, $3  }
0xc3: {  	[dreg:$0x1] =	wrdreg $0xFFFFFFFF  }
0xc4: {  	_ =	task.clear_ibuf [dreg:s7], $0x2FFFF;
	_ =	strace $0x9FFFFFFF  }
0xc5: {  	(tm) =	ssettm $0x7FFFFFFF  }
tec
execute0_lowered:
.L_overlay_start_1:
0x0: {  	(tag) =	ssettag $0x1  }
0x1: {  	s1 =	rddreg [dreg:$0x0]  }
0x2: {  	s15 =	rddreg [dreg:$0x1]  }
0x3: {  	s2 =	rddreg [dreg:$0x2];
	_ =	strace $0x80000053;
	s0 =	simm.s32 $0x1  }
0x4: {  	v0 =	vimm.s32 $0x0;
	[sflag:s0] =	ssyncpa.u1 $0x0;
	s0 =	simm.s32 $0x108  }
0x5: {  	[tilespmem:s0+$0x70] =	vst v0  }
0x6: {  	[tilespmem:s0+$0x60] =	vst v0  }
0x7: {  	[tilespmem:s0+$0x50] =	vst v0  }
0x8: {  	[tilespmem:s0+$0x40] =	vst v0  }
0x9: {  	[tilespmem:s0+$0x30] =	vst v0  }
0xa: {  	s3 =	simm.s32 $0x40;
	[tilespmem:s0+$0x20] =	vst v0  }
0xb: {  	s6 =	sadd.s32 $0x518000, s15;
	s14 =	sadd.s32 $0x513000, s15;
	s5 =	sand.u32 $0x1, s2;
	[tilespmem:s0+$0x10] =	vst v0  }
.LBB2_1:
0xc: {  	s3 =	sadd.s32 $0x40, s3;
	[tilespmem:s0+$0x0] =	vst v0;
	s0 =	sadd.s32 $0x80, s0  }
0xd: {  	p0 =	slt.u32 s3, $0x3C40;
	[tilespmem:s0+$0x70] =	vst v0  }
0xe: {  	[tilespmem:s0+$0x60] =	vst v0  }
.Ltmp0:
0xf: {  	[tilespmem:s0+$0x50] =	vst v0;
	(pc) =	sbr.rel @p0 .LBB2_1-.Ltmp0, $4  }
0x10: {  	[tilespmem:s0+$0x40] =	vst v0  }
0x11: {  	[tilespmem:s0+$0x30] =	vst v0  }
0x12: {  	[tilespmem:s0+$0x20] =	vst v0  }
0x13: {  	[tilespmem:s0+$0x10] =	vst v0  }
0x14: {  	s9 =	stileid.u32  }
0x15: {  	s2 =	smul.u32 $0x14, s9  }
0x16: {  	s3 =	smin.u32 s9, $0xE  }
0x17: {  	s2 =	sadd.s32 s3, s2  }
0x18: {  	p0 =	slt.u32 s9, $0xE;
	s7 =	smul.u32 $0xF0, s2;
	s2 =	simm.s32 $0x13B0  }
0x19: {  	s2 =	simm.s32 @!p0 $0x12C0  }
0x1a: {  	s2 =	sadd.s32 s2, s7  }
0x1b: {  	s8 =	smin.u32 s2, $0x13880  }
0x1c: {  	s2 =	ssub.s32 s8, s7  }
0x1d: {  	p0 =	sgt.s32 s2, $0x0  }
0x1e: {  	s29 =	simm.s32 $0x2;
	s10 =	simm.s32 $0x9;
	s2 =	simm.s32 @!p0 $0x0  }
0x1f: {  	s4 =	simm.s32 $0xA;
	s11 =	simm.s32 $0xB;
	s28 =	smulhi.u32 $0x88888889, s2  }
0x20: {  	[dreg:$0x5] =	wrdreg s5;
	s31 =	smul.u32 $0x2710, s5;
	s12 =	simm.s32 $0x1  }
0x21: {  	s22 =	simm.s32 $0x0;
	s18 =	simm.s32 $0xC;
	s30 =	sshrl.u32 s28, $0x7  }
0x22: {  	s20 =	simm.s32 $0x0;
	s21 =	simm.s32 $0x0;
	s3 =	smul.u32 $0xF0, s30  }
.Ltmp1:
0x23: {  	[tilespmem:s0+$0x0] =	vst v0;
	v0 =	vimm.s32 $0xFFFFFFFF;
	[sflag:s29] =	ssyncpa.u1 $0x0;
	s16 =	sshll.u32 s9, $0x8;
	(pc) =	sbr.rel .LBB2_3-.Ltmp1, $4  }
0x24: {  	[tilespmem:$0xF208] =	vst v0;
	[sflag:s10] =	ssyncpa.u1 $0x0;
	p0 =	sne.s32 s2, s3;
	s2 =	simm.s32 $0x1  }
0x25: {  	s14 =	sadd.s32 s31, s14;
	[sflag:s4] =	ssyncpa.u1 $0x0;
	s2 =	simm.s32 @!p0 $0x0  }
0x26: {  	s15 =	sadd.s32 s31, s15;
	[sflag:s11] =	ssyncpa.u1 $0x0;
	s13 =	sadd.s32 s2, s30  }
0x27: {  	v0 =	vlaneseq.u32;
	s19 =	smov.u32 s7;
	p0 =	por $0x0, $0x0;
	s17 =	sadd.s32 $0x1, s13  }
.LBB2_18:
0x28: {  	s0 =	sshrl.u32 s31, $0x2  }
.LBB2_20:
0x29: {  	_ =	swait.ge [sflag:s18], s0  }
0x2a: {  	s31 =	ssub.s32 $0x0, s0;
	v1 =	vmov s24;
	vm0 =	veq.s32 v0, $0x0;
	[sflag:s18] =	ssyncset.done $0x0  }
0x2b: {  	vm15 =	veq.s32 v0, $0x2;
	v1 =	vsel vm0, s30, v1;
	[sflag:s18] =	ssyncadd.s32 s31  }
0x2c: {  	v1 =	vsel vm15, s22, v1;
	[sflag:s18] =	ssyncpa.u1 $0x1  }
0x2d: {  	[tilespmem:$0xF208] =	vst v1  }
.LBB2_21:
0x2e: {  	s0 =	sadd.s32 $0xF0, s19  }
0x2f: {  	s2 =	smov.u32 s7;
	p1 =	slt.s32 s0, s8  }
0x30: {  	s2 =	smov.u32 @p1 s0;
	p1 =	sne.s32 s21, s17  }
.Ltmp2:
0x31: {  	_ = 	snop;
	(pc) =	sbr.rel @!p1 .LBB2_22-.Ltmp2, $3  }
0x32: {  	_ =	sdelay $0x1  }
0x33: {  	s22 =	smov.u32 s20;
	s31 =	sadd.s32 $0x1, s21;
	s20 =	smov.u32 s19  }
0x34: {  	p0 =	por !p0, !p0;
	s21 =	smov.u32 s31;
	s19 =	smov.u32 s2  }
.LBB2_3:
0x35: {  	p1 =	sge.u32 s21, s13  }
0x36: {  	s0 =	smulhi.u32 @!p1 $0xAAAAAAAB, s21  }
0x37: {  	s2 =	smov.u32 s19;
	p2 =	sgt.s32 @!p1 s19, $0x13790  }
0x38: {  	s3 =	sshra.s32 @!p1 s19, $0x1F;
	p2 =	por !p2, p1;
	s0 =	sshrl.u32 @!p1 s0, $0x1  }
0x39: {  	s3 =	sand.u32 @!p1 s3, s19;
	s2 =	simm.s32 @p2 $0x13790;
	s0 =	smul.u32 @!p1 $0x3, s0  }
0x3a: {  	s2 =	ssub.s32 @!p1 s2, s3  }
0x3b: {  	s2 =	sadd.s32 @!p1 $0xFFFEC870, s2;
	s0 =	ssub.s32 @!p1 s21, s0  }
0x3c: {  	s3 =	sshll.u32 @!p1 s2, $0x2;
	p2 =	sgt.s32 @!p1 s2, $0xEF;
	s0 =	smul.u32 @!p1 $0x3C0, s0  }
0x3d: {  	s4 =	sand.u32 @!p1 $0x7, s19;
	s2 =	ssub.s32 @!p1 $0x3C0, s3;
	p2 =	por !p2, p1  }
0x3e: {  	s3 =	sshrl.u32 @!p1 s19, $0x3;
	s2 =	sshrl.u32 @!p1 s2, $0x2;
	s0 =	sshrl.u32 @!p1 s0, $0x2  }
0x3f: {  	s3 =	sadd.s32 @!p1 s3, s14;
	s2 =	simm.s32 @!p2 $0x0;
	s0 =	sadd.s32 @!p1 $0x10248, s0  }
0x40: {  	[tilespmem:s0], [sflag:$0xA] =	stream.linear.gather @!p1 [hbm4b:s3+s4], s2, $0x38;
	[tilespmem:$0x1F6F8] =	vst v63  }
0x41: {  	s0 =	sadd.s32 $0xFFFFFFFF, s21  }
0x42: {  	p1 =	sge.u32 s0, s13  }
0x43: {  	p2 =	sgt.s32 @!p1 s20, $0x13790  }
0x44: {  	s2 =	smov.u32 s20;
	s3 =	sshra.s32 @!p1 s20, $0x1F;
	p2 =	por !p2, p1  }
0x45: {  	s3 =	sand.u32 @!p1 s3, s20;
	s2 =	simm.s32 @p2 $0x13790  }
0x46: {  	s2 =	ssub.s32 @!p1 s2, s3  }
0x47: {  	s2 =	sadd.s32 @!p1 $0xFFFEC870, s2  }
0x48: {  	s4 =	sand.u32 @!p1 $0x1, s0;
	s3 =	sshll.u32 @!p1 s2, $0x2  }
0x49: {  	p2 =	sgt.s32 @!p1 s2, $0xEF;
	s2 =	ssub.s32 @!p1 $0x3C0, s3;
	s3 =	smulhi.u32 @!p1 $0xAAAAAAAB, s0  }
0x4a: {  	s23 =	smul.u32 @!p1 $0x3C0, s4;
	p2 =	por !p2, p1;
	s2 =	sshrl.u32 @!p1 s2, $0x2  }
0x4b: {  	s5 =	simm.s32 @!p1 $0xA;
	s2 =	simm.s32 @!p2 $0x0;
	s3 =	sshrl.u32 @!p1 s3, $0x1  }
0x4c: {  	s23 =	sshrl.u32 @!p1 s23, $0x2;
	_ =	swait.ge @!p1 [sflag:s5], s2;
	s3 =	smul.u32 @!p1 $0x3, s3  }
0x4d: {  	s23 =	sadd.s32 @!p1 $0x10518, s23;
	s24 =	ssub.s32 @!p1 $0x0, s2;
	[sflag:s5] =	ssyncset.done @!p1 $0x0  }
0x4e: {  	[sflag:s5] =	ssyncadd.s32 @!p1 s24;
	s5 =	sshrl.u32 @!p1 s20, $0x3;
	s0 =	ssub.s32 @!p1 s0, s3  }
0x4f: {  	s24 =	sand.u32 @!p1 $0x7, s20;
	s5 =	sadd.s32 @!p1 s5, s15;
	s0 =	smul.u32 @!p1 $0x3C0, s0  }
0x50: {  	[tilespmem:s23], [sflag:$0xB] =	stream.linear.gather @!p1 [hbm4b:s5+s24], s2, $0x38;
	[tilespmem:$0x1F6F8] =	vst v63  }
0x51: {  	s3 =	ssub.s32 @!p1 $0x13880, s20;
	s2 =	smul.u32 @!p1 $0x1E000, s4  }
0x52: {  	p2 =	slt.s32 @!p1 s3, $0xF0  }
0x53: {  	p2 =	por !p2, p1;
	s0 =	sshrl.u32 @!p1 s0, $0x2;
	s2 =	sshrl.u32 @!p1 s2, $0x2  }
0x54: {  	s3 =	simm.s32 @p2 $0xF0;
	s0 =	sadd.s32 @!p1 $0x10248, s0;
	s2 =	sor.u32 @!p1 $0x106F8, s2  }
0x55: {  	[tilespmem:s2], [sflag:$0x9] =	stream.indirect.gather @!p1 [hbm4b:s6+s3], $0x80, s0, s3, $0xb8;
	[tilespmem:$0x1F6F8] =	vst v63  }
0x56: {  	p1 =	slt.u32 s21, $0x2  }
.Ltmp3:
0x57: {  	_ = 	snop;
	(pc) =	sbr.rel @p1 .LBB2_21-.Ltmp3, $1  }
0x58: {  	_ =	sdelay $0x3  }
0x59: {  	p1 =	sgt.s32 s22, $0x13790  }
0x5a: {  	s0 =	smov.u32 s22;
	s2 =	sshra.s32 s22, $0x1F;
	s3 =	ssub.s32 $0x13880, s22  }
0x5b: {  	s0 =	simm.s32 @!p1 $0x13790;
	s2 =	sand.u32 s2, s22;
	p1 =	slt.s32 s3, $0xF0  }
0x5c: {  	s0 =	ssub.s32 s0, s2;
	s3 =	simm.s32 @!p1 $0xF0  }
0x5d: {  	s0 =	sadd.s32 $0xFFFEC870, s0;
	s25 =	sshll.u32 s3, $0x7  }
0x5e: {  	s26 =	sshll.u32 s0, $0x2;
	s2 =	sand.u32 $0x3FFFFF80, s25  }
0x5f: {  	p1 =	sgt.s32 s0, $0xEF;
	s29 =	ssub.s32 $0x3C0, s26;
	_ =	swait.ge [sflag:s10], s2  }
0x60: {  	s2 =	ssub.s32 $0x0, s2;
	[sflag:s10] =	ssyncset.done $0x0;
	s0 =	sshrl.u32 s29, $0x2  }
0x61: {  	[sflag:s10] =	ssyncadd.s32 s2;
	s0 =	simm.s32 @p1 $0x0  }
0x62: {  	_ =	swait.ge [sflag:s11], s0  }
0x63: {  	s0 =	ssub.s32 $0x0, s0;
	[sflag:s11] =	ssyncset.done $0x0  }
0x64: {  	[sflag:s11] =	ssyncadd.s32 s0  }
0x65: {  	v1 =	vld [tilespmem:$0xF208];
	_ =	sdelay $0x4  }
0x66: {  	(v2sf) =	vpush v1, $0x0  }
0x67: {  	(v2sf) =	vpush v1, $0x1  }
0x68: {  	(v2sf) =	vpush v1, $0x2;
	_ =	sdelay $0x3  }
0x69: {  	s0 =	sadd.s32 $0xF0, s22  }
0x6a: {  	s2 =	ssub.s32 $0x27100, s22;
	p1 =	slt.s32 s8, s0  }
0x6b: {  	s0 =	smov.u32 @p1 s8;
	p1 =	sgt.s32 s2, $0x0  }
0x6c: {  	s26 =	ssub.s32 s0, s22;
	s2 =	simm.s32 @!p1 $0x0  }
0x6d: {  	p1 =	slt.s32 s2, s26  }
0x6e: {  	s26 =	smov.u32 @p1 s2  }
0x6f: {  	s25 =	simm.s32 $0x1;
	p1 =	slt.s32 s26, $0x1  }
.Ltmp4:
0x70: {  	s25 =	simm.s32 @!p0 $0x0;
	(pc) =	sbr.rel @p1 .LBB2_8-.Ltmp4, $4  }
0x71: {  	s31 =	smul.u32 $0x3C0, s25  }
0x72: {  	s28 =	spop (v2sf)  }
0x73: {  	s0 =	sshrl.u32 s31, $0x2;
	s30 =	spop (v2sf)  }
0x74: {  	s23 =	sadd.s32 $0x10518, s0;
	s22 =	spop (v2sf)  }
0x75: {  	s0 =	smin.u32 s26, $0x10  }
0x76: {  	v1 =	vmov s0  }
0x77: {  	p2 =	sgt.s32 s26, $0x10;
	vm1 =	vgt.u32 v1, v0  }
.Ltmp5:
0x78: {  	_ = 	snop;
	(pc) =	sbr.rel @!p2 .LBB2_7-.Ltmp5, $2  }
0x79: {  	_ =	sdelay $0x2  }
0x7a: {  	s4 =	simm.s32 $0x10;
	s24 =	sadd.s32 $0xFFFFFFF0, s26;
	s0 =	smov.u32 s23;
	vm0 =	vmmov vm1  }
.LBB2_6:
0x7b: {  	s2 =	smin.u32 s24, $0x10;
	s4 =	sadd.s32 $0x10, s4;
	v1 =	vld.msk [tilespmem:s0+$0x0 ss:$0x1], vm1  }
0x7c: {  	v2 =	vmov s2;
	p2 =	slt.s32 s4, s26  }
0x7d: {  	vm1 =	vgt.u32 v2, v0  }
.Ltmp6:
0x7e: {  	(pc) =	sbr.rel @p2 .LBB2_6-.Ltmp6, $3  }
0x7f: {  	_ =	sdelay $0x1  }
0x80: {  	v1 =	vshll.u32 v1, $0x4  }
0x81: {  	s24 =	sadd.s32 $0xFFFFFFF0, s24;
	[tilespmem:s0+$0x0] =	vst.msk vm0, v1;
	s0 =	sadd.s32 $0x10, s0;
	vm0 =	vmmov vm1  }
.LBB2_7:
0x82: {  	_ =	sdelay $0x4  }
0x83: {  	v1 =	vld.msk [tilespmem:s0+$0x0 ss:$0x1], vm1;
	_ =	sdelay $0x4  }
0x84: {  	v1 =	vshll.u32 v1, $0x4  }
0x85: {  	[tilespmem:s0+$0x0] =	vst.msk vm0, v1  }
.LBB2_8:
0x86: {  	s0 =	sand.u32 $0x1, s21  }
0x87: {  	s0 =	smul.u32 $0xF0, s0  }
0x88: {  	p2 =	sne.s32 s30, $0xFFFFFFFF  }
0x89: {  	v1 =	vld.msk @!p2 [tilespmem:s0+$0x10518], $0x1;
	_ =	sdelay $0x4  }
0x8a: {  	(v2sf) =	vpush @!p2 v1, $0x0;
	_ =	sdelay $0xc  }
.Ltmp7:
0x8b: {  	_ = 	snop;
	(pc) =	sbr.rel @p1 .LBB2_19-.Ltmp7, $4  }
0x8c: {  	_ = 	snop  }
0x8d: {  	s29 =	spop @!p2 (v2sf)  }
0x8e: {  	s22 =	simm.s32 @!p2 $0x0;
	s24 =	smov.u32 s29  }
0x8f: {  	[sflag:s18] =	ssyncpa.u1 $0x0;
	s29 =	smov.u32 @p2 s28;
	s24 =	smov.u32 @p2 s30  }
0x90: {  	v1 =	vld.msk [tilespmem:s23+$0x0], $0x1;
	_ =	sdelay $0x4  }
0x91: {  	(v2sf) =	vpush v1, $0x0;
	_ =	sdelay $0xe  }
0x92: {  	s2 =	smul.u32 $0x1E000, s25;
	s0 =	spop (v2sf)  }
0x93: {  	s26 =	ssub.s32 $0x0, s26;
	p1 =	seq.s32 s29, s0  }
0x94: {  	s30 =	sadd.s32 $0x1, s26;
	s2 =	sshrl.u32 s2, $0x2;
	p2 =	sgt.s32 @!p1 s29, $0x0  }
0x95: {  	s25 =	sor.u32 $0x10738, s2;
	s2 =	smov.u32 s29;
	p2 =	por !p2, p1  }
0x96: {  	s2 =	simm.s32 @p2 $0x0;
	p2 =	seq.s32 s30, $0x0  }
.Ltmp8:
0x97: {  	_ = 	snop;
	(pc) =	sbr.rel @p2 .LBB2_11-.Ltmp8, $4  }
0x98: {  	_ = 	snop  }
0x99: {  	s28 =	simm.s32 $0x0;
	s31 =	sadd.s32 $0x1, s23;
	s2 =	smin.u32 @!p1 s2, $0x270F0  }
0x9a: {  	s4 =	simm.s32 @!p1 $0x1;
	s5 =	simm.s32 @!p1 $0x7988;
	s3 =	sand.u32 @!p1 $0x3FFF8, s2  }
0x9b: {  	s4 =	smov.u32 @p1 s28;
	s2 =	sand.u32 @!p1 $0x7, s2;
	s3 =	sadd.s32 @!p1 s1, s3  }
.LBB2_10:
0x9c: {  	s9 =	smov.u32 s4  }
0x9d: {  	[tilespmem:s5], [sflag:$0x2] =	stream.linear.gather @!p1 [hbm4b:s3+s2], $0x80, $0x38;
	[tilespmem:$0x1F6F8] =	vst v63  }
0x9e: {  	s30 =	sadd.s32 $0x1, s30;
	s2 =	smov.u32 s0;
	v1 =	vld.msk [tilespmem:s31+$0x0], $0x1  }
0x9f: {  	p2 =	seq.s32 s30, $0x0;
	_ =	sdelay $0x3  }
0xa0: {  	(v2sf) =	vpush v1, $0x0;
	_ =	sdelay $0xe  }
0xa1: {  	s0 =	spop (v2sf)  }
0xa2: {  	p1 =	seq.s32 s2, s0  }
0xa3: {  	p3 =	sgt.s32 @!p1 s2, $0x0;
	s3 =	sshll.u32 @!p1 s4, $0x9;
	s4 =	sadd.s32 @!p1 $0x1, s4  }
.Ltmp9:
0xa4: {  	p3 =	por !p3, p1;
	s3 =	sshra.s32 @!p1 s3, $0x2;
	(pc) =	sbr.rel @!p2 .LBB2_10-.Ltmp9, $4  }
0xa5: {  	s4 =	smov.u32 @p1 s9;
	s2 =	simm.s32 @p3 $0x0;
	s5 =	sadd.s32 @!p1 $0x7988, s3  }
0xa6: {  	s2 =	smin.u32 @!p1 s2, $0x270F0  }
0xa7: {  	s3 =	sand.u32 @!p1 $0x3FFF8, s2;
	s2 =	sand.u32 @!p1 $0x7, s2  }
0xa8: {  	s31 =	sadd.s32 $0x1, s31;
	s3 =	sadd.s32 @!p1 s1, s3  }
.LBB2_11:
0xa9: {  	[tilespmem:s5], [sflag:$0x2] =	stream.linear.gather @!p1 [hbm4b:s3+s2], $0x80, $0x38;
	[tilespmem:$0x1F6F8] =	vst v63  }
.Ltmp10:
0xaa: {  	s0 =	sshll.u32 s4, $0x7;
	(pc) =	sbr.rel .LBB2_12-.Ltmp10, $4  }
0xab: {  	s30 =	simm.s32 $0x2;
	s0 =	sand.u32 $0x3FFFFF80, s0  }
0xac: {  	_ =	swait.ge [sflag:s30], s0  }
0xad: {  	s0 =	ssub.s32 $0x0, s0;
	[sflag:s30] =	ssyncset.done $0x0  }
0xae: {  	s31 =	simm.s32 $0x0;
	[sflag:s30] =	ssyncadd.s32 s0  }
.LBB2_13:
0xaf: {  	v1 =	vld [tilespmem:s25+$0xFFFFFFC0];
	_ =	sdelay $0x3  }
0xb0: {  	s0 =	sshra.s32 s0, $0x2  }
0xb1: {  	[tilespmem:s0+$0x108] =	vst.add.f32.msk $0xffff, v1  }
0xb2: {  	v1 =	vld [tilespmem:s25+$0xFFFFFFD0];
	_ =	sdelay $0x4  }
0xb3: {  	[tilespmem:s0+$0x118] =	vst.add.f32.msk $0xffff, v1  }
0xb4: {  	v1 =	vld [tilespmem:s25+$0xFFFFFFE0];
	_ =	sdelay $0x4  }
0xb5: {  	[tilespmem:s0+$0x128] =	vst.add.f32.msk $0xffff, v1  }
0xb6: {  	v1 =	vld [tilespmem:s25+$0xFFFFFFF0];
	_ =	sdelay $0x4  }
0xb7: {  	[tilespmem:s0+$0x138] =	vst.add.f32.msk $0xffff, v1  }
0xb8: {  	v1 =	vld [tilespmem:s25+$0x0];
	_ =	sdelay $0x4  }
0xb9: {  	[tilespmem:s0+$0x148] =	vst.add.f32.msk $0xffff, v1  }
0xba: {  	v1 =	vld [tilespmem:s25+$0x10];
	_ =	sdelay $0x4  }
0xbb: {  	[tilespmem:s0+$0x158] =	vst.add.f32.msk $0xffff, v1  }
0xbc: {  	v1 =	vld [tilespmem:s25+$0x20];
	_ =	sdelay $0x4  }
0xbd: {  	[tilespmem:s0+$0x168] =	vst.add.f32.msk $0xffff, v1  }
0xbe: {  	v1 =	vld [tilespmem:s25+$0x30];
	_ =	sdelay $0x4  }
0xbf: {  	[tilespmem:s0+$0x178] =	vst.add.f32.msk $0xffff, v1  }
.LBB2_17:
0xc0: {  	s26 =	sadd.s32 $0x1, s26  }
0xc1: {  	p1 =	seq.s32 s26, $0x0  }
.Ltmp11:
0xc2: {  	_ = 	snop;
	(pc) =	sbr.rel @p1 .LBB2_18-.Ltmp11, $2  }
0xc3: {  	_ =	sdelay $0x2  }
0xc4: {  	s23 =	sadd.s32 $0x1, s23;
	s25 =	sadd.s32 $0x80, s25;
	s29 =	smov.u32 s30  }
.LBB2_12:
0xc5: {  	v1 =	vld.msk [tilespmem:s23+$0x0], $0x1;
	_ =	sdelay $0x4  }
0xc6: {  	(v2sf) =	vpush v1, $0x0;
	_ =	sdelay $0xe  }
0xc7: {  	s30 =	spop (v2sf)  }
0xc8: {  	p1 =	sne.s32 s29, s30  }
.Ltmp12:
0xc9: {  	_ = 	snop;
	(pc) =	sbr.rel @!p1 .LBB2_13-.Ltmp12, $2  }
0xca: {  	_ =	sdelay $0x2  }
0xcb: {  	s0 =	sshll.u32 s22, $0x9  }
0xcc: {  	p1 =	seq.s32 s29, s24  }
.Ltmp13:
0xcd: {  	_ = 	snop;
	(pc) =	sbr.rel @!p1 .LBB2_15-.Ltmp13, $1  }
0xce: {  	_ =	sdelay $0x3  }
0xcf: {  	s0 =	sshra.s32 s0, $0x2  }
.Ltmp14:
0xd0: {  	s0 =	sadd.s32 $0x108, s0;
	(pc) =	sbr.rel .LBB2_16-.Ltmp14, $4  }
0xd1: {  	[spmem:s16] =	stream.linear.scatter [tilespmem:s0], [sflag:$0x1], $0x80, $0x38;
	[tilespmem:$0x1F6F8] =	vst v63  }
0xd2: {  	_ =	swait.ge [sflag:s12], $0x80  }
0xd3: {  	[sflag:s12] =	ssyncset.done $0x0  }
0xd4: {  	[sflag:s12] =	ssyncadd.s32 $0xFFFFFF80  }
.LBB2_15:
0xd5: {  	s2 =	sshll.u32 s28, $0x9  }
0xd6: {  	s2 =	sshra.s32 s2, $0x2  }
0xd7: {  	v1 =	vld [tilespmem:s2+$0x7988];
	_ =	sdelay $0x3  }
0xd8: {  	s0 =	sshra.s32 s0, $0x2  }
0xd9: {  	[tilespmem:s0+$0x108] =	vst.add.f32.msk $0xffff, v1  }
0xda: {  	v1 =	vld [tilespmem:s2+$0x7998];
	_ =	sdelay $0x4  }
0xdb: {  	[tilespmem:s0+$0x118] =	vst.add.f32.msk $0xffff, v1  }
0xdc: {  	v1 =	vld [tilespmem:s2+$0x79A8];
	_ =	sdelay $0x4  }
0xdd: {  	[tilespmem:s0+$0x128] =	vst.add.f32.msk $0xffff, v1  }
0xde: {  	v1 =	vld [tilespmem:s2+$0x79B8];
	_ =	sdelay $0x4  }
0xdf: {  	[tilespmem:s0+$0x138] =	vst.add.f32.msk $0xffff, v1  }
0xe0: {  	v1 =	vld [tilespmem:s2+$0x79C8];
	_ =	sdelay $0x4  }
0xe1: {  	[tilespmem:s0+$0x148] =	vst.add.f32.msk $0xffff, v1  }
0xe2: {  	v1 =	vld [tilespmem:s2+$0x79D8];
	_ =	sdelay $0x4  }
0xe3: {  	[tilespmem:s0+$0x158] =	vst.add.f32.msk $0xffff, v1  }
0xe4: {  	v1 =	vld [tilespmem:s2+$0x79E8];
	_ =	sdelay $0x4  }
0xe5: {  	[tilespmem:s0+$0x168] =	vst.add.f32.msk $0xffff, v1  }
0xe6: {  	v1 =	vld [tilespmem:s2+$0x79F8];
	_ =	sdelay $0x2  }
0xe7: {  	p1 =	sgt.u32 s29, $0x270F0  }
0xe8: {  	s2 =	sand.u32 @!p1 $0x3FFF8, s29  }
0xe9: {  	s3 =	sadd.s32 $0x108, s0;
	[tilespmem:s0+$0x178] =	vst.add.f32.msk $0xffff, v1;
	s0 =	sadd.s32 @!p1 s1, s2;
	s2 =	sand.u32 @!p1 $0x7, s29  }
0xea: {  	[hbm4b:s0+s2] =	stream.linear.scatter @!p1 [tilespmem:s3], [sflag:$0xC], $0x80, $0x38;
	[tilespmem:$0x1F6F8] =	vst v63  }
0xeb: {  	s0 =	simm.s32 $0x0  }
0xec: {  	s0 =	simm.s32 @!p1 $0x200  }
0xed: {  	s31 =	sadd.s32 s0, s31  }
.LBB2_16:
0xee: {  	s0 =	sadd.s32 $0x1, s22  }
0xef: {  	s2 =	smulhi.u32 $0x88888889, s0;
	_ =	sdelay $0x1  }
0xf0: {  	v1 =	vld [tilespmem:s25+$0xFFFFFFC0];
	s2 =	sshrl.u32 s2, $0x7  }
0xf1: {  	s2 =	smul.u32 $0xF0, s2;
	_ =	sdelay $0x1  }
0xf2: {  	s22 =	ssub.s32 s0, s2  }
0xf3: {  	s0 =	sshll.u32 s22, $0x7  }
0xf4: {  	[tilespmem:s0+$0x108] =	vst v1  }
0xf5: {  	v1 =	vld [tilespmem:s25+$0xFFFFFFD0];
	_ =	sdelay $0x4  }
0xf6: {  	[tilespmem:s0+$0x118] =	vst v1  }
0xf7: {  	v1 =	vld [tilespmem:s25+$0xFFFFFFE0];
	_ =	sdelay $0x4  }
0xf8: {  	[tilespmem:s0+$0x128] =	vst v1  }
0xf9: {  	v1 =	vld [tilespmem:s25+$0xFFFFFFF0];
	_ =	sdelay $0x4  }
0xfa: {  	[tilespmem:s0+$0x138] =	vst v1  }
0xfb: {  	v1 =	vld [tilespmem:s25+$0x0];
	_ =	sdelay $0x4  }
0xfc: {  	[tilespmem:s0+$0x148] =	vst v1  }
0xfd: {  	v1 =	vld [tilespmem:s25+$0x10];
	_ =	sdelay $0x4  }
0xfe: {  	[tilespmem:s0+$0x158] =	vst v1  }
0xff: {  	v1 =	vld [tilespmem:s25+$0x20];
	_ =	sdelay $0x4  }
0x100: {  	[tilespmem:s0+$0x168] =	vst v1  }
0x101: {  	v1 =	vld [tilespmem:s25+$0x30]  }
.Ltmp15:
0x102: {  	_ = 	snop;
	(pc) =	sbr.rel .LBB2_17-.Ltmp15, $2  }
0x103: {  	_ =	sdelay $0x2  }
0x104: {  	s28 =	sadd.s32 $0x1, s28;
	[tilespmem:s0+$0x178] =	vst v1  }
.LBB2_19:
.Ltmp16:
0x105: {  	(pc) =	sbr.rel .LBB2_20-.Ltmp16, $4  }
0x106: {  	_ = 	snop  }
0x107: {  	s0 =	simm.s32 $0x2  }
0x108: {  	_ =	swait.ge [sflag:s0], $0x0  }
0x109: {  	s30 =	smov.u32 s29;
	[sflag:s0] =	ssyncset.done $0x0;
	s0 =	simm.s32 $0x0  }
.LBB2_22:
0x10a: {  	_ =	sfence.sel $0x180000  }
0x10b: {  	s0 =	simm.s32 $0x9;
	[bflag:$0x0] =	sbarrier.arrive $0xFFFF  }
0x10c: {  	s24 =	simm.s32 $0xA;
	[sflag:s0] =	ssyncpa.u1 $0x1  }
0x10d: {  	s25 =	simm.s32 $0xB;
	[sflag:s24] =	ssyncpa.u1 $0x1  }
0x10e: {  	s26 =	simm.s32 $0x2;
	[sflag:s25] =	ssyncpa.u1 $0x1  }
0x10f: {  	[sflag:s26] =	ssyncpa.u1 $0x1  }
0x110: {  	v0 =	vld [tilespmem:$0xF208];
	_ =	sdelay $0x4  }
0x111: {  	(v2sf) =	vpush v0, $0x0  }
0x112: {  	(v2sf) =	vpush v0, $0x1;
	_ =	sdelay $0x1  }
0x113: {  	(v2sf) =	vpush v0, $0x2;
	_ =	sdelay $0xb  }
0x114: {  	s0 =	spop (v2sf)  }
0x115: {  	s2 =	spop (v2sf)  }
0x116: {  	s3 =	smov.u32 s0;
	p0 =	sne.s32 s0, s2  }
0x117: {  	s4 =	spop (v2sf);
	s3 =	simm.s32 @!p0 $0xFFFFFFFF  }
0x118: {  	v2 =	vimm.s32 $0x1;
	v3 =	vlaneseq.u32;
	p0 =	seq.s32 s4, $0xFFFFFFFF;
	v1 =	vmov s3  }
0x119: {  	s16 =	stileid.u32;
	v0 =	vperm.xlane v0, v2;
	p1 =	sne.s32 @!p0 s0, s2;
	v1 =	vperm.xlane v1, v3  }
0x11a: {  	vm0 =	vcmask $0x3F04;
	s6 =	simm.s32 $0xF208;
	s0 =	simm.s32 @!p0 $0x1;
	p1 =	por !p1, p0  }
0x11b: {  	s3 =	sshll.u32 s16, $0x1;
	s2 =	sshll.u32 @!p0 s4, $0x9;
	s0 =	simm.s32 @p1 $0x0;
	v0 =	vsel vm0, v1, v0  }
0x11c: {  	s5 =	sor.u32 $0x1000, s3;
	s2 =	sshra.s32 @!p0 s2, $0x2;
	s0 =	sor.u32 @!p0 s0, s3;
	[tilespmem:$0xF208] =	vst v0  }
0x11d: {  	[spmem:s5] =	stream.linear.scatter [tilespmem:s6], [sflag:$0x1], $0x2, $0x38;
	[tilespmem:$0x1F6F8] =	vst v63  }
0x11e: {  	s2 =	sadd.s32 @!p0 $0x108, s2;
	s0 =	sshll.u32 @!p0 s0, $0x7  }
0x11f: {  	[spmem:s0] =	stream.linear.scatter @!p0 [tilespmem:s2], [sflag:$0x1], $0x80, $0x38;
	[tilespmem:$0x1F6F8] =	vst v63  }
0x120: {  	s0 =	simm.s32 @!p0 $0x82  }
0x121: {  	s28 =	simm.s32 $0x1;
	s0 =	simm.s32 @p0 $0x2  }
0x122: {  	_ =	swait.ge [sflag:s28], s0  }
0x123: {  	s0 =	ssub.s32 $0x0, s0;
	[sflag:s28] =	ssyncset.done $0x0  }
0x124: {  	p0 =	sne.s32 s16, $0x0;
	[sflag:s28] =	ssyncadd.s32 s0  }
.Ltmp17:
0x125: {  	_ =	sfence.stream.spmem;
	(pc) =	sbr.rel @p0 .LBB2_39-.Ltmp17, $4  }
0x126: {  	s29 =	simm.s32 $0x3;
	[bflag:$0x0] =	sbarrier.arrive $0xFFFF  }
0x127: {  	s30 =	simm.s32 $0x4;
	[sflag:s29] =	ssyncpa.u1 $0x1  }
0x128: {  	s31 =	simm.s32 $0x3C;
	[sflag:s30] =	ssyncpa.u1 $0x1  }
0x129: {  	s15 =	rddreg [dreg:$0x5];
	[sflag:s31] =	ssyncpa.u1 $0x1  }
0x12a: {  	_ =	sfence.stream.spmem;
	s0 =	simm.s32 $0x5  }
0x12b: {  	s2 =	simm.s32 $0x1000;
	s3 =	simm.s32 $0xF218;
	[sflag:s0] =	ssyncpa.u1 $0x0  }
0x12c: {  	[tilespmem:s3], [sflag:$0x5] =	stream.linear.gather [spmem:s2], $0x20, $0x38;
	[tilespmem:$0x1F6F8] =	vst v63  }
0x12d: {  	s26 =	simm.s32 $0x0;
	s28 =	simm.s32 $0xF238  }
0x12e: {  	[tilespmem:s28], [sflag:$0x5] =	stream.linear.gather [spmem:s26], $0x1000, $0x38;
	[tilespmem:$0x1F6F8] =	vst v63  }
0x12f: {  	_ =	swait.ge [sflag:s0], $0x1020  }
0x130: {  	[sflag:s0] =	ssyncset.done $0x0  }
0x131: {  	s29 =	simm.s32 $0x0;
	[sflag:s0] =	ssyncadd.s32 $0xFFFFEFE0  }
0x132: {  	v0 =	vld.msk [tilespmem:s29+$0xF218], $0x1;
	_ =	sdelay $0x1  }
0x133: {  	s30 =	simm.s32 $0x1  }
0x134: {  	v1 =	vld.msk [tilespmem:s30+$0xF218], $0x1;
	_ =	sdelay $0x1  }
0x135: {  	(v2sf) =	vpush v0, $0x0;
	_ =	sdelay $0x2  }
0x136: {  	(v2sf) =	vpush v1, $0x0;
	_ =	sdelay $0x2  }
0x137: {  	s31 =	simm.s32 $0x2  }
0x138: {  	v0 =	vld.msk [tilespmem:s31+$0xF218], $0x1;
	_ =	sdelay $0x2  }
0x139: {  	s4 =	simm.s32 $0xFFFFFFFF;
	s5 =	simm.s32 $0xFFFFFFFF;
	s0 =	simm.s32 $0xC  }
.LBB2_24:
0x13a: {  	s2 =	smov.u32 s5;
	s3 =	smov.u32 s4  }
0x13b: {  	s4 =	sshra.s32 s0, $0x2;
	p1 =	sne.s32 s0, $0x7C;
	s0 =	sadd.s32 $0x4, s0;
	(v2sf) =	vpush v0, $0x0  }
0x13c: {  	v0 =	vld.msk [tilespmem:s4+$0xF218], $0x1  }
.Ltmp18:
0x13d: {  	(pc) =	sbr.rel @p1 .LBB2_24-.Ltmp18, $4  }
0x13e: {  	s5 =	spop (v2sf)  }
0x13f: {  	p2 =	sne.s32 s3, $0xFFFFFFFF;
	s4 =	smov.u32 s5  }
0x140: {  	p3 =	seq.s32 s5, $0xFFFFFFFF;
	s4 =	smov.u32 @p2 s3  }
0x141: {  	s5 =	smov.u32 @p3 s2;
	s4 =	smov.u32 @p3 s3  }
0x142: {  	(v2sf) =	vpush v0, $0x0;
	_ =	sdelay $0x8  }
0x143: {  	s0 =	spop (v2sf)  }
0x144: {  	p1 =	sne.s32 s4, $0xFFFFFFFF;
	s2 =	smov.u32 s0  }
0x145: {  	s9 =	simm.s32 $0x6;
	p2 =	seq.s32 s0, $0xFFFFFFFF;
	s2 =	smov.u32 @p1 s4  }
0x146: {  	s6 =	simm.s32 $0x0;
	s2 =	smov.u32 @p2 s4;
	s3 =	spop (v2sf)  }
0x147: {  	s0 =	smov.u32 @p2 s5;
	p1 =	sne.s32 s2, $0xFFFFFFFF;
	s4 =	smov.u32 s3  }
.Ltmp19:
0x148: {  	p2 =	seq.s32 s3, $0xFFFFFFFF;
	s4 =	smov.u32 @p1 s2;
	(pc) =	sbr.rel .LBB2_26-.Ltmp19, $4  }
0x149: {  	s10 =	simm.s32 $0xF188;
	s4 =	smov.u32 @p2 s2;
	s7 =	spop (v2sf)  }
0x14a: {  	s11 =	simm.s32 $0x0;
	p1 =	sne.s32 s4, $0xFFFFFFFF;
	s8 =	smov.u32 s7  }
0x14b: {  	s3 =	smov.u32 @p2 s0;
	p2 =	seq.s32 s7, $0xFFFFFFFF;
	s8 =	smov.u32 @p1 s4  }
0x14c: {  	[sflag:s9] =	ssyncpa.u1 $0x0;
	s7 =	smov.u32 @p2 s3;
	s8 =	smov.u32 @p2 s4  }
.LBB2_32:
0x14d: {  	p1 =	sgt.u32 s12, $0x270F0  }
0x14e: {  	p2 =	seq.s32 @!p1 s12, s8  }
0x14f: {  	p1 =	por p1, p2  }
0x150: {  	p2 =	sne.s32 @!p1 s12, s7  }
0x151: {  	p1 =	por p1, !p2  }
0x152: {  	s0 =	sshll.u32 @p1 s11, $0x9  }
0x153: {  	s0 =	sand.u32 @!p1 $0x3FFF8, s12  }
0x154: {  	s2 =	sand.u32 @!p1 $0x7, s12;
	s0 =	sadd.s32 @!p1 s1, s0  }
0x155: {  	[tilespmem:s10], [sflag:$0x6] =	stream.linear.gather @!p1 [hbm4b:s0+s2], $0x80, $0x38;
	[tilespmem:$0x1F6F8] =	vst v63  }
0x156: {  	_ =	swait.ge @!p1 [sflag:s9], $0x80  }
0x157: {  	[sflag:s9] =	ssyncset.done @!p1 $0x0  }
0x158: {  	[sflag:s9] =	ssyncadd.s32 @!p1 $0xFFFFFF80  }
0x159: {  	v1 =	vld @!p1 [tilespmem:$0xF188];
	_ =	sdelay $0x2  }
0x15a: {  	s0 =	sshll.u32 @!p1 s11, $0x9  }
0x15b: {  	s2 =	sshrl.u32 @!p1 s0, $0x2  }
0x15c: {  	[tilespmem:s2+$0xF238] =	vst.add.f32.msk @!p1 $0xffff, v1  }
0x15d: {  	v1 =	vld @!p1 [tilespmem:$0xF198];
	_ =	sdelay $0x4  }
0x15e: {  	[tilespmem:s2+$0xF248] =	vst.add.f32.msk @!p1 $0xffff, v1  }
0x15f: {  	v1 =	vld @!p1 [tilespmem:$0xF1A8];
	_ =	sdelay $0x4  }
0x160: {  	[tilespmem:s2+$0xF258] =	vst.add.f32.msk @!p1 $0xffff, v1  }
0x161: {  	v1 =	vld @!p1 [tilespmem:$0xF1B8];
	_ =	sdelay $0x4  }
0x162: {  	[tilespmem:s2+$0xF268] =	vst.add.f32.msk @!p1 $0xffff, v1  }
0x163: {  	v1 =	vld @!p1 [tilespmem:$0xF1C8];
	_ =	sdelay $0x4  }
0x164: {  	[tilespmem:s2+$0xF278] =	vst.add.f32.msk @!p1 $0xffff, v1  }
0x165: {  	v1 =	vld @!p1 [tilespmem:$0xF1D8];
	_ =	sdelay $0x4  }
0x166: {  	[tilespmem:s2+$0xF288] =	vst.add.f32.msk @!p1 $0xffff, v1  }
0x167: {  	v1 =	vld @!p1 [tilespmem:$0xF1E8];
	_ =	sdelay $0x4  }
0x168: {  	[tilespmem:s2+$0xF298] =	vst.add.f32.msk @!p1 $0xffff, v1  }
0x169: {  	v1 =	vld @!p1 [tilespmem:$0xF1F8];
	_ =	sdelay $0x4  }
0x16a: {  	[tilespmem:s2+$0xF2A8] =	vst.add.f32.msk @!p1 $0xffff, v1  }
0x16b: {  	s0 =	sshrl.u32 s0, $0x2;
	[tilespmem:s6+$0xF218] =	vst.msk $0x1, v0  }
0x16c: {  	v0 =	vld [tilespmem:s0+$0xF238];
	_ =	sdelay $0x2  }
0x16d: {  	s31 =	sshll.u32 s6, $0x9  }
0x16e: {  	s2 =	sshra.s32 s31, $0x2  }
0x16f: {  	[tilespmem:s2+$0xF238] =	vst v0  }
0x170: {  	v0 =	vld [tilespmem:s0+$0xF248];
	_ =	sdelay $0x4  }
0x171: {  	[tilespmem:s2+$0xF248] =	vst v0  }
0x172: {  	v0 =	vld [tilespmem:s0+$0xF258];
	_ =	sdelay $0x4  }
0x173: {  	[tilespmem:s2+$0xF258] =	vst v0  }
0x174: {  	v0 =	vld [tilespmem:s0+$0xF268];
	_ =	sdelay $0x4  }
0x175: {  	[tilespmem:s2+$0xF268] =	vst v0  }
0x176: {  	v0 =	vld [tilespmem:s0+$0xF278];
	_ =	sdelay $0x4  }
0x177: {  	[tilespmem:s2+$0xF278] =	vst v0  }
0x178: {  	v0 =	vld [tilespmem:s0+$0xF288];
	_ =	sdelay $0x4  }
0x179: {  	[tilespmem:s2+$0xF288] =	vst v0  }
0x17a: {  	v0 =	vld [tilespmem:s0+$0xF298];
	_ =	sdelay $0x4  }
0x17b: {  	[tilespmem:s2+$0xF298] =	vst v0  }
0x17c: {  	v0 =	vld [tilespmem:s0+$0xF2A8];
	_ =	sdelay $0x4  }
0x17d: {  	s6 =	sadd.s32 $0x1, s6;
	[tilespmem:s2+$0xF2A8] =	vst v0  }
.LBB2_33:
0x17e: {  	s11 =	sadd.s32 $0x1, s11  }
0x17f: {  	p1 =	sne.s32 s11, $0x20  }
.Ltmp20:
0x180: {  	_ = 	snop;
	(pc) =	sbr.rel @!p1 .LBB2_34-.Ltmp20, $1  }
0x181: {  	_ =	sdelay $0x3  }
.LBB2_26:
0x182: {  	v0 =	vld.msk [tilespmem:s11+$0xF218], $0x1;
	_ =	sdelay $0x4  }
0x183: {  	(v2sf) =	vpush v0, $0x0;
	_ =	sdelay $0xe  }
0x184: {  	s12 =	spop (v2sf)  }
0x185: {  	p1 =	seq.s32 s12, $0xFFFFFFFF  }
.Ltmp21:
0x186: {  	_ = 	snop;
	(pc) =	sbr.rel @p1 .LBB2_33-.Ltmp21, $1  }
0x187: {  	_ =	sdelay $0x3  }
0x188: {  	p1 =	slt.s32 s6, $0x1  }
.Ltmp22:
0x189: {  	_ = 	snop;
	(pc) =	sbr.rel @p1 .LBB2_32-.Ltmp22, $1  }
0x18a: {  	_ =	sdelay $0x3  }
0x18b: {  	s13 =	simm.s32 $0xF218;
	p1 =	por $0x0, $0x0  }
0x18c: {  	v1 =	vld.msk @!p1 [tilespmem:s13+$0x0], $0x1;
	_ =	sdelay $0x4  }
0x18d: {  	(v2sf) =	vpush @!p1 v1, $0x0;
	_ =	sdelay $0xd  }
0x18e: {  	p3 =	sne.s32 s6, $0x1  }
.Ltmp23:
0x18f: {  	s0 =	spop @!p1 (v2sf);
	(pc) =	sbr.rel @!p3 .LBB2_30-.Ltmp23, $4  }
0x190: {  	p2 =	seq.s32 @!p1 s12, s0  }
0x191: {  	s14 =	simm.s32 $0x0;
	p2 =	por !p2, p1  }
0x192: {  	s2 =	simm.s32 $0xFFFFFFFF;
	s14 =	simm.s32 @p2 $0xFFFFFFFF  }
0x193: {  	s0 =	simm.s32 $0x1;
	s14 =	smov.u32 @p1 s2  }
.LBB2_29:
0x194: {  	s2 =	smov.u32 s14;
	p1 =	sne.s32 s14, $0xFFFFFFFF  }
0x195: {  	s13 =	sadd.s32 $0x1, s13;
	s14 =	smov.u32 s0;
	s0 =	sadd.s32 $0x1, s0  }
0x196: {  	p2 =	sne.s32 s6, s0;
	v1 =	vld.msk @!p1 [tilespmem:s13+$0x0], $0x1;
	_ =	sdelay $0x4  }
0x197: {  	(v2sf) =	vpush @!p1 v1, $0x0;
	_ =	sdelay $0xe  }
.Ltmp24:
0x198: {  	s3 =	spop @!p1 (v2sf);
	(pc) =	sbr.rel @p2 .LBB2_29-.Ltmp24, $4  }
0x199: {  	p3 =	seq.s32 @!p1 s12, s3  }
0x19a: {  	p3 =	por !p3, p1  }
0x19b: {  	s14 =	simm.s32 @p3 $0xFFFFFFFF  }
0x19c: {  	s14 =	smov.u32 @p1 s2  }
.LBB2_30:
0x19d: {  	p1 =	seq.s32 s14, $0xFFFFFFFF  }
.Ltmp25:
0x19e: {  	_ = 	snop;
	(pc) =	sbr.rel @p1 .LBB2_32-.Ltmp25, $1  }
0x19f: {  	_ =	sdelay $0x3  }
0x1a0: {  	s0 =	sshll.u32 s11, $0x7  }
0x1a1: {  	s0 =	sand.u32 $0x3FFFFF80, s0  }
0x1a2: {  	v0 =	vld [tilespmem:s0+$0xF238];
	_ =	sdelay $0x2  }
0x1a3: {  	s2 =	sshll.u32 s14, $0x9  }
0x1a4: {  	s2 =	sshra.s32 s2, $0x2  }
0x1a5: {  	[tilespmem:s2+$0xF238] =	vst.add.f32.msk $0xffff, v0  }
0x1a6: {  	v0 =	vld [tilespmem:s0+$0xF248];
	_ =	sdelay $0x4  }
0x1a7: {  	[tilespmem:s2+$0xF248] =	vst.add.f32.msk $0xffff, v0  }
0x1a8: {  	v0 =	vld [tilespmem:s0+$0xF258];
	_ =	sdelay $0x4  }
0x1a9: {  	[tilespmem:s2+$0xF258] =	vst.add.f32.msk $0xffff, v0  }
0x1aa: {  	v0 =	vld [tilespmem:s0+$0xF268];
	_ =	sdelay $0x4  }
0x1ab: {  	[tilespmem:s2+$0xF268] =	vst.add.f32.msk $0xffff, v0  }
0x1ac: {  	v0 =	vld [tilespmem:s0+$0xF278];
	_ =	sdelay $0x4  }
0x1ad: {  	[tilespmem:s2+$0xF278] =	vst.add.f32.msk $0xffff, v0  }
0x1ae: {  	v0 =	vld [tilespmem:s0+$0xF288];
	_ =	sdelay $0x4  }
0x1af: {  	[tilespmem:s2+$0xF288] =	vst.add.f32.msk $0xffff, v0  }
0x1b0: {  	v0 =	vld [tilespmem:s0+$0xF298];
	_ =	sdelay $0x4  }
0x1b1: {  	[tilespmem:s2+$0xF298] =	vst.add.f32.msk $0xffff, v0  }
0x1b2: {  	v0 =	vld [tilespmem:s0+$0xF2A8]  }
.Ltmp26:
0x1b3: {  	_ = 	snop;
	(pc) =	sbr.rel .LBB2_33-.Ltmp26, $2  }
0x1b4: {  	_ =	sdelay $0x2  }
0x1b5: {  	[tilespmem:s2+$0xF2A8] =	vst.add.f32.msk $0xffff, v0  }
.LBB2_34:
0x1b6: {  	s0 =	simm.s32 $0x6;
	p1 =	seq.s32 s6, $0x0  }
0x1b7: {  	[sflag:s0] =	ssyncpa.u1 $0x1;
	v0 =	vimm.s32 @p1 $0xFFFFFFFF  }
0x1b8: {  	s9 =	sadd.s32 $0xFFFFFFFF, s6;
	[tilespmem:$0x10238] =	vst @p1 v0  }
0x1b9: {  	v0 =	vld.msk @!p1 [tilespmem:s9+$0xF218], $0x1;
	_ =	sdelay $0x1  }
0x1ba: {  	v1 =	vld.msk @!p1 [tilespmem:$0xF218], $0x1;
	_ =	sdelay $0x2  }
0x1bb: {  	p2 =	seq.s32 @!p1 s9, $0x0;
	v0 =	vbroadcast @!p1 v0, $0x0  }
0x1bc: {  	vm0 =	vmmov @!p1 $0x1;
	p2 =	por !p2, p1  }
0x1bd: {  	v1 =	vnsel @!p1 vm0, $0xFFFFFFFF, v1;
	vm0 =	vcmask @!p1 $0x308;
	v0 =	vpsel !p2, $0xFFFFFFFF, v0  }
0x1be: {  	p2 =	sne.s32 @!p1 s8, s7;
	v0 =	vsel @!p1 vm0, v1, v0  }
0x1bf: {  	s0 =	simm.s32 @!p1 $0xF238;
	s2 =	simm.s32 @!p1 $0x0;
	p3 =	por !p2, p1;
	[tilespmem:$0x10238] =	vst @!p1 v0  }
0x1c0: {  	[spmem:s2] =	stream.linear.scatter @!p1 [tilespmem:s0], [sflag:$0x1], $0x80, $0x38;
	[tilespmem:$0x1F6F8] =	vst v63  }
0x1c1: {  	s0 =	sshll.u32 @!p3 s9, $0x9  }
0x1c2: {  	s0 =	sshra.s32 @!p3 s0, $0x2  }
0x1c3: {  	s2 =	simm.s32 @!p3 $0x80;
	s0 =	sadd.s32 @!p3 $0xF238, s0  }
0x1c4: {  	[spmem:s2] =	stream.linear.scatter @!p3 [tilespmem:s0], [sflag:$0x1], $0x80, $0x38;
	[tilespmem:$0x1F6F8] =	vst v63  }
0x1c5: {  	s0 =	simm.s32 @!p3 $0x1  }
0x1c6: {  	_ =	swait.ge @!p3 [sflag:s0], $0x100  }
0x1c7: {  	p1 =	por p2, p1;
	[sflag:s0] =	ssyncset.done @!p3 $0x0  }
0x1c8: {  	[sflag:s0] =	ssyncadd.s32 @!p3 $0xFFFFFF00;
	s0 =	simm.s32 @!p1 $0x1  }
0x1c9: {  	_ =	swait.ge @!p1 [sflag:s0], $0x80  }
0x1ca: {  	s29 =	simm.s32 $0x10238;
	[sflag:s0] =	ssyncset.done @!p1 $0x0  }
0x1cb: {  	s30 =	simm.s32 $0x1000;
	s31 =	simm.s32 $0x1;
	[sflag:s0] =	ssyncadd.s32 @!p1 $0xFFFFFF80  }
0x1cc: {  	[spmem:s30] =	stream.linear.scatter [tilespmem:s29], [sflag:$0x1], $0x10, $0x38;
	[tilespmem:$0x1F6F8] =	vst v63  }
0x1cd: {  	_ =	swait.ge [sflag:s31], $0x10  }
0x1ce: {  	[sflag:s31] =	ssyncset.done $0x0  }
0x1cf: {  	p1 =	seq.s32 s15, $0x0;
	s8 =	rddreg [dreg:$0x2];
	[sflag:s31] =	ssyncadd.s32 $0xFFFFFFF0  }
0x1d0: {  	s2 =	sshll.u32 @p1 s8, $0xE;
	s7 =	rddreg [dreg:$0x3]  }
0x1d1: {  	s0 =	sadd.s32 @p1 $0x15C3C, s2;
	s2 =	sshll.u32 @p1 s7, $0x11  }
0x1d2: {  	_ =	sfence.stream.spmem;
	s0 =	sor.u32 @p1 s2, s0  }
0x1d3: {  	[sflag:s0] =	ssyncadd.remote.s32 @p1 $0x1;
	s0 =	simm.s32 @p1 $0x4  }
0x1d4: {  	s3 =	simm.s32 @!p1 $0x3C;
	s2 =	sand.u32 $0xFFFFFFFE, s8;
	_ =	swait.ge @p1 [sflag:s0], $0x22  }
0x1d5: {  	s4 =	simm.s32 @!p1 $0x0;
	s2 =	sadd.s32 @!p1 $0x4, s2;
	[sflag:s0] =	ssyncset.done @p1 $0x0  }
0x1d6: {  	s5 =	simm.s32 @!p1 $0x100;
	[sflag:s0] =	ssyncadd.s32 @p1 $0xFFFFFFDE;
	s0 =	sshll.u32 @!p1 s2, $0x1A  }
0x1d7: {  	s2 =	sshll.u32 @!p1 s2, $0xD;
	s0 =	sor.u32 @!p1 s0, s7;
	_ =	swait.eq @!p1 [sflag:s3], $0x1  }
0x1d8: {  	s2 =	sor.u32 @!p1 $0x1C04, s2;
	s3 =	simm.s32 @!p1 $0x1C03;
	s0 =	sor.u32 @!p1 $0x80004000, s0  }
0x1d9: {  	[spmem:s5], [sflag:s2] =	dma.general @!p1 [spmem:s4], [sflag:s3], length:$0x20, [dreg:$0x0], stride_count:$0x0, ici_dest:s0, dma_misc:DstOpCode:WRITE  }
0x1da: {  	p2 =	slt.s32 s9, $0x2;
	s4 =	simm.s32 @!p1 $0x200;
	s5 =	simm.s32 @!p1 $0x202  }
0x1db: {  	[spmem:s5], [sflag:s2] =	dma.general @!p1 [spmem:s4], [sflag:s3], length:$0x2, [dreg:$0x0], stride_count:$0x0, ici_dest:s0, dma_misc:DstOpCode:WRITE  }
.Ltmp27:
0x1dc: {  	s0 =	simm.s32 @!p1 $0x3;
	(pc) =	sbr.rel @p2 .LBB2_38-.Ltmp27, $4  }
0x1dd: {  	s2 =	sshll.u32 @!p1 s8, $0xE;
	_ =	swait.ge @!p1 [sflag:s0], $0x22  }
0x1de: {  	s3 =	sshll.u32 @!p1 s7, $0x11;
	s2 =	sadd.s32 @!p1 $0x11C3C, s2;
	[sflag:s0] =	ssyncset.done @!p1 $0x0  }
0x1df: {  	[sflag:s0] =	ssyncadd.s32 @!p1 $0xFFFFFFDE;
	s0 =	sor.u32 @!p1 s3, s2  }
0x1e0: {  	[sflag:s0] =	ssyncadd.remote.s32 @!p1 $0xFFFFFFFF;
	s0 =	simm.s32 $0x0  }
0x1e1: {  	s0 =	simm.s32 $0xF219  }
0x1e2: {  	v0 =	vld.msk [tilespmem:s0+$0x0], $0x1;
	_ =	sdelay $0x4  }
0x1e3: {  	(v2sf) =	vpush v0, $0x0;
	_ =	sdelay $0xb  }
0x1e4: {  	s31 =	sadd.s32 $0xFFFFFFFE, s6  }
0x1e5: {  	s0 =	sadd.s32 $0xFFFFFFFF, s31  }
0x1e6: {  	p2 =	sne.s32 s0, $0x0  }
.Ltmp28:
0x1e7: {  	s2 =	spop (v2sf);
	(pc) =	sbr.rel @!p2 .LBB2_37-.Ltmp28, $4  }
0x1e8: {  	s4 =	simm.s32 $0xF2B8;
	s7 =	simm.s32 $0x0;
	p1 =	sgt.u32 s2, $0x270F0  }
0x1e9: {  	s5 =	simm.s32 $0x0;
	s6 =	simm.s32 $0xF21A;
	s3 =	sand.u32 @!p1 $0x3FFF8, s2  }
0x1ea: {  	s2 =	sand.u32 @!p1 $0x7, s2;
	s7 =	simm.s32 @!p1 $0x200;
	s3 =	sadd.s32 @!p1 s1, s3  }
0x1eb: {  	[hbm4b:s3+s2] =	stream.linear.scatter @!p1 [tilespmem:s4], [sflag:$0x5], $0x80, $0x38;
	[tilespmem:$0x1F6F8] =	vst v63  }
.LBB2_36:
0x1ec: {  	v0 =	vld.msk [tilespmem:s6+$0x0], $0x1;
	s0 =	sadd.s32 $0xFFFFFFFF, s0;
	s5 =	sadd.s32 s5, s7  }
0x1ed: {  	p1 =	sne.s32 s0, $0x0;
	_ =	sdelay $0x3  }
0x1ee: {  	(v2sf) =	vpush v0, $0x0;
	_ =	sdelay $0xe  }
.Ltmp29:
0x1ef: {  	s2 =	spop (v2sf);
	(pc) =	sbr.rel @p1 .LBB2_36-.Ltmp29, $4  }
0x1f0: {  	s7 =	simm.s32 $0x0;
	p2 =	sgt.u32 s2, $0x270F0  }
0x1f1: {  	s4 =	sadd.s32 $0x80, s4;
	s7 =	simm.s32 @!p2 $0x200;
	s3 =	sand.u32 @!p2 $0x3FFF8, s2  }
0x1f2: {  	s6 =	sadd.s32 $0x1, s6;
	s2 =	sand.u32 @!p2 $0x7, s2;
	s3 =	sadd.s32 @!p2 s1, s3  }
0x1f3: {  	[hbm4b:s3+s2] =	stream.linear.scatter @!p2 [tilespmem:s4], [sflag:$0x5], $0x80, $0x38;
	[tilespmem:$0x1F6F8] =	vst v63  }
.LBB2_37:
0x1f4: {  	s0 =	sadd.s32 s5, s7  }
0x1f5: {  	s0 =	sshrl.u32 s0, $0x2  }
.LBB2_38:
0x1f6: {  	s2 =	simm.s32 $0x5  }
0x1f7: {  	_ =	swait.ge [sflag:s2], s0  }
0x1f8: {  	s31 =	ssub.s32 $0x0, s0;
	[sflag:s2] =	ssyncset.done $0x0  }
0x1f9: {  	[sflag:s2] =	ssyncadd.s32 s31  }
0x1fa: {  	[sflag:s2] =	ssyncpa.u1 $0x1  }
.LBB2_39:
0x1fb: {  	s0 =	sor.u32 s15, s16  }
0x1fc: {  	p1 =	sne.s32 s0, $0x0  }
.Ltmp30:
0x1fd: {  	_ = 	snop;
	(pc) =	sbr.rel @p1 .LBB2_54-.Ltmp30, $3  }
0x1fe: {  	_ =	sdelay $0x1  }
0x1ff: {  	[bflag:$0x0] =	sbarrier.arrive $0xFFFF  }
0x200: {  	_ =	sfence  }
0x201: {  	s0 =	simm.s32 $0x7  }
0x202: {  	s2 =	simm.s32 $0x1000;
	s3 =	simm.s32 $0xF218;
	[sflag:s0] =	ssyncpa.u1 $0x0  }
0x203: {  	[tilespmem:s3], [sflag:$0x7] =	stream.linear.gather [spmem:s2], $0x20, $0x38;
	[tilespmem:$0x1F6F8] =	vst v63  }
0x204: {  	s30 =	simm.s32 $0xF238;
	s2 =	simm.s32 $0x0  }
0x205: {  	[tilespmem:s30], [sflag:$0x7] =	stream.linear.gather [spmem:s2], $0x1000, $0x38;
	[tilespmem:$0x1F6F8] =	vst v63  }
.Ltmp31:
0x206: {  	_ = 	snop;
	(pc) =	sbr.rel .LBB2_41-.Ltmp31, $4  }
0x207: {  	_ =	swait.ge [sflag:s0], $0x1020  }
0x208: {  	[sflag:s0] =	ssyncset.done $0x0  }
0x209: {  	s31 =	simm.s32 $0x8;
	[sflag:s0] =	ssyncadd.s32 $0xFFFFEFE0  }
0x20a: {  	s3 =	simm.s32 $0x0;
	[sflag:s31] =	ssyncpa.u1 $0x0  }
.LBB2_47:
0x20b: {  	p1 =	slt.u32 s4, $0x270F1  }
0x20c: {  	s0 =	sand.u32 @p1 $0x3FFF8, s4  }
0x20d: {  	s4 =	sand.u32 @p1 $0x7, s4;
	s5 =	simm.s32 @p1 $0xF188;
	s0 =	sadd.s32 @p1 s1, s0  }
0x20e: {  	[tilespmem:s5], [sflag:$0x8] =	stream.linear.gather @p1 [hbm4b:s0+s4], $0x80, $0x38;
	[tilespmem:$0x1F6F8] =	vst v63  }
0x20f: {  	s0 =	simm.s32 @p1 $0x8  }
0x210: {  	_ =	swait.ge @p1 [sflag:s0], $0x80  }
0x211: {  	[sflag:s0] =	ssyncset.done @p1 $0x0  }
0x212: {  	[sflag:s0] =	ssyncadd.s32 @p1 $0xFFFFFF80  }
0x213: {  	v1 =	vld @p1 [tilespmem:$0xF188];
	_ =	sdelay $0x2  }
0x214: {  	s0 =	sshll.u32 @p1 s3, $0x9  }
0x215: {  	s4 =	sshrl.u32 @p1 s0, $0x2  }
0x216: {  	[tilespmem:s4+$0xF238] =	vst.add.f32.msk @p1 $0xffff, v1  }
0x217: {  	v1 =	vld @p1 [tilespmem:$0xF198];
	_ =	sdelay $0x4  }
0x218: {  	[tilespmem:s4+$0xF248] =	vst.add.f32.msk @p1 $0xffff, v1  }
0x219: {  	v1 =	vld @p1 [tilespmem:$0xF1A8];
	_ =	sdelay $0x4  }
0x21a: {  	[tilespmem:s4+$0xF258] =	vst.add.f32.msk @p1 $0xffff, v1  }
0x21b: {  	v1 =	vld @p1 [tilespmem:$0xF1B8];
	_ =	sdelay $0x4  }
0x21c: {  	[tilespmem:s4+$0xF268] =	vst.add.f32.msk @p1 $0xffff, v1  }
0x21d: {  	v1 =	vld @p1 [tilespmem:$0xF1C8];
	_ =	sdelay $0x4  }
0x21e: {  	[tilespmem:s4+$0xF278] =	vst.add.f32.msk @p1 $0xffff, v1  }
0x21f: {  	v1 =	vld @p1 [tilespmem:$0xF1D8];
	_ =	sdelay $0x4  }
0x220: {  	[tilespmem:s4+$0xF288] =	vst.add.f32.msk @p1 $0xffff, v1  }
0x221: {  	v1 =	vld @p1 [tilespmem:$0xF1E8];
	_ =	sdelay $0x4  }
0x222: {  	[tilespmem:s4+$0xF298] =	vst.add.f32.msk @p1 $0xffff, v1  }
0x223: {  	v1 =	vld @p1 [tilespmem:$0xF1F8];
	_ =	sdelay $0x3  }
0x224: {  	s5 =	sshll.u32 @!p1 s3, $0x9  }
0x225: {  	s5 =	smov.u32 @p1 s0;
	[tilespmem:s4+$0xF2A8] =	vst.add.f32.msk @p1 $0xffff, v1  }
0x226: {  	s0 =	sshrl.u32 s5, $0x2;
	[tilespmem:s2+$0xF218] =	vst.msk $0x1, v0  }
0x227: {  	v0 =	vld [tilespmem:s0+$0xF238];
	_ =	sdelay $0x2  }
0x228: {  	s31 =	sshll.u32 s2, $0x9  }
0x229: {  	s4 =	sshra.s32 s31, $0x2  }
0x22a: {  	[tilespmem:s4+$0xF238] =	vst v0  }
0x22b: {  	v0 =	vld [tilespmem:s0+$0xF248];
	_ =	sdelay $0x4  }
0x22c: {  	[tilespmem:s4+$0xF248] =	vst v0  }
0x22d: {  	v0 =	vld [tilespmem:s0+$0xF258];
	_ =	sdelay $0x4  }
0x22e: {  	[tilespmem:s4+$0xF258] =	vst v0  }
0x22f: {  	v0 =	vld [tilespmem:s0+$0xF268];
	_ =	sdelay $0x4  }
0x230: {  	[tilespmem:s4+$0xF268] =	vst v0  }
0x231: {  	v0 =	vld [tilespmem:s0+$0xF278];
	_ =	sdelay $0x4  }
0x232: {  	[tilespmem:s4+$0xF278] =	vst v0  }
0x233: {  	v0 =	vld [tilespmem:s0+$0xF288];
	_ =	sdelay $0x4  }
0x234: {  	[tilespmem:s4+$0xF288] =	vst v0  }
0x235: {  	v0 =	vld [tilespmem:s0+$0xF298];
	_ =	sdelay $0x4  }
0x236: {  	[tilespmem:s4+$0xF298] =	vst v0  }
0x237: {  	v0 =	vld [tilespmem:s0+$0xF2A8];
	_ =	sdelay $0x4  }
0x238: {  	s2 =	sadd.s32 $0x1, s2;
	[tilespmem:s4+$0xF2A8] =	vst v0  }
.LBB2_48:
0x239: {  	s3 =	sadd.s32 $0x1, s3  }
0x23a: {  	p1 =	sne.s32 s3, $0x20  }
.Ltmp32:
0x23b: {  	_ = 	snop;
	(pc) =	sbr.rel @!p1 .LBB2_49-.Ltmp32, $1  }
0x23c: {  	_ =	sdelay $0x3  }
.LBB2_41:
0x23d: {  	v0 =	vld.msk [tilespmem:s3+$0xF218], $0x1;
	_ =	sdelay $0x4  }
0x23e: {  	(v2sf) =	vpush v0, $0x0;
	_ =	sdelay $0xe  }
0x23f: {  	s4 =	spop (v2sf)  }
0x240: {  	p1 =	seq.s32 s4, $0xFFFFFFFF  }
.Ltmp33:
0x241: {  	_ = 	snop;
	(pc) =	sbr.rel @p1 .LBB2_48-.Ltmp33, $1  }
0x242: {  	_ =	sdelay $0x3  }
0x243: {  	p1 =	slt.s32 s2, $0x1  }
.Ltmp34:
0x244: {  	_ = 	snop;
	(pc) =	sbr.rel @p1 .LBB2_47-.Ltmp34, $1  }
0x245: {  	_ =	sdelay $0x3  }
0x246: {  	s5 =	simm.s32 $0xF218;
	p1 =	por $0x0, $0x0  }
0x247: {  	v1 =	vld.msk @!p1 [tilespmem:s5+$0x0], $0x1;
	_ =	sdelay $0x4  }
0x248: {  	(v2sf) =	vpush @!p1 v1, $0x0;
	_ =	sdelay $0xd  }
0x249: {  	p3 =	sne.s32 s2, $0x1  }
.Ltmp35:
0x24a: {  	s0 =	spop @!p1 (v2sf);
	(pc) =	sbr.rel @!p3 .LBB2_45-.Ltmp35, $4  }
0x24b: {  	p2 =	seq.s32 @!p1 s4, s0  }
0x24c: {  	s6 =	simm.s32 $0x0;
	p2 =	por !p2, p1  }
0x24d: {  	s7 =	simm.s32 $0xFFFFFFFF;
	s6 =	simm.s32 @p2 $0xFFFFFFFF  }
0x24e: {  	s0 =	simm.s32 $0x1;
	s6 =	smov.u32 @p1 s7  }
.LBB2_44:
0x24f: {  	s7 =	smov.u32 s6;
	p1 =	sne.s32 s6, $0xFFFFFFFF  }
0x250: {  	s5 =	sadd.s32 $0x1, s5;
	s6 =	smov.u32 s0;
	s0 =	sadd.s32 $0x1, s0  }
0x251: {  	p2 =	sne.s32 s2, s0;
	v1 =	vld.msk @!p1 [tilespmem:s5+$0x0], $0x1;
	_ =	sdelay $0x4  }
0x252: {  	(v2sf) =	vpush @!p1 v1, $0x0;
	_ =	sdelay $0xe  }
.Ltmp36:
0x253: {  	s8 =	spop @!p1 (v2sf);
	(pc) =	sbr.rel @p2 .LBB2_44-.Ltmp36, $4  }
0x254: {  	p3 =	seq.s32 @!p1 s4, s8  }
0x255: {  	p3 =	por !p3, p1  }
0x256: {  	s6 =	simm.s32 @p3 $0xFFFFFFFF  }
0x257: {  	s6 =	smov.u32 @p1 s7  }
.LBB2_45:
0x258: {  	p1 =	seq.s32 s6, $0xFFFFFFFF  }
.Ltmp37:
0x259: {  	_ = 	snop;
	(pc) =	sbr.rel @p1 .LBB2_47-.Ltmp37, $1  }
0x25a: {  	_ =	sdelay $0x3  }
0x25b: {  	s0 =	sshll.u32 s3, $0x7  }
0x25c: {  	s0 =	sand.u32 $0x3FFFFF80, s0  }
0x25d: {  	v0 =	vld [tilespmem:s0+$0xF238];
	_ =	sdelay $0x2  }
0x25e: {  	s4 =	sshll.u32 s6, $0x9  }
0x25f: {  	s4 =	sshra.s32 s4, $0x2  }
0x260: {  	[tilespmem:s4+$0xF238] =	vst.add.f32.msk $0xffff, v0  }
0x261: {  	v0 =	vld [tilespmem:s0+$0xF248];
	_ =	sdelay $0x4  }
0x262: {  	[tilespmem:s4+$0xF248] =	vst.add.f32.msk $0xffff, v0  }
0x263: {  	v0 =	vld [tilespmem:s0+$0xF258];
	_ =	sdelay $0x4  }
0x264: {  	[tilespmem:s4+$0xF258] =	vst.add.f32.msk $0xffff, v0  }
0x265: {  	v0 =	vld [tilespmem:s0+$0xF268];
	_ =	sdelay $0x4  }
0x266: {  	[tilespmem:s4+$0xF268] =	vst.add.f32.msk $0xffff, v0  }
0x267: {  	v0 =	vld [tilespmem:s0+$0xF278];
	_ =	sdelay $0x4  }
0x268: {  	[tilespmem:s4+$0xF278] =	vst.add.f32.msk $0xffff, v0  }
0x269: {  	v0 =	vld [tilespmem:s0+$0xF288];
	_ =	sdelay $0x4  }
0x26a: {  	[tilespmem:s4+$0xF288] =	vst.add.f32.msk $0xffff, v0  }
0x26b: {  	v0 =	vld [tilespmem:s0+$0xF298];
	_ =	sdelay $0x4  }
0x26c: {  	[tilespmem:s4+$0xF298] =	vst.add.f32.msk $0xffff, v0  }
0x26d: {  	v0 =	vld [tilespmem:s0+$0xF2A8]  }
.Ltmp38:
0x26e: {  	_ = 	snop;
	(pc) =	sbr.rel .LBB2_48-.Ltmp38, $2  }
0x26f: {  	_ =	sdelay $0x2  }
0x270: {  	[tilespmem:s4+$0xF2A8] =	vst.add.f32.msk $0xffff, v0  }
.LBB2_49:
0x271: {  	p1 =	slt.s32 s2, $0x1  }
.Ltmp39:
0x272: {  	_ = 	snop;
	(pc) =	sbr.rel @p1 .LBB2_53-.Ltmp39, $3  }
0x273: {  	_ =	sdelay $0x1  }
0x274: {  	s0 =	simm.s32 $0x8  }
0x275: {  	s3 =	simm.s32 $0x0;
	[sflag:s0] =	ssyncpa.u1 $0x1  }
0x276: {  	s0 =	simm.s32 $0xF218  }
0x277: {  	v0 =	vld.msk [tilespmem:s0+$0x0], $0x1;
	_ =	sdelay $0x4  }
0x278: {  	(v2sf) =	vpush v0, $0x0;
	_ =	sdelay $0xe  }
0x279: {  	s0 =	sadd.s32 $0xFFFFFFFF, s2;
	s5 =	spop (v2sf)  }
0x27a: {  	p2 =	sne.s32 s0, $0x0;
	p1 =	sgt.u32 s5, $0x270F0  }
.Ltmp40:
0x27b: {  	s6 =	sand.u32 @!p1 $0x3FFF8, s5;
	(pc) =	sbr.rel @!p2 .LBB2_52-.Ltmp40, $4  }
0x27c: {  	s4 =	simm.s32 $0xF238;
	s5 =	sand.u32 @!p1 $0x7, s5;
	s2 =	sadd.s32 @!p1 s1, s6  }
0x27d: {  	[hbm4b:s2+s5] =	stream.linear.scatter @!p1 [tilespmem:s4], [sflag:$0x7], $0x80, $0x38;
	[tilespmem:$0x1F6F8] =	vst v63  }
0x27e: {  	s5 =	simm.s32 $0x0  }
0x27f: {  	s2 =	simm.s32 $0xF219;
	s5 =	simm.s32 @!p1 $0x200  }
.LBB2_51:
0x280: {  	v0 =	vld.msk [tilespmem:s2+$0x0], $0x1;
	s0 =	sadd.s32 $0xFFFFFFFF, s0;
	s3 =	sadd.s32 s3, s5  }
0x281: {  	p1 =	sne.s32 s0, $0x0;
	_ =	sdelay $0x3  }
0x282: {  	(v2sf) =	vpush v0, $0x0;
	_ =	sdelay $0xe  }
.Ltmp41:
0x283: {  	s6 =	spop (v2sf);
	(pc) =	sbr.rel @p1 .LBB2_51-.Ltmp41, $4  }
0x284: {  	s5 =	simm.s32 $0x0;
	p2 =	sgt.u32 s6, $0x270F0  }
0x285: {  	s4 =	sadd.s32 $0x80, s4;
	s5 =	simm.s32 @!p2 $0x200;
	s7 =	sand.u32 @!p2 $0x3FFF8, s6  }
0x286: {  	s2 =	sadd.s32 $0x1, s2;
	s6 =	sand.u32 @!p2 $0x7, s6;
	s7 =	sadd.s32 @!p2 s1, s7  }
0x287: {  	[hbm4b:s7+s6] =	stream.linear.scatter @!p2 [tilespmem:s4], [sflag:$0x7], $0x80, $0x38;
	[tilespmem:$0x1F6F8] =	vst v63  }
.LBB2_52:
0x288: {  	s0 =	sadd.s32 s3, s5  }
0x289: {  	s3 =	sshrl.u32 s0, $0x2  }
.LBB2_53:
0x28a: {  	s0 =	simm.s32 $0x7  }
0x28b: {  	_ =	swait.ge [sflag:s0], s3  }
0x28c: {  	s1 =	ssub.s32 $0x0, s3;
	[sflag:s0] =	ssyncset.done $0x0  }
0x28d: {  	[sflag:s0] =	ssyncadd.s32 s1  }
0x28e: {  	[sflag:s0] =	ssyncpa.u1 $0x1  }
.LBB2_54:
0x28f: {  	_ =	sfence;
	s0 =	simm.s32 $0x1  }
0x290: {  	[sflag:s0] =	ssyncpa.u1 $0x1  }
0x291: {  	_ =	strace $0x90000053  }
0x292: {  	[bflag:$0x2] =	sbarrier.arrive $0xFFFF  }
0x293: {  	s0 =	rddreg [dreg:$0x4]  }
0x294: {  	s0 =	sadd.s32 @!p0 $0x100000, s0  }
0x295: {  	[sflag:s0] =	ssyncadd.tile.s32 @!p0 $0x1;
	_ =	shalt  }
.Lfunc_end2:
_tile_overlayer_lowered:
.L_overlay_start_2:
0x296: {  	(tag) =	ssettag $0x2  }
0x297: {  	s0 =	rddreg [dreg:$0x0];
	s2 =	stileid.u32  }
0x298: {  	s1 =	rddreg [dreg:$0x1];
	p0 =	sne.s32 s2, $0x0  }
0x299: {  	s3 =	rddreg [dreg:$0x2];
	[bflag:$0x3] =	sbarrier.arrive $0xFFFF;
	s2 =	simm.s32 @!p0 $0x1C01  }
0x29a: {  	[timem:s3], [sflag:s2] =	dma.local @!p0 [hbm:s0], s1  }
0x29b: {  	s0 =	simm.s32 @!p0 $0x1  }
0x29c: {  	_ =	swait.ge @!p0 [sflag:s0], s1  }
0x29d: {  	s1 =	ssub.s32 @!p0 $0x0, s1;
	[sflag:s0] =	ssyncset.done @!p0 $0x0  }
0x29e: {  	[sflag:s0] =	ssyncadd.s32 @!p0 s1  }
0x29f: {  	[bflag:$0x3] =	sbarrier.arrive $0xFFFF  }
0x2a0: {  	_ =	shalt  }

// kernel: scatter_offload_async_start
scs
__scs_entry_jumppad:
0x0: {  	(pc) =	sbr.rel $0x88, $3  }
0x1: {  	(tag) =	ssettag $0x0;
	lr =	simm.s32 $0x1  }
0x2: {  	[smem:$0x3F93] =	sst lr;
	_ =	strace $0xD0000000  }
0x3: {  	_ = 	snop  }
0x4: {  	_ = 	snop  }
0x5: {  	_ = 	snop  }
0x6: {  	_ = 	snop  }
0x7: {  	_ = 	snop  }
__scs_overlays_trampoline_lowered:
0x8: {  	[smem:$0x3FA2] =	sst s0  }
0x9: {  	[smem:$0x3FA3] =	sst s1  }
0xa: {  	[smem:$0x3FA4] =	sst s2  }
0xb: {  	[smem:$0x3FA5] =	sst s3  }
0xc: {  	[smem:$0x3FA6] =	sst s4  }
0xd: {  	[smem:$0x3FA7] =	sst s5  }
0xe: {  	[smem:$0x3FA8] =	sst s6  }
0xf: {  	[smem:$0x3FA9] =	sst s7  }
0x10: {  	[smem:$0x3FAA] =	sst s8  }
0x11: {  	[smem:$0x3FAB] =	sst s9;
	s0 =	simm.s32 @!p0 $0x0  }
0x12: {  	s1 =	sld [smem:$0x3F91];
	s0 =	simm.s32 @p0 $0x1  }
0x13: {  	[smem:$0x3FAC] =	sst s0;
	s0 =	simm.s32 @!p1 $0x0  }
0x14: {  	s2 =	sld [smem:$0x3F90];
	s0 =	simm.s32 @p1 $0x1  }
0x15: {  	[smem:$0x3FAD] =	sst s0;
	s0 =	simm.s32 @!p2 $0x0  }
0x16: {  	s3 =	sld [smem:$0x3FDB];
	s0 =	simm.s32 @p2 $0x1  }
0x17: {  	s4 =	simm.s32 $0x1BF5;
	[smem:$0x3FAF] =	sst s0  }
0x18: {  	s0 =	sld [smem:$0x3F92];
	_ =	swait.ge [sflag:s4], $0x0  }
0x19: {  	s7 =	sld [smem:$0x3F93]  }
0x1a: {  	s8 =	sadd.s32 $0xFFFFE003, lr  }
0x1b: {  	s9 =	sadd.s32 $0xFFFFFEF7, lr;
	s5 =	simm.s32 $0xFFFFFFFF;
	p2 =	slt.u32 s8, $0xFFFFF086  }
0x1c: {  	p1 =	slt.u32 s9, $0xF7A;
	s5 =	simm.s32 @!p2 $0x0  }
0x1d: {  	s5 =	simm.s32 @p1 $0x1;
	p0 =	seq.s32 s7, s2  }
0x1e: {  	s7 =	smul.u32 @!p0 $0xF7A, s2;
	p2 =	seq.s32 @!p0 s5, $0x0  }
0x1f: {  	s9 =	smul.u32 $0xF7A, s1;
	s8 =	simm.s32 @!p0 $0x1BF5;
	p2 =	por !p2, p0  }
0x20: {  	[sflag:s8] =	ssyncset.s32 @!p0 $0xFFFFF086;
	s6 =	sadd.s32 @!p0 s3, s7;
	s7 =	simm.s32 @!p0 $0x108  }
0x21: {  	s3 =	sadd.s32 s3, s9;
	s6 =	sadd.s32 @!p0 $0x88, s6;
	s7 =	simm.s32 @p2 $0x1082  }
0x22: {  	[simem:s7], [sflag:s8] =	dma.local @!p0 [hbm:s6], $0xF7A  }
0x23: {  	s9 =	sor.u32 $0xD0000000, s2;
	s6 =	simm.s32 $0x108;
	_ =	swait.ge @!p0 [sflag:s8], $0x0  }
0x24: {  	s3 =	sadd.s32 $0x88, s3;
	s6 =	simm.s32 @!p1 $0x1082;
	[sflag:s4] =	ssyncset.s32 $0xFFFFF086  }
0x25: {  	[simem:s6], [sflag:s4] =	dma.local [hbm:s3], $0xF7A  }
0x26: {  	[smem:$0x3F93] =	sst s1;
	(tag) =	ssettag s2;
	_ =	strace s9  }
0x27: {  	s1 =	sld [smem:$0x3FA3]  }
0x28: {  	s2 =	sld [smem:$0x3FA4]  }
0x29: {  	s4 =	sld [smem:$0x3FA6]  }
0x2a: {  	p0 =	seq.s32 s5, $0x0;
	s5 =	sld [smem:$0x3FA7]  }
0x2b: {  	s6 =	sld [smem:$0x3FA8]  }
0x2c: {  	s7 =	sld [smem:$0x3FA9]  }
0x2d: {  	s3 =	simm.s32 $0x108;
	s8 =	sld [smem:$0x3FAA]  }
0x2e: {  	s3 =	simm.s32 @!p0 $0x1082;
	s9 =	sld [smem:$0x3FAB]  }
0x2f: {  	lr =	sadd.s32 s0, s3;
	s0 =	sld [smem:$0x3FA2]  }
0x30: {  	s3 =	sld [smem:$0x3FA5]  }
0x31: {  	[smem:$0x3FAE] =	sst s10  }
0x32: {  	s10 =	sld [smem:$0x3FAC];
	_ =	sdelay $0x3  }
0x33: {  	p0 =	seq.s32 s10, $0x1;
	s10 =	sld [smem:$0x3FAE];
	_ =	sdelay $0x3  }
0x34: {  	[smem:$0x3FAE] =	sst s10  }
0x35: {  	s10 =	sld [smem:$0x3FAD];
	_ =	sdelay $0x3  }
0x36: {  	p1 =	seq.s32 s10, $0x1;
	s10 =	sld [smem:$0x3FAE];
	_ =	sdelay $0x3  }
0x37: {  	[smem:$0x3FAE] =	sst s10  }
0x38: {  	s10 =	sld [smem:$0x3FAF]  }
0x39: {  	_ = 	snop;
	(pc) =	sbr.ind lr, $3  }
0x3a: {  	_ = 	snop  }
0x3b: {  	_ = 	snop  }
0x3c: {  	p2 =	seq.s32 s10, $0x1;
	s10 =	sld [smem:$0x3FAE]  }
0x3d: {  	_ =	shalt  }
0x3e: {  	_ =	shalt  }
0x3f: {  	_ =	shalt  }
0x40: {  	_ =	shalt  }
0x41: {  	_ =	shalt  }
0x42: {  	_ =	shalt  }
0x43: {  	_ =	shalt  }
0x44: {  	_ =	shalt  }
0x45: {  	_ =	shalt  }
0x46: {  	_ =	shalt  }
0x47: {  	_ =	shalt  }
0x48: {  	_ =	shalt  }
0x49: {  	_ =	shalt  }
0x4a: {  	_ =	shalt  }
0x4b: {  	_ =	shalt  }
0x4c: {  	_ =	shalt  }
0x4d: {  	_ =	shalt  }
0x4e: {  	_ =	shalt  }
0x4f: {  	_ =	shalt  }
0x50: {  	_ =	shalt  }
0x51: {  	_ =	shalt  }
0x52: {  	_ =	shalt  }
0x53: {  	_ =	shalt  }
0x54: {  	_ =	shalt  }
0x55: {  	_ =	shalt  }
0x56: {  	_ =	shalt  }
0x57: {  	_ =	shalt  }
0x58: {  	_ =	shalt  }
0x59: {  	_ =	shalt  }
0x5a: {  	_ =	shalt  }
0x5b: {  	_ =	shalt  }
0x5c: {  	_ =	shalt  }
0x5d: {  	_ =	shalt  }
0x5e: {  	_ =	shalt  }
0x5f: {  	_ =	shalt  }
0x60: {  	_ =	shalt  }
0x61: {  	_ =	shalt  }
0x62: {  	_ =	shalt  }
0x63: {  	_ =	shalt  }
0x64: {  	_ =	shalt  }
0x65: {  	_ =	shalt  }
0x66: {  	_ =	shalt  }
0x67: {  	_ =	shalt  }
0x68: {  	_ =	shalt  }
0x69: {  	_ =	shalt  }
0x6a: {  	_ =	shalt  }
0x6b: {  	_ =	shalt  }
0x6c: {  	_ =	shalt  }
0x6d: {  	_ =	shalt  }
0x6e: {  	_ =	shalt  }
0x6f: {  	_ =	shalt  }
0x70: {  	_ =	shalt  }
0x71: {  	_ =	shalt  }
0x72: {  	_ =	shalt  }
0x73: {  	_ =	shalt  }
0x74: {  	_ =	shalt  }
0x75: {  	_ =	shalt  }
0x76: {  	_ =	shalt  }
0x77: {  	_ =	shalt  }
0x78: {  	_ =	shalt  }
0x79: {  	_ =	shalt  }
0x7a: {  	_ =	shalt  }
0x7b: {  	_ =	shalt  }
0x7c: {  	_ =	shalt  }
0x7d: {  	_ =	shalt  }
0x7e: {  	_ =	shalt  }
0x7f: {  	_ =	shalt  }
0x80: {  	_ =	shalt  }
0x81: {  	_ =	shalt  }
0x82: {  	_ =	shalt  }
0x83: {  	_ =	shalt  }
0x84: {  	_ =	shalt  }
0x85: {  	_ =	shalt  }
0x86: {  	_ =	shalt  }
0x87: {  	_ =	shalt  }
.Lfunc_end0:
.L_simem_size_0:
called_computation_lowered:
.L_overlay_start_0:
0x88: {  	s0 =	sld [smem:$0x3FD9]  }
0x89: {  	s1 =	sld [smem:$0x3FFE];
	_ =	sdelay $0x3  }
0x8a: {  	s0 =	sadd.s32 s1, s0  }
0x8b: {  	[smem:$0x3FBA] =	sst s0  }
0x8c: {  	_ = 	snop  }
0x8d: {  	s0 =	sld [smem:$0x3FD0];
	(tm) =	ssettm $0x1  }
0x8e: {  	s16 =	sld [smem:$0x3FFB];
	_ =	sdelay $0x3  }
0x8f: {  	_ =	strace s16  }
0x90: {  	s1 =	sld [smem:$0x3FFC];
	_ =	sdelay $0x3  }
0x91: {  	_ =	strace s1  }
0x92: {  	s1 =	sld [smem:$0x3FFD];
	_ =	sdelay $0x3  }
0x93: {  	_ =	strace s1  }
0x94: {  	_ =	strace $0x8FFFFFFF  }
0x95: {  	s17 =	sld [smem:$0x3FDB];
	_ =	sdelay $0x1  }
0x96: {  	s2 =	simm.s32 $_scs_section_size  }
0x97: {  	s3 =	simm.s32 $_size__tile_overlayer_lowered;
	s4 =	simm.s32 $_tile_overlayer_lowered  }
0x98: {  	s20 =	simm.s32 $0x1BFF;
	s19 =	sshll.u32 s4, $0x1;
	s1 =	sadd.s32 s2, s17  }
0x99: {  	s5 =	simm.s32 $0x0;
	s18 =	sshll.u32 s3, $0x1;
	s3 =	sadd.s32 s19, s1  }
0x9a: {  	[timem:s5], [sflag:s20] =	dma.local [hbm:s3], s18  }
0x9b: {  	_ =	swait.ge [sflag:s20], s18  }
0x9c: {  	s2 =	ssub.s32 $0x0, s18;
	[sflag:s20] =	ssyncset.done $0x0  }
0x9d: {  	[sflag:s20] =	ssyncadd.s32 s2;
	_ =	sdelay $0x1  }
0x9e: {  	s21 =	simm.s32 $0x1B8B  }
0x9f: {  	_ =	swait.ge [sflag:s21], $0x1  }
0xa0: {  	[sflag:s21] =	ssyncset.done $0x0  }
0xa1: {  	s23 =	simm.s32 $0x1B8E;
	s22 =	sld [smem:$0x3FFE];
	[sflag:s21] =	ssyncadd.s32 $0xFFFFFFFF  }
0xa2: {  	s24 =	simm.s32 $execute0_lowered;
	[smem:$0x3FD2] =	sst s23  }
0xa3: {  	s3 =	sshll.u32 s24, $0x1;
	_ =	strace $0x80000046;
	[dreg:$0x1] =	wrdreg $0xFFFFFFFF  }
0xa4: {  	s25 =	simm.s32 $_size_execute0_lowered;
	s1 =	sadd.s32 s1, s3;
	[dreg:$0x0] =	wrdreg $0x0  }
0xa5: {  	s3 =	sshll.u32 s25, $0x1;
	[dreg:$0x2] =	wrdreg s1  }
0xa6: {  	[dreg:$0x3] =	wrdreg s3  }
0xa7: {  	[dreg:$0x4] =	wrdreg $0xC0  }
0xa8: {  	_ =	task [dreg:s5], $0x5FFFF  }
0xa9: {  	[dreg:$0x1] =	wrdreg $0xFFFFFFFF  }
0xaa: {  	[dreg:$0x0] =	wrdreg $0x60  }
0xab: {  	[dreg:$0x2] =	wrdreg s22  }
0xac: {  	[dreg:$0x3] =	wrdreg s0  }
0xad: {  	[dreg:$0x4] =	wrdreg $0x9  }
0xae: {  	_ =	task.clear_ibuf [dreg:s5], $0x5FFFF;
	_ =	strace $0x90000046  }
0xaf: {  	s26 =	simm.s32 $0x9;
	_ =	strace $0x80000048  }
0xb0: {  	_ =	swait.ge [sflag:s26], $0x1  }
0xb1: {  	[sflag:s26] =	ssyncadd.s32 $0xFFFFFFFF  }
0xb2: {  	_ =	strace $0x90000048  }
0xb3: {  	_ =	sfence  }
0xb4: {  	s28 =	sld [smem:$0x0];
	_ =	sdelay $0x1  }
0xb5: {  	s29 =	srdreg.scid  }
0xb6: {  	s30 =	sshll.u32 s29, $0xD;
	s31 =	sshrl.u32 s29, $0x2  }
0xb7: {  	s2 =	sand.u32 $0x4000, s30;
	s1 =	sand.u32 $0x1, s29;
	s0 =	sadd.s32 s31, s28  }
0xb8: {  	s1 =	sor.u32 s2, s1;
	s0 =	sshll.u32 s0, $0x11  }
0xb9: {  	s0 =	sor.u32 s0, s1  }
0xba: {  	s0 =	sadd.s32 $0x8F2B, s0  }
0xbb: {  	[sflag:s0] =	ssyncadd.remote.s32 $0x1  }
0xbc: {  	_ =	sfence.sel $0xFFFF  }
0xbd: {  	[dreg:$0x0] =	wrdreg $0xFFFFFFFF;
	(pc) =	sbr.abs _section_cstart, $3  }
0xbe: {  	[dreg:$0x1] =	wrdreg $0xFFFFFFFF  }
0xbf: {  	_ =	task.clear_ibuf [dreg:s5], $0x2FFFF;
	_ =	strace $0x9FFFFFFF  }
0xc0: {  	(tm) =	ssettm $0x7FFFFFFF  }
0xc1: {  	_ =	shalt  }
tec
execute0_lowered:
.L_overlay_start_1:
0x0: {  	(tag) =	ssettag $0x1  }
0x1: {  	s0 =	rddreg [dreg:$0x0]  }
0x2: {  	s3 =	rddreg [dreg:$0x1];
	s14 =	stileid.u32  }
0x3: {  	_ =	strace $0x80000047;
	s2 =	simm.s32 $0x1;
	s1 =	smin.u32 s14, $0x4  }
0x4: {  	v1 =	vimm.s32 $0xFFFFFFFF;
	[sflag:s2] =	ssyncpa.u1 $0x0;
	s1 =	sadd.s32 s14, s1  }
0x5: {  	p0 =	slt.u32 s14, $0x4;
	[tilespmem:$0x10] =	vst v1;
	s4 =	smul.u32 $0x1F40, s1;
	s1 =	simm.s32 $0x3E80  }
0x6: {  	v0 =	vimm.f32 $0.0e+00;
	[tilespmem:$0x20] =	vst v1;
	s1 =	simm.s32 @!p0 $0x1F40  }
0x7: {  	[tilespmem:$0x30] =	vst v0;
	s1 =	sadd.s32 s1, s4  }
0x8: {  	[tilespmem:$0x40] =	vst v0;
	s5 =	smin.u32 s1, $0x27100  }
0x9: {  	[tilespmem:$0x50] =	vst v0;
	s9 =	ssub.s32 s5, s4  }
0xa: {  	s7 =	simm.s32 $0x2;
	[tilespmem:$0x60] =	vst v1;
	p0 =	sgt.s32 s9, $0x0  }
0xb: {  	s8 =	simm.s32 $0x8;
	s31 =	simm.s32 $0x9;
	[tilespmem:$0x70] =	vst v1;
	s9 =	simm.s32 @!p0 $0x0  }
0xc: {  	s16 =	simm.s32 $0x0;
	s17 =	simm.s32 $0xF0;
	[tilespmem:$0x80] =	vst v1;
	s30 =	smulhi.u32 $0x10624DD3, s9  }
0xd: {  	s18 =	simm.s32 $0xFFFFFFFF;
	s19 =	simm.s32 $0xFFFFC280;
	s20 =	simm.s32 $0xFFFFFFFE;
	v1 =	vimm.s32 $0x0;
	[tilespmem:$0xB0] =	vst v0  }
0xe: {  	s21 =	simm.s32 $0xF;
	s25 =	simm.s32 $0x0;
	[tilespmem:$0x90] =	vst v1;
	s10 =	sshrl.u32 s30, $0x9  }
0xf: {  	[tilespmem:$0xA0] =	vst v1;
	[sflag:s7] =	ssyncpa.u1 $0x0;
	s7 =	simm.s32 $0x7;
	s11 =	smul.u32 $0x1F40, s10  }
0x10: {  	s24 =	simm.s32 $0x0;
	s6 =	sadd.s32 $0x27EC00, s0;
	[sflag:s7] =	ssyncpa.u1 $0x0  }
.Ltmp0:
0x11: {  	[sflag:s8] =	ssyncpa.u1 $0x0;
	p0 =	sne.s32 s9, s11;
	(pc) =	sbr.rel .LBB2_1-.Ltmp0, $4  }
0x12: {  	s23 =	smov.u32 s4;
	s1 =	sadd.s32 $0x4F4E00, s0;
	s2 =	simm.s32 @!p0 $0x0  }
0x13: {  	[sflag:s31] =	ssyncpa.u1 $0x0;
	p0 =	por $0x0, $0x0;
	s9 =	sadd.s32 s2, s10  }
0x14: {  	vm0 =	vmmov $0xffff;
	v2 =	vlaneseq.u32;
	s10 =	sshll.u32 s14, $0x1;
	s14 =	sshllo.u32 s14, $0x1;
	s11 =	sadd.s32 $0x1, s9  }
0x15: {  	vm1 =	vmxor vm1, vm1;
	vm2 =	vmmov $0x1;
	vm3 =	vcmask $0x3F3C;
	s12 =	sadd.s32 $0x2, s9;
	s13 =	sor.u32 $0x81, s10;
	s15 =	sor.u32 $0x80, s10  }
.LBB2_9:
0x16: {  	p1 =	slt.u32 s24, $0x3  }
0x17: {  	s0 =	simm.s32 @!p1 $0x2  }
0x18: {  	_ =	swait.ge @!p1 [sflag:s0], $0x1F40  }
0x19: {  	[sflag:s0] =	ssyncset.done @!p1 $0x0  }
0x1a: {  	[sflag:s0] =	ssyncadd.s32 @!p1 $0xFFFFE0C0;
	s0 =	simm.s32 @!p1 $0x9  }
0x1b: {  	_ =	swait.ge @!p1 [sflag:s0], $0x10  }
0x1c: {  	[sflag:s0] =	ssyncset.done @!p1 $0x0  }
0x1d: {  	[sflag:s0] =	ssyncadd.s32 @!p1 $0xFFFFFFF0;
	p1 =	sne.s32 s24, s12  }
.Ltmp1:
0x1e: {  	s2 =	sadd.s32 $0x1F40, s23;
	(pc) =	sbr.rel @!p1 .LBB2_10-.Ltmp1, $4  }
0x1f: {  	s22 =	smov.u32 s4;
	s31 =	sadd.s32 $0x1, s24;
	s17 =	sadd.s32 $0x1F40, s17  }
0x20: {  	s18 =	sadd.s32 $0x1, s18;
	s25 =	smov.u32 s23;
	p2 =	slt.s32 s2, s5  }
0x21: {  	p0 =	por !p0, !p0;
	s19 =	sadd.s32 $0x1F40, s19;
	s22 =	smov.u32 @p2 s2  }
0x22: {  	s20 =	sadd.s32 $0x1, s20;
	s23 =	smov.u32 s22;
	s24 =	smov.u32 s31  }
.LBB2_1:
0x23: {  	p1 =	sge.u32 s24, s9  }
0x24: {  	s0 =	smulhi.u32 @!p1 $0xAAAAAAAB, s24;
	_ =	sdelay $0x1  }
0x25: {  	s0 =	sshrl.u32 @!p1 s0, $0x1  }
0x26: {  	s0 =	smul.u32 @!p1 $0x3, s0;
	_ =	sdelay $0x1  }
0x27: {  	s0 =	ssub.s32 @!p1 s24, s0  }
0x28: {  	s0 =	smul.u32 @!p1 $0x7D00, s0;
	_ =	sdelay $0x1  }
0x29: {  	s2 =	sshrl.u32 @!p1 s23, $0x3;
	s0 =	sshrl.u32 @!p1 s0, $0x2  }
0x2a: {  	s22 =	sand.u32 @!p1 $0x7, s23;
	s2 =	sadd.s32 @!p1 s3, s2;
	s0 =	sadd.s32 @!p1 $0x100, s0  }
0x2b: {  	[tilespmem:s0], [sflag:$0x7] =	stream.linear.gather @!p1 [hbm4b:s2+s22], $0x1F40, $0x38;
	[tilespmem:$0x11A60] =	vst v63  }
0x2c: {  	s0 =	sadd.s32 $0xFFFFFFFF, s24  }
0x2d: {  	p1 =	sge.u32 s0, s9  }
.Ltmp2:
0x2e: {  	_ = 	snop;
	(pc) =	sbr.rel @p1 .LBB2_5-.Ltmp2, $1  }
0x2f: {  	_ =	sdelay $0x3  }
0x30: {  	s2 =	smulhi.u32 $0xAAAAAAAB, s0;
	_ =	sdelay $0x1  }
0x31: {  	s2 =	sshrl.u32 s2, $0x1  }
0x32: {  	s2 =	smul.u32 $0x3, s2;
	_ =	sdelay $0x1  }
0x33: {  	s2 =	ssub.s32 s0, s2  }
0x34: {  	s2 =	smul.u32 $0x7D00, s2  }
0x35: {  	_ =	swait.ge [sflag:s7], $0x1F40  }
0x36: {  	[sflag:s7] =	ssyncset.done $0x0;
	s2 =	sshrl.u32 s2, $0x2  }
0x37: {  	[sflag:s7] =	ssyncadd.s32 $0xFFFFE0C0;
	(ifvalue) =	ssetifvalue $0xFFFFFFFF;
	v3 =	vld.msk [tilespmem:s2+$0x100 ss:$0x1], $0xffff;
	_ =	sdelay $0x2  }
0x38: {  	s30 =	smulhi.u32 $0xAAAAAAAB, s18;
	p1 =	sne.s32 s24, $0x1  }
0x39: {  	v4 =	vimm.s32 @!p1 $0x0  }
0x3a: {  	s2 =	sshrl.u32 s30, $0x1;
	v4 =	vperm.xlane @!p1 v3, v4  }
0x3b: {  	s22 =	sshll.u32 s24, $0x4;
	s2 =	smul.u32 $0xFFFE8900, s2;
	vm4 =	vlt.u32 v3, $0x2800  }
0x3c: {  	s22 =	sand.u32 $0x10, s22;
	v3 =	vnsel vm4, $0xFFFFFFFE, v3;
	vm4 =	vlt.u32 @!p1 v4, $0x2800  }
0x3d: {  	s2 =	sshra.s32 s2, $0x2;
	[tilespmem:s22+$0x60] =	vst v3;
	v3 =	vnsel @!p1 vm4, $0xFFFFFFFE, v4  }
0x3e: {  	s28 =	sadd.s32 s2, s17;
	[tilespmem:$0x80] =	vst @!p1 v3  }
0x3f: {  	v3 =	vld.msk [tilespmem:s28+$0x0 ss:$0x1], $0xffff;
	_ =	sdelay $0x4  }
0x40: {  	(xrf1) =	vunique.msk.u32 $0xffff, v3;
	_ =	sdelay $0xd  }
0x41: {  	v4 =	vimm.s32 $0xFFFFFFFF;
	v5, _, _ =	vpop (xrf1)  }
0x42: {  	vm5 =	vne.s32 v3, v4;
	vm4 =	veq.s32 v5, v2  }
0x43: {  	vm6 =	vlt.u32 v3, $0x2800;
	vm4 =	vmand vm5, vm4  }
0x44: {  	vm4 =	vmand vm6, vm4  }
0x45: {  	v4 =	vnsel vm4, $0xFFFFFFFF, v3  }
0x46: {  	s31 =	sand.u32 $0x1, s0  }
0x47: {  	s0 =	simm.s32 $0x1F40;
	p1 =	seq.s32 s31, $0x1  }
0x48: {  	s0 =	simm.s32 @!p1 $0x0  }
0x49: {  	s26 =	sadd.s32 $0x7DF0, s0;
	(ifvalue) =	ssetifvalue $0xFFFFFFFF  }
0x4a: {  	v3 =	vperm.xlane v3, v1;
	[tilespmem:s26], [sflag:$0x8] =	stream.indirect_vreg.gather [hbm4b:s1+s16], $0x1, v4, vm0, $0x4038;
	v4 =	vnsel vm6, $0xFFFFFFFE, v4;
	[tilespmem:$0x11A60] =	vst v63  }
0x4b: {  	s2 =	simm.s32 $0x0;
	s22 =	sadd.s32 $0xFFFFFFF0, s28;
	[tilespmem:s28+$0x0] =	vst v4  }
.LBB2_3:
0x4c: {  	v4 =	vld.msk [tilespmem:s22+$0x0 ss:$0x1], $0xffff;
	s2 =	sadd.s32 $0x10, s2;
	v5 =	vmov v3;
	s28 =	smov.u32 s22  }
0x4d: {  	p1 =	slt.u32 s2, $0x1F30;
	_ =	sdelay $0x4  }
0x4e: {  	v3 =	vperm.xlane v4, v1;
	(xrf1) =	vunique.msk.u32 $0xffff, v4;
	_ =	sdelay $0xd  }
0x4f: {  	v6, _, _ =	vpop (xrf1)  }
0x50: {  	vm5 =	vne.s32 v4, v5;
	vm4 =	veq.s32 v6, v2  }
0x51: {  	vm6 =	vlt.u32 v4, $0x2800;
	vm4 =	vmand vm5, vm4  }
0x52: {  	vm4 =	vmand vm6, vm4  }
0x53: {  	v4 =	vnsel vm4, $0xFFFFFFFF, v4  }
.Ltmp3:
0x54: {  	v5 =	vnsel vm6, $0xFFFFFFFE, v4;
	(pc) =	sbr.rel @p1 .LBB2_3-.Ltmp3, $3  }
0x55: {  	_ =	sdelay $0x1  }
0x56: {  	s22 =	sadd.s32 $0xFFFFFFF0, s22;
	s26 =	sadd.s32 $0xFFFFFFF0, s26;
	(ifvalue) =	ssetifvalue $0xFFFFFFFF  }
0x57: {  	[tilespmem:s26], [sflag:$0x8] =	stream.indirect_vreg.gather [hbm4b:s1+s16], $0x1, v4, vm0, $0x4038;
	[tilespmem:s28+$0x0] =	vst v5  }
0x58: {  	s2 =	sshrl.u32 s25, $0x3  }
0x59: {  	s0 =	sadd.s32 $0x9D40, s0;
	s2 =	sadd.s32 s6, s2  }
0x5a: {  	[tilespmem:s0], [sflag:$0x8] =	stream.linear.gather [hbm:s2], $0x1F40, $0x38;
	[tilespmem:$0x11A60] =	vst v63  }
.LBB2_5:
0x5b: {  	p1 =	slt.u32 s24, $0x2  }
0x5c: {  	p2 =	sge.u32 @!p1 s24, s12  }
0x5d: {  	p1 =	por p1, p2  }
.Ltmp4:
0x5e: {  	_ = 	snop;
	(pc) =	sbr.rel @p1 .LBB2_9-.Ltmp4, $1  }
0x5f: {  	_ =	sdelay $0x3  }
0x60: {  	s0 =	sadd.s32 $0xFFFFFFFE, s24  }
0x61: {  	s2 =	smulhi.u32 $0xAAAAAAAB, s0;
	_ =	sdelay $0x1  }
0x62: {  	s2 =	sshrl.u32 s2, $0x1  }
0x63: {  	s2 =	smul.u32 $0x3, s2;
	_ =	sdelay $0x1  }
0x64: {  	s0 =	ssub.s32 s0, s2  }
0x65: {  	_ =	swait.ge [sflag:s8], $0x3E80;
	s0 =	smul.u32 $0x1F40, s0  }
0x66: {  	p1 =	sne.s32 s24, s11;
	[sflag:s8] =	ssyncset.done $0x0  }
0x67: {  	[sflag:s8] =	ssyncadd.s32 $0xFFFFC180;
	s2 =	sadd.s32 @!p1 $0x203F, s0  }
0x68: {  	[spmem:s13] =	stream.linear.scatter @!p1 [tilespmem:s2], [sflag:$0x1], $0x1, $0x38;
	[tilespmem:$0x11A60] =	vst v63  }
0x69: {  	s2 =	simm.s32 @!p1 $0x1  }
0x6a: {  	_ =	swait.ge @!p1 [sflag:s2], $0x1  }
0x6b: {  	s22 =	sshll.u32 s24, $0x4;
	[sflag:s2] =	ssyncset.done @!p1 $0x0  }
0x6c: {  	s25 =	sand.u32 $0x10, s22;
	[sflag:s2] =	ssyncadd.s32 @!p1 $0xFFFFFFFF  }
0x6d: {  	s2 =	sxor.u32 $0x10, s25;
	v4 =	vld [tilespmem:s25+$0x10]  }
0x6e: {  	v5 =	vld [tilespmem:s2+$0x60]  }
0x6f: {  	v3 =	vld [tilespmem:$0x80];
	_ =	sdelay $0x2  }
0x70: {  	(v2sf) =	vpush v4, $0x0  }
0x71: {  	(v2sf) =	vpush v5, $0x0  }
0x72: {  	(v2sf) =	vpush v3, $0x0;
	_ =	sdelay $0xc  }
0x73: {  	s22 =	spop (v2sf)  }
0x74: {  	s26 =	spop (v2sf)  }
0x75: {  	s28 =	spop (v2sf)  }
0x76: {  	p2 =	seq.s32 s22, s26;
	p3 =	seq.s32 s28, s22  }
0x77: {  	p3 =	por p2, p3  }
0x78: {  	s26 =	sand.u32 $0x1, s24;
	v4 =	vpsel p3, $0xFFFFFFFF, v4  }
0x79: {  	s29 =	smul.u32 $0x1F40, s26;
	[tilespmem:s25+$0x10] =	vst.msk $0x1, v4  }
0x7a: {  	v4 =	vld [tilespmem:$0x30]  }
0x7b: {  	v5 =	vld [tilespmem:s29+$0x9D40]  }
0x7c: {  	v6 =	vld [tilespmem:s25+$0x40];
	_ =	sdelay $0x3  }
0x7d: {  	vm4 =	vmmov vm1;
	v5 =	vadd.f32 v5, v4  }
0x7e: {  	vm5 =	vmmov vm2;
	vm4 =	vmmov @p2 vm2;
	s22 =	sshll.u32 s26, $0x4;
	v4 =	vadd.f32 v6, v4  }
0x7f: {  	s26 =	sor.u32 $0x11A40, s22;
	vm5 =	vmmov @p3 vm1;
	[tilespmem:s29+$0x9D40] =	vst.msk vm4, v5  }
0x80: {  	[tilespmem:s26+$0x0] =	vst.msk vm5, v4  }
0x81: {  	v4 =	vld [tilespmem:s29+$0x7DF0];
	_ =	sdelay $0x3  }
0x82: {  	v5 =	vimm.f32 $0.0e+00  }
0x83: {  	v4 =	vshift.insert v4, v5, s21  }
0x84: {  	s22 =	sor.u32 $0x40, s2  }
0x85: {  	[tilespmem:s22+$0x0] =	vst.msk $0x1, v4  }
0x86: {  	[tilespmem:s29+$0x7DFF] =	vst.msk $0x1, v5  }
0x87: {  	v4 =	vld [tilespmem:s0+$0x2030];
	_ =	sdelay $0x1  }
0x88: {  	s22 =	smulhi.u32 $0xAAAAAAAB, s20;
	s0 =	simm.s32 $0x1  }
0x89: {  	s0 =	simm.s32 @!p0 $0x0  }
0x8a: {  	s22 =	sshrl.u32 s22, $0x1;
	s0 =	smul.u32 $0x7D00, s0  }
0x8b: {  	s22 =	smul.u32 $0xFFFE8900, s22;
	v4 =	vshift.insert v4, v1, s21  }
0x8c: {  	s0 =	sshrl.u32 s0, $0x2  }
0x8d: {  	s22 =	sshra.s32 s22, $0x2;
	s30 =	sadd.s32 $0x9D40, s0;
	[tilespmem:s2+$0x10] =	vst.msk $0x1, v4  }
0x8e: {  	s22 =	sadd.s32 s22, s19;
	v6 =	vld [tilespmem:s30+$0x0]  }
0x8f: {  	v7 =	vld [tilespmem:s22+$0x0];
	_ =	sdelay $0x3  }
0x90: {  	v5 =	vadd.f32 v6, v5  }
0x91: {  	vm4 =	vne.s32 v7, $0xFFFFFFFF  }
0x92: {  	(xrf2) =	vadd.seg.scan.f32 vm4, v5;
	_ =	sdelay $0x3  }
0x93: {  	s31 =	sadd.s32 $0x5EC0, s0;
	v5 =	vperm.xlane v4, v1  }
0x94: {  	v6 =	vld [tilespmem:s31+$0x0]  }
0x95: {  	vm5 =	veq.s32 v7, v3;
	vm6 =	veq.s32 v7, v5  }
0x96: {  	vm7 =	vgt.u32 v7, $0xFFFFFFFD;
	vm6 =	vmor vm6, vm5  }
0x97: {  	vm6 =	vmor vm6, vm7  }
0x98: {  	v9 =	vld [tilespmem:$0xA0];
	v7 =	vsel vm6, $0xFFFFFFFF, v7  }
0x99: {  	v10 =	vld [tilespmem:$0x90];
	v6 =	vsel vm5, $0x0, v6;
	v8, _, _ =	vpop (xrf2)  }
0x9a: {  	v6 =	vadd.f32 v8, v6  }
0x9b: {  	s0 =	sadd.s32 $0xDBC0, s0  }
0x9c: {  	vm4 =	vmand vm4, vm3;
	[tilespmem:s0+$0x0] =	vst v6;
	(ifvalue) =	ssetifvalue $0xFFFFFFFF  }
0x9d: {  	vm6 =	veq.s32 v9, $0x1;
	[hbm4b:s1+s16] =	stream.indirect_vreg.scatter [tilespmem:s0], [sflag:$0x2], $0x1, v7, vm0, $0x4038;
	v7 =	vsel vm4, $0x0, v8;
	[tilespmem:$0x11A60] =	vst v63  }
0x9e: {  	s2 =	simm.s32 $0x0;
	s22 =	sadd.s32 $0x10, s22;
	vm4 =	vmor vm6, vm5;
	v6 =	vsel vm5, v8, v10;
	v7 =	vshift.insert v7, v0, s21  }
.LBB2_7:
0x9f: {  	v8 =	vld [tilespmem:s22+$0x0];
	s30 =	sadd.s32 $0x10, s30  }
0xa0: {  	s31 =	sadd.s32 $0x10, s31;
	v9 =	vld [tilespmem:s30+$0x0]  }
0xa1: {  	s2 =	sadd.s32 $0x10, s2;
	v10 =	vld [tilespmem:s31+$0x0]  }
0xa2: {  	p2 =	slt.u32 s2, $0x1F30;
	_ =	sdelay $0x2  }
0xa3: {  	v7 =	vadd.f32 v9, v7  }
0xa4: {  	vm5 =	vne.s32 v8, $0xFFFFFFFF  }
0xa5: {  	vm6 =	vmand vm5, vm3;
	(xrf2) =	vadd.seg.scan.f32 vm5, v7;
	_ =	sdelay $0x5  }
0xa6: {  	vm7 =	veq.s32 v8, v5;
	vm5 =	veq.s32 v8, v3  }
0xa7: {  	vm8 =	vgt.u32 v8, $0xFFFFFFFD;
	vm4 =	vmor vm4, vm5;
	vm7 =	vmor vm7, vm5  }
0xa8: {  	vm7 =	vmor vm7, vm8  }
0xa9: {  	v8 =	vsel vm7, $0xFFFFFFFF, v8  }
.Ltmp5:
0xaa: {  	v7 =	vsel vm5, $0x0, v10;
	v9, _, _ =	vpop (xrf2);
	(pc) =	sbr.rel @p2 .LBB2_7-.Ltmp5, $4  }
0xab: {  	v6 =	vsel vm5, v9, v6;
	v10 =	vadd.f32 v9, v7;
	v7 =	vsel vm6, $0x0, v9  }
0xac: {  	s0 =	sadd.s32 $0x10, s0;
	v7 =	vshift.insert v7, v0, s21  }
0xad: {  	s22 =	sadd.s32 $0x10, s22;
	[tilespmem:s0+$0x0] =	vst v10;
	(ifvalue) =	ssetifvalue $0xFFFFFFFF  }
0xae: {  	[hbm4b:s1+s16] =	stream.indirect_vreg.scatter [tilespmem:s0], [sflag:$0x2], $0x1, v8, vm0, $0x4038;
	[tilespmem:$0x11A60] =	vst v63  }
0xaf: {  	v3 =	vld [tilespmem:s29+$0xFAF0];
	_ =	sdelay $0x4  }
0xb0: {  	v3 =	vshift.insert v3, v0, s21  }
0xb1: {  	s0 =	simm.s32 $0x30  }
0xb2: {  	[tilespmem:s0+$0x0] =	vst.msk $0x1, v3  }
0xb3: {  	v3 =	vsel vm4, $0x1, v1;
	[tilespmem:$0x90] =	vst v6  }
0xb4: {  	s0 =	sadd.s32 @!p1 $0xFAFF, s29;
	[tilespmem:$0xA0] =	vst v3  }
0xb5: {  	[spmem:s14] =	stream.linear.scatter @!p1 [tilespmem:s0], [sflag:$0x1], $0x1, $0x38;
	[tilespmem:$0x11A60] =	vst v63  }
0xb6: {  	s0 =	simm.s32 @!p1 $0x1  }
0xb7: {  	v3 =	vmctz.xlane @!p1 vm4;
	_ =	swait.ge @!p1 [sflag:s0], $0x1  }
0xb8: {  	(v2sf) =	vpush @!p1 v4, $0x0  }
0xb9: {  	(v2sf) =	vpush @!p1 v3, $0x0;
	_ =	sdelay $0xd  }
0xba: {  	s2 =	spop @!p1 (v2sf)  }
0xbb: {  	s22 =	spop @!p1 (v2sf)  }
0xbc: {  	p2 =	sne.s32 @!p1 s28, s2;
	p3 =	slt.s32 @!p1 s22, $0xF  }
0xbd: {  	[sflag:s0] =	ssyncset.done @!p1 $0x0;
	p2 =	por p2, p1;
	p3 =	por !p3, p1  }
0xbe: {  	[sflag:s0] =	ssyncadd.s32 @!p1 $0xFFFFFFFF;
	v3 =	vimm.s32 @!p2 $0xFFFFFFFF;
	s22 =	simm.s32 @p3 $0xF  }
0xbf: {  	[tilespmem:$0x80] =	vst @!p2 v3;
	s2 =	sadd.s32 @!p1 $0x90, s22  }
0xc0: {  	[spmem:s10] =	stream.linear.scatter @!p1 [tilespmem:s2], [sflag:$0x1], $0x1, $0x38;
	[tilespmem:$0x11A60] =	vst v63  }
0xc1: {  	_ =	swait.ge @!p1 [sflag:s0], $0x1  }
0xc2: {  	[sflag:s0] =	ssyncset.done @!p1 $0x0  }
0xc3: {  	s2 =	simm.s32 @!p1 $0x80;
	[sflag:s0] =	ssyncadd.s32 @!p1 $0xFFFFFFFF  }
0xc4: {  	[spmem:s15] =	stream.linear.scatter @!p1 [tilespmem:s2], [sflag:$0x1], $0x1, $0x38;
	[tilespmem:$0x11A60] =	vst v63  }
0xc5: {  	_ =	swait.ge @!p1 [sflag:s0], $0x1  }
0xc6: {  	[sflag:s0] =	ssyncset.done @!p1 $0x0  }
0xc7: {  	[sflag:s0] =	ssyncadd.s32 @!p1 $0xFFFFFFFF;
	(ifvalue) =	ssetifvalue $0xFFFFFFFF;
	v3 =	vld [tilespmem:s25+$0x10];
	_ =	sdelay $0x3  }
.Ltmp6:
0xc8: {  	_ = 	snop;
	(pc) =	sbr.rel .LBB2_9-.Ltmp6, $3  }
0xc9: {  	_ =	sdelay $0x1  }
0xca: {  	(ifvalue) =	ssetifvalue $0xFFFFFFFF  }
0xcb: {  	[hbm4b:s1+s16] =	stream.indirect_vreg.scatter [tilespmem:s26], [sflag:$0x9], $0x1, v3, vm0, $0x4038;
	[tilespmem:$0x11A60] =	vst v63  }
.LBB2_10:
0xcc: {  	_ =	sfence.sel $0x180000  }
0xcd: {  	s0 =	simm.s32 $0x7;
	[bflag:$0x0] =	sbarrier.arrive $0xFFFF  }
0xce: {  	s26 =	simm.s32 $0x8;
	[sflag:s0] =	ssyncpa.u1 $0x1  }
0xcf: {  	s28 =	simm.s32 $0x9;
	[sflag:s26] =	ssyncpa.u1 $0x1  }
0xd0: {  	[sflag:s28] =	ssyncpa.u1 $0x1  }
0xd1: {  	_ =	sfence.stream.spmem  }
0xd2: {  	s29 =	simm.s32 $0x3;
	[bflag:$0x0] =	sbarrier.arrive $0xFFFF  }
0xd3: {  	s30 =	simm.s32 $0x4;
	[sflag:s29] =	ssyncpa.u1 $0x1  }
0xd4: {  	s31 =	simm.s32 $0x3C;
	s2 =	stileid.u32;
	[sflag:s30] =	ssyncpa.u1 $0x1  }
0xd5: {  	p0 =	sne.s32 s2, $0x0;
	[sflag:s31] =	ssyncpa.u1 $0x1  }
0xd6: {  	s0 =	simm.s32 @p0 $0x1;
	_ =	sfence @p0  }
0xd7: {  	[sflag:s0] =	ssyncpa.u1 @p0 $0x1;
	s0 =	simm.s32 @p0 $0x2  }
0xd8: {  	[sflag:s0] =	ssyncpa.u1 @p0 $0x1  }
0xd9: {  	_ =	strace @p0 $0x90000047  }
0xda: {  	[bflag:$0x2] =	sbarrier.arrive @p0 $0xFFFF  }
0xdb: {  	_ =	shalt @p0  }
.LBB2_11:
0xdc: {  	_ =	sfence.stream.spmem;
	s0 =	simm.s32 $0x5  }
0xdd: {  	s2 =	simm.s32 $0x80;
	s3 =	simm.s32 $0xC0;
	[sflag:s0] =	ssyncpa.u1 $0x0  }
0xde: {  	[tilespmem:s3], [sflag:$0x5] =	stream.linear.gather [spmem:s2], $0x20, $0x38;
	[tilespmem:$0x11A60] =	vst v63  }
0xdf: {  	s2 =	simm.s32 $0x0;
	s3 =	simm.s32 $0xE0  }
0xe0: {  	[tilespmem:s3], [sflag:$0x5] =	stream.linear.gather [spmem:s2], $0x20, $0x38;
	[tilespmem:$0x11A60] =	vst v63  }
.Ltmp7:
0xe1: {  	_ = 	snop;
	(pc) =	sbr.rel .LBB2_12-.Ltmp7, $4  }
0xe2: {  	_ =	swait.ge [sflag:s0], $0x40  }
0xe3: {  	[sflag:s0] =	ssyncset.done $0x0  }
0xe4: {  	s31 =	simm.s32 $0x6;
	[sflag:s0] =	ssyncadd.s32 $0xFFFFFFC0  }
0xe5: {  	s4 =	simm.s32 $0x0;
	[sflag:s31] =	ssyncpa.u1 $0x0  }
.LBB2_17:
0xe6: {  	p0 =	sgt.u32 s5, $0x27FF  }
0xe7: {  	s0 =	sshrl.u32 @!p0 s5, $0x3  }
0xe8: {  	s5 =	sand.u32 @!p0 $0x7, s5;
	s6 =	simm.s32 @!p0 $0xB0;
	s0 =	sadd.s32 @!p0 s1, s0  }
0xe9: {  	[tilespmem:s6], [sflag:$0x6] =	stream.linear.gather @!p0 [hbm4b:s0+s5], $0x1, $0x38;
	[tilespmem:$0x11A60] =	vst v63  }
0xea: {  	s0 =	simm.s32 @!p0 $0x6  }
0xeb: {  	_ =	swait.ge @!p0 [sflag:s0], $0x1  }
0xec: {  	[sflag:s0] =	ssyncset.done @!p0 $0x0  }
0xed: {  	[sflag:s0] =	ssyncadd.s32 @!p0 $0xFFFFFFFF  }
0xee: {  	v2 =	vmov @!p0 s4;
	v1 =	vld.msk @!p0 [tilespmem:$0xB0], $0x1;
	_ =	sdelay $0x3  }
0xef: {  	s0 =	simm.s32 @!p0 $0xE0  }
0xf0: {  	[tilespmem:v2+s0+$0x0], v1 =	vst.idx.ret.add.f32.msk @!p0 $0x1, v1  }
0xf1: {  	[tilespmem:s2+$0xC0] =	vst.msk $0x1, v0  }
0xf2: {  	v0 =	vld.msk [tilespmem:s4+$0xE0], $0x1;
	_ =	sdelay $0x4  }
0xf3: {  	[tilespmem:s2+$0xE0] =	vst.msk $0x1, v0;
	s2 =	sadd.s32 $0x1, s2  }
.LBB2_19:
0xf4: {  	s4 =	sadd.s32 $0x1, s4  }
0xf5: {  	p0 =	sne.s32 s4, $0x20  }
.Ltmp8:
0xf6: {  	_ = 	snop;
	(pc) =	sbr.rel @!p0 .LBB2_20-.Ltmp8, $1  }
0xf7: {  	_ =	sdelay $0x3  }
.LBB2_12:
0xf8: {  	v0 =	vld.msk [tilespmem:s4+$0xC0], $0x1;
	_ =	sdelay $0x4  }
0xf9: {  	(v2sf) =	vpush v0, $0x0;
	_ =	sdelay $0xe  }
0xfa: {  	s5 =	spop (v2sf)  }
0xfb: {  	p0 =	seq.s32 s5, $0xFFFFFFFF  }
.Ltmp9:
0xfc: {  	_ = 	snop;
	(pc) =	sbr.rel @p0 .LBB2_19-.Ltmp9, $1  }
0xfd: {  	_ =	sdelay $0x3  }
0xfe: {  	p0 =	slt.s32 s2, $0x1  }
.Ltmp10:
0xff: {  	_ = 	snop;
	(pc) =	sbr.rel @p0 .LBB2_17-.Ltmp10, $1  }
0x100: {  	_ =	sdelay $0x3  }
0x101: {  	s0 =	simm.s32 $0xC0;
	p0 =	por $0x0, $0x0  }
0x102: {  	v1 =	vld.msk @!p0 [tilespmem:s0+$0x0], $0x1;
	_ =	sdelay $0x4  }
0x103: {  	(v2sf) =	vpush @!p0 v1, $0x0;
	_ =	sdelay $0xd  }
0x104: {  	p2 =	sne.s32 s2, $0x1  }
.Ltmp11:
0x105: {  	s6 =	spop @!p0 (v2sf);
	(pc) =	sbr.rel @!p2 .LBB2_16-.Ltmp11, $4  }
0x106: {  	p1 =	seq.s32 @!p0 s5, s6  }
0x107: {  	s6 =	simm.s32 $0x0;
	p1 =	por !p1, p0  }
0x108: {  	s8 =	simm.s32 $0xFFFFFFFF;
	s6 =	simm.s32 @p1 $0xFFFFFFFF  }
0x109: {  	s7 =	simm.s32 $0x1;
	s6 =	smov.u32 @p0 s8  }
.LBB2_15:
0x10a: {  	s8 =	smov.u32 s6;
	p0 =	sne.s32 s6, $0xFFFFFFFF  }
0x10b: {  	s0 =	sadd.s32 $0x1, s0;
	s6 =	smov.u32 s7;
	s7 =	sadd.s32 $0x1, s7  }
0x10c: {  	p1 =	sne.s32 s2, s7;
	v1 =	vld.msk @!p0 [tilespmem:s0+$0x0], $0x1;
	_ =	sdelay $0x4  }
0x10d: {  	(v2sf) =	vpush @!p0 v1, $0x0;
	_ =	sdelay $0xe  }
.Ltmp12:
0x10e: {  	s9 =	spop @!p0 (v2sf);
	(pc) =	sbr.rel @p1 .LBB2_15-.Ltmp12, $4  }
0x10f: {  	p2 =	seq.s32 @!p0 s5, s9  }
0x110: {  	p2 =	por !p2, p0  }
0x111: {  	s6 =	simm.s32 @p2 $0xFFFFFFFF  }
0x112: {  	s6 =	smov.u32 @p0 s8  }
.LBB2_16:
0x113: {  	p0 =	sne.s32 s6, $0xFFFFFFFF  }
.Ltmp13:
0x114: {  	_ = 	snop;
	(pc) =	sbr.rel @!p0 .LBB2_17-.Ltmp13, $1  }
0x115: {  	_ =	sdelay $0x3  }
0x116: {  	v0 =	vld.msk [tilespmem:s4+$0xE0], $0x1;
	v1 =	vmov s6  }
.Ltmp14:
0x117: {  	_ = 	snop;
	(pc) =	sbr.rel .LBB2_19-.Ltmp14, $2  }
0x118: {  	_ =	sdelay $0x2  }
0x119: {  	[tilespmem:v1+s3+$0x0], v0 =	vst.idx.ret.add.f32.msk $0x1, v0  }
.LBB2_20:
0x11a: {  	p0 =	slt.s32 s2, $0x1  }
.Ltmp15:
0x11b: {  	_ = 	snop;
	(pc) =	sbr.rel @p0 .LBB2_24-.Ltmp15, $3  }
0x11c: {  	_ =	sdelay $0x1  }
0x11d: {  	s0 =	simm.s32 $0x6  }
0x11e: {  	s3 =	simm.s32 $0x0;
	[sflag:s0] =	ssyncpa.u1 $0x1  }
0x11f: {  	s0 =	simm.s32 $0xC0  }
0x120: {  	v0 =	vld.msk [tilespmem:s0+$0x0], $0x1;
	_ =	sdelay $0x4  }
0x121: {  	(v2sf) =	vpush v0, $0x0;
	_ =	sdelay $0xe  }
0x122: {  	s2 =	sadd.s32 $0xFFFFFFFF, s2;
	s4 =	spop (v2sf)  }
0x123: {  	p1 =	sne.s32 s2, $0x0;
	p0 =	sgt.u32 s4, $0x27FF  }
.Ltmp16:
0x124: {  	s5 =	sshrl.u32 @!p0 s4, $0x3;
	(pc) =	sbr.rel @!p1 .LBB2_23-.Ltmp16, $4  }
0x125: {  	s0 =	simm.s32 $0xE0;
	s4 =	sand.u32 @!p0 $0x7, s4;
	s5 =	sadd.s32 @!p0 s1, s5  }
0x126: {  	[hbm4b:s5+s4] =	stream.linear.scatter @!p0 [tilespmem:s0], [sflag:$0x5], $0x1, $0x38;
	[tilespmem:$0x11A60] =	vst v63  }
0x127: {  	s5 =	simm.s32 $0x0  }
0x128: {  	s4 =	simm.s32 $0xC1;
	s5 =	simm.s32 @!p0 $0x4  }
.LBB2_22:
0x129: {  	v0 =	vld.msk [tilespmem:s4+$0x0], $0x1;
	s2 =	sadd.s32 $0xFFFFFFFF, s2;
	s3 =	sadd.s32 s3, s5  }
0x12a: {  	p0 =	sne.s32 s2, $0x0;
	_ =	sdelay $0x3  }
0x12b: {  	(v2sf) =	vpush v0, $0x0;
	_ =	sdelay $0xe  }
.Ltmp17:
0x12c: {  	s6 =	spop (v2sf);
	(pc) =	sbr.rel @p0 .LBB2_22-.Ltmp17, $4  }
0x12d: {  	s5 =	simm.s32 $0x0;
	p1 =	sgt.u32 s6, $0x27FF  }
0x12e: {  	s0 =	sadd.s32 $0x1, s0;
	s5 =	simm.s32 @!p1 $0x4;
	s7 =	sshrl.u32 @!p1 s6, $0x3  }
0x12f: {  	s4 =	sadd.s32 $0x1, s4;
	s6 =	sand.u32 @!p1 $0x7, s6;
	s7 =	sadd.s32 @!p1 s1, s7  }
0x130: {  	[hbm4b:s7+s6] =	stream.linear.scatter @!p1 [tilespmem:s0], [sflag:$0x5], $0x1, $0x38;
	[tilespmem:$0x11A60] =	vst v63  }
.LBB2_23:
0x131: {  	s0 =	sadd.s32 s3, s5  }
0x132: {  	s3 =	sshrl.u32 s0, $0x2  }
.LBB2_24:
0x133: {  	s0 =	simm.s32 $0x5  }
0x134: {  	_ =	swait.ge [sflag:s0], s3  }
0x135: {  	s1 =	ssub.s32 $0x0, s3;
	[sflag:s0] =	ssyncset.done $0x0  }
0x136: {  	[sflag:s0] =	ssyncadd.s32 s1  }
0x137: {  	[sflag:s0] =	ssyncpa.u1 $0x1  }
0x138: {  	s29 =	simm.s32 $0x1;
	_ =	sfence  }
0x139: {  	s30 =	simm.s32 $0x2;
	[sflag:s29] =	ssyncpa.u1 $0x1  }
0x13a: {  	[sflag:s30] =	ssyncpa.u1 $0x1  }
0x13b: {  	_ =	strace $0x90000047  }
0x13c: {  	[bflag:$0x2] =	sbarrier.arrive $0xFFFF  }
0x13d: {  	s31 =	rddreg [dreg:$0x2]  }
0x13e: {  	s0 =	sadd.s32 $0x100000, s31  }
0x13f: {  	[sflag:s0] =	ssyncadd.tile.s32 $0x1;
	_ =	shalt  }
.Lfunc_end2:
_tile_overlayer_lowered:
.L_overlay_start_2:
0x140: {  	(tag) =	ssettag $0x2  }
0x141: {  	s0 =	rddreg [dreg:$0x0];
	s2 =	stileid.u32  }
0x142: {  	s1 =	rddreg [dreg:$0x1];
	p0 =	sne.s32 s2, $0x0  }
0x143: {  	s3 =	rddreg [dreg:$0x2];
	[bflag:$0x3] =	sbarrier.arrive $0xFFFF;
	s2 =	simm.s32 @!p0 $0x1C01  }
0x144: {  	[timem:s3], [sflag:s2] =	dma.local @!p0 [hbm:s0], s1  }
0x145: {  	s0 =	simm.s32 @!p0 $0x1  }
0x146: {  	_ =	swait.ge @!p0 [sflag:s0], s1  }
0x147: {  	s1 =	ssub.s32 @!p0 $0x0, s1;
	[sflag:s0] =	ssyncset.done @!p0 $0x0  }
0x148: {  	[sflag:s0] =	ssyncadd.s32 @!p0 s1  }
0x149: {  	[bflag:$0x3] =	sbarrier.arrive $0xFFFF  }
0x14a: {  	_ =	shalt  }

</sc_bundles>
